<compile_context>
chip_gen: v7x
topology: tpu7x:2x2x1
jax: 0.10.2.dev20260603
libtpu: 0.0.44.dev20260713+nightly
codegen_flags: <defaults>
</compile_context>

<pallas_src>
import functools

import jax
import jax.numpy as jnp
from jax import lax
from jax.experimental import pallas as pl
from jax.experimental.pallas import tpu as pltpu
from jax.experimental.pallas import tpu_sc as plsc

B, S = 4096, 200
VOCAB, D = 100000, 128
SEG = 2
L = 16
NC, NS = 2, 16
NW = NC * NS
N = B * S
ROWS_PER_W = N // NW
CHUNK = 128
N_CHUNKS = ROWS_PER_W // CHUNK

P_PER_W = 8
P_CLAMP = S - P_PER_W

_mesh = plsc.VectorSubcoreMesh(
    core_axis_name="c", subcore_axis_name="s", num_cores=NC, num_subcores=NS
)


@functools.partial(
    pl.kernel,
    out_type=jax.ShapeDtypeStruct((2 * S, D), jnp.float32),
    mesh=_mesh,
    scratch_types=[
        pltpu.VMEM((P_PER_W, D), jnp.float32),
        pltpu.VMEM((SEG, D), jnp.float32),
        pltpu.VMEM((2 * P_PER_W, D), jnp.float32),
    ],
)
def _build_comb(pos_hbm, seg_hbm, comb_hbm, pos_v, seg_v, comb_v):
    wid = lax.axis_index("s") * NC + lax.axis_index("c")
    p0 = jnp.minimum(wid * P_PER_W, P_CLAMP)
    pltpu.sync_copy(pos_hbm.at[pl.ds(p0, P_PER_W)], pos_v)
    pltpu.sync_copy(seg_hbm, seg_v)
    for pp in range(P_PER_W):
        for g in range(SEG):
            for j in range(D // L):
                sl = pl.ds(j * L, L)
                comb_v[2 * pp + g, sl] = pos_v[pp, sl] + seg_v[g, sl]
    pltpu.sync_copy(comb_v, comb_hbm.at[pl.ds(2 * p0, 2 * P_PER_W)])


@functools.partial(
    pl.kernel,
    out_type=jax.ShapeDtypeStruct((N, D), jnp.float32),
    mesh=_mesh,
    scratch_types=[
        pltpu.VMEM((CHUNK,), jnp.int32),
        pltpu.VMEM((CHUNK,), jnp.int32),
        pltpu.VMEM((CHUNK,), jnp.int32),
        pltpu.VMEM((CHUNK, D), jnp.float32),
        pltpu.VMEM((CHUNK, D), jnp.float32),
        pltpu.SemaphoreType.DMA,
        pltpu.SemaphoreType.DMA,
    ],
)
def _embed(ids_hbm, seg_hbm, tok_tab_hbm, comb_hbm, out_hbm,
           idx_v, seg_v, cidx_v, tok_v, comb_v, sem_tok, sem_comb):
    wid = lax.axis_index("s") * NC + lax.axis_index("c")
    base0 = wid * ROWS_PER_W
    lane = lax.iota(jnp.int32, L)

    def chunk_body(i, carry):
        base = base0 + i * CHUNK
        pltpu.sync_copy(ids_hbm.at[pl.ds(base, CHUNK)], idx_v)
        pltpu.sync_copy(seg_hbm.at[pl.ds(base, CHUNK)], seg_v)
        tok_cp = pltpu.async_copy(tok_tab_hbm.at[idx_v], tok_v, sem_tok)
        for m in range(CHUNK // L):
            sl = pl.ds(m * L, L)
            flat = lane + (base + m * L)
            cidx_v[sl] = lax.rem(flat, S) * 2 + seg_v[sl]
        comb_cp = pltpu.async_copy(comb_hbm.at[cidx_v], comb_v, sem_comb)
        tok_cp.wait()
        comb_cp.wait()

        def add_row(r, inner):
            for j in range(D // L):
                sl = pl.ds(j * L, L)
                plsc.addupdate(tok_v.at[r, sl], comb_v[r, sl])
            return inner

        lax.fori_loop(0, CHUNK, add_row, 0)
        pltpu.sync_copy(tok_v, out_hbm.at[pl.ds(base, CHUNK)])
        return carry

    lax.fori_loop(0, N_CHUNKS, chunk_body, 0)


def kernel(input_ids, segment_ids, token_table, position_table, segment_table):
    ids_flat = input_ids.reshape(N).astype(jnp.int32)
    seg_flat = segment_ids.reshape(N).astype(jnp.int32)
    comb = _build_comb(position_table[:S], segment_table)
    out = _embed(ids_flat, seg_flat, token_table, comb)
    return out.reshape(B, S, D)

# --- scband reference (transcript-rebuilt; emitter-appended) ---
"""Pipeline reference for scband-bert-embeddings-26156350832685 (READ-ONLY COPY).

The authoritative reference and input builder live on the scoring server;
editing this copy changes nothing except your own understanding.
"""

import jax, jax.numpy as jnp
import numpy as np

B, S = 4096, 200
VOCAB, D = 100000, 128
MAX_POS, SEG = 512, 2

def setup_inputs(seed: int = 0) -> dict:
    key = jax.random.key(seed)
    k1, k2, k3, k4, k5 = jax.random.split(key, 5)
    input_ids = jax.random.randint(k1, (B, S), 0, VOCAB)
    segment_ids = jax.random.randint(k2, (B, S), 0, SEG)
    token_table = jax.random.normal(k3, (VOCAB, D), dtype=jnp.float32) * 0.02
    # padding_idx=0 row is zero-initialized in nn.Embedding
    token_table = token_table.at[0].set(0.0)
    position_table = jax.random.normal(k4, (MAX_POS, D), dtype=jnp.float32) * 0.02
    segment_table = jax.random.normal(k5, (SEG, D), dtype=jnp.float32) * 0.02
    return {
        "input_ids": input_ids,
        "segment_ids": segment_ids,
        "token_table": token_table,
        "position_table": position_table,
        "segment_table": segment_table,
    }

def reference(input_ids, segment_ids, token_table, position_table, segment_table):
    b, s = input_ids.shape
    position_ids = jnp.broadcast_to(jnp.arange(s, dtype=jnp.int64 if input_ids.dtype == jnp.int64 else jnp.int32)[None, :], (b, s))
    tok_emb = jnp.take(token_table, input_ids, axis=0)
    pos_emb = jnp.take(position_table, position_ids, axis=0)
    seg_emb = jnp.take(segment_table, segment_ids, axis=0)
    out = tok_emb + pos_emb + seg_emb
    # dropout is identity in eval mode
    return out

if __name__ == "__main__":
    import jax
    _d = setup_inputs()
    print(jax.jit(kernel)(*tuple(_d.values())))

</pallas_src>

<mosaic_0001>
#map = affine_map<(d0, d1) -> (0, 0)>
module attributes {stable_mosaic.version = 14 : i64} {
  func.func @_build_comb(%arg0: i32, %arg1: i32, %arg2: memref<200x128xf32, #tpu.memory_space<hbm>>, %arg3: memref<2x128xf32, #tpu.memory_space<hbm>>, %arg4: memref<400x128xf32, #tpu.memory_space<hbm>>, %arg5: memref<8x128xf32, #tpu.memory_space<vmem>>, %arg6: memref<2x128xf32, #tpu.memory_space<vmem>>, %arg7: memref<16x128xf32, #tpu.memory_space<vmem>>) attributes {dimension_semantics = [#tpu.dimension_semantics<core_parallel>, #tpu.dimension_semantics<subcore_parallel>], iteration_bounds = array<i64: 2, 16>, scalar_prefetch = 0 : i64, scratch_operands = 3 : i64, tpu.core_type = #tpu.core_type<sc_vector_subcore>, window_params = [{transform_indices = #map}, {transform_indices = #map}, {transform_indices = #map}]} {
    %mul3A = arith.constant 2 : i32
    %mul3A_0 = arith.muli %arg1, %mul3A : i32
    %add3A = arith.addi %mul3A_0, %arg0 : i32
    %mul3A_1 = arith.constant 8 : i32
    %mul3A_2 = arith.muli %add3A, %mul3A_1 : i32
    %min3A = arith.constant 192 : i32
    %min3A_3 = arith.minsi %mul3A_2, %min3A : i32
    "tpu.region"() ({
      %run_scoped3A = tpu.sem_alloc : memref<!tpu.dma_semaphore, #tpu.memory_space<semaphore_mem>>
      %dma_start3A = arith.constant 0 : i32
      %dma_start3A_2180 = tpu.memref_slice %arg2[%min3A_3, %dma_start3A] : memref<200x128xf32, #tpu.memory_space<hbm>> -> memref<8x128xf32, #tpu.memory_space<hbm>>
      %dma_start3A_2181 = arith.constant 0 : i32
      %dma_start3A_2182 = tpu.memref_slice %arg2[%min3A_3, %dma_start3A_2181] : memref<200x128xf32, #tpu.memory_space<hbm>> -> memref<8x128xf32, #tpu.memory_space<hbm>>
      tpu.enqueue_dma source(%dma_start3A_2182 : memref<8x128xf32, #tpu.memory_space<hbm>>) target(%arg5 : memref<8x128xf32, #tpu.memory_space<vmem>>) target_semaphore(%run_scoped3A : memref<!tpu.dma_semaphore, #tpu.memory_space<semaphore_mem>>)
      %dma_wait3A = arith.constant 0 : i32
      %dma_wait3A_2183 = tpu.memref_slice %arg2[%min3A_3, %dma_wait3A] : memref<200x128xf32, #tpu.memory_space<hbm>> -> memref<8x128xf32, #tpu.memory_space<hbm>>
      %dma_wait3A_2184 = arith.constant 0 : i32
      %dma_wait3A_2185 = tpu.memref_slice %arg2[%min3A_3, %dma_wait3A_2184] : memref<200x128xf32, #tpu.memory_space<hbm>> -> memref<8x128xf32, #tpu.memory_space<hbm>>
      tpu.wait_dma2 semaphore(%run_scoped3A : memref<!tpu.dma_semaphore, #tpu.memory_space<semaphore_mem>>) src(%dma_wait3A_2185 : memref<8x128xf32, #tpu.memory_space<hbm>>) dst(%arg5 : memref<8x128xf32, #tpu.memory_space<vmem>>)
      tpu.yield
    }) : () -> ()
    "tpu.region"() ({
      %run_scoped3A = tpu.sem_alloc : memref<!tpu.dma_semaphore, #tpu.memory_space<semaphore_mem>>
      tpu.enqueue_dma source(%arg3 : memref<2x128xf32, #tpu.memory_space<hbm>>) target(%arg6 : memref<2x128xf32, #tpu.memory_space<vmem>>) target_semaphore(%run_scoped3A : memref<!tpu.dma_semaphore, #tpu.memory_space<semaphore_mem>>)
      tpu.wait_dma2 semaphore(%run_scoped3A : memref<!tpu.dma_semaphore, #tpu.memory_space<semaphore_mem>>) src(%arg3 : memref<2x128xf32, #tpu.memory_space<hbm>>) dst(%arg6 : memref<2x128xf32, #tpu.memory_space<vmem>>)
      tpu.yield
    }) : () -> ()
    %get3A = arith.constant 0 : i32
    %get3A_4 = arith.index_cast %get3A : i32 to index
    %get3A_5 = arith.constant 0 : index
    %get3A_6 = tpu.vector_load %arg5[%get3A_4, %get3A_5] {strides = array<i32>} : memref<8x128xf32, #tpu.memory_space<vmem>>, vector<1x16xf32>,
    %get3A_7 = vector.shape_cast %get3A_6 : vector<1x16xf32> to vector<16xf32>
    %get3A_8 = arith.constant 0 : i32
    %get3A_9 = arith.index_cast %get3A_8 : i32 to index
    %get3A_10 = arith.constant 0 : index
    %get3A_11 = tpu.vector_load %arg6[%get3A_9, %get3A_10] {strides = array<i32>} : memref<2x128xf32, #tpu.memory_space<vmem>>, vector<1x16xf32>,
    %get3A_12 = vector.shape_cast %get3A_11 : vector<1x16xf32> to vector<16xf32>
    %add3A_13 = arith.addf %get3A_7, %get3A_12 : vector<16xf32>
    %swap3A = arith.constant 0 : i32
    %swap3A_14 = arith.index_cast %swap3A : i32 to index
    %swap3A_15 = arith.constant 0 : index
    %swap3A_16 = tpu.vector_load %arg7[%swap3A_14, %swap3A_15] {strides = array<i32>} : memref<16x128xf32, #tpu.memory_space<vmem>>, vector<1x16xf32>,
    %swap3A_17 = vector.shape_cast %swap3A_16 : vector<1x16xf32> to vector<16xf32>
    %swap3A_18 = vector.shape_cast %add3A_13 : vector<16xf32> to vector<1x16xf32>
    tpu.vector_store %arg7[%swap3A_14, %swap3A_15], %swap3A_18 {strides = array<i32>} : memref<16x128xf32, #tpu.memory_space<vmem>>, vector<1x16xf32>,
    %get3A_19 = arith.constant 0 : i32
    %get3A_20 = arith.index_cast %get3A_19 : i32 to index
    %get3A_21 = arith.constant 16 : index
    %get3A_22 = tpu.vector_load %arg5[%get3A_20, %get3A_21] {strides = array<i32>} : memref<8x128xf32, #tpu.memory_space<vmem>>, vector<1x16xf32>,
    %get3A_23 = vector.shape_cast %get3A_22 : vector<1x16xf32> to vector<16xf32>
    %get3A_24 = arith.constant 0 : i32
    %get3A_25 = arith.index_cast %get3A_24 : i32 to index
    %get3A_26 = arith.constant 16 : index
    %get3A_27 = tpu.vector_load %arg6[%get3A_25, %get3A_26] {strides = array<i32>} : memref<2x128xf32, #tpu.memory_space<vmem>>, vector<1x16xf32>,
    %get3A_28 = vector.shape_cast %get3A_27 : vector<1x16xf32> to vector<16xf32>
    %add3A_29 = arith.addf %get3A_23, %get3A_28 : vector<16xf32>
    %swap3A_30 = arith.constant 0 : i32
    %swap3A_31 = arith.index_cast %swap3A_30 : i32 to index
    %swap3A_32 = arith.constant 16 : index
    %swap3A_33 = tpu.vector_load %arg7[%swap3A_31, %swap3A_32] {strides = array<i32>} : memref<16x128xf32, #tpu.memory_space<vmem>>, vector<1x16xf32>,
    %swap3A_34 = vector.shape_cast %swap3A_33 : vector<1x16xf32> to vector<16xf32>
    %swap3A_35 = vector.shape_cast %add3A_29 : vector<16xf32> to vector<1x16xf32>
    tpu.vector_store %arg7[%swap3A_31, %swap3A_32], %swap3A_35 {strides = array<i32>} : memref<16x128xf32, #tpu.memory_space<vmem>>, vector<1x16xf32>,
    %get3A_36 = arith.constant 0 : i32
    %get3A_37 = arith.index_cast %get3A_36 : i32 to index
    %get3A_38 = arith.constant 32 : index
    %get3A_39 = tpu.vector_load %arg5[%get3A_37, %get3A_38] {strides = array<i32>} : memref<8x128xf32, #tpu.memory_space<vmem>>, vector<1x16xf32>,
    %get3A_40 = vector.shape_cast %get3A_39 : vector<1x16xf32> to vector<16xf32>
    %get3A_41 = arith.constant 0 : i32
    %get3A_42 = arith.index_cast %get3A_41 : i32 to index
    %get3A_43 = arith.constant 32 : index
    %get3A_44 = tpu.vector_load %arg6[%get3A_42, %get3A_43] {strides = array<i32>} : memref<2x128xf32, #tpu.memory_space<vmem>>, vector<1x16xf32>,
    %get3A_45 = vector.shape_cast %get3A_44 : vector<1x16xf32> to vector<16xf32>
    %add3A_46 = arith.addf %get3A_40, %get3A_45 : vector<16xf32>
    %swap3A_47 = arith.constant 0 : i32
    %swap3A_48 = arith.index_cast %swap3A_47 : i32 to index
    %swap3A_49 = arith.constant 32 : index
    %swap3A_50 = tpu.vector_load %arg7[%swap3A_48, %swap3A_49] {strides = array<i32>} : memref<16x128xf32, #tpu.memory_space<vmem>>, vector<1x16xf32>,
    %swap3A_51 = vector.shape_cast %swap3A_50 : vector<1x16xf32> to vector<16xf32>
    %swap3A_52 = vector.shape_cast %add3A_46 : vector<16xf32> to vector<1x16xf32>
    tpu.vector_store %arg7[%swap3A_48, %swap3A_49], %swap3A_52 {strides = array<i32>} : memref<16x128xf32, #tpu.memory_space<vmem>>, vector<1x16xf32>,
    %get3A_53 = arith.constant 0 : i32
    %get3A_54 = arith.index_cast %get3A_53 : i32 to index
    %get3A_55 = arith.constant 48 : index
    %get3A_56 = tpu.vector_load %arg5[%get3A_54, %get3A_55] {strides = array<i32>} : memref<8x128xf32, #tpu.memory_space<vmem>>, vector<1x16xf32>,
    %get3A_57 = vector.shape_cast %get3A_56 : vector<1x16xf32> to vector<16xf32>
    %get3A_58 = arith.constant 0 : i32
    %get3A_59 = arith.index_cast %get3A_58 : i32 to index
    %get3A_60 = arith.constant 48 : index
    %get3A_61 = tpu.vector_load %arg6[%get3A_59, %get3A_60] {strides = array<i32>} : memref<2x128xf32, #tpu.memory_space<vmem>>, vector<1x16xf32>,
    %get3A_62 = vector.shape_cast %get3A_61 : vector<1x16xf32> to vector<16xf32>
    %add3A_63 = arith.addf %get3A_57, %get3A_62 : vector<16xf32>
    %swap3A_64 = arith.constant 0 : i32
    %swap3A_65 = arith.index_cast %swap3A_64 : i32 to index
    %swap3A_66 = arith.constant 48 : index
    %swap3A_67 = tpu.vector_load %arg7[%swap3A_65, %swap3A_66] {strides = array<i32>} : memref<16x128xf32, #tpu.memory_space<vmem>>, vector<1x16xf32>,
    %swap3A_68 = vector.shape_cast %swap3A_67 : vector<1x16xf32> to vector<16xf32>
    %swap3A_69 = vector.shape_cast %add3A_63 : vector<16xf32> to vector<1x16xf32>
    tpu.vector_store %arg7[%swap3A_65, %swap3A_66], %swap3A_69 {strides = array<i32>} : memref<16x128xf32, #tpu.memory_space<vmem>>, vector<1x16xf32>,
    %get3A_70 = arith.constant 0 : i32
    %get3A_71 = arith.index_cast %get3A_70 : i32 to index
    %get3A_72 = arith.constant 64 : index
    %get3A_73 = tpu.vector_load %arg5[%get3A_71, %get3A_72] {strides = array<i32>} : memref<8x128xf32, #tpu.memory_space<vmem>>, vector<1x16xf32>,
    %get3A_74 = vector.shape_cast %get3A_73 : vector<1x16xf32> to vector<16xf32>
    %get3A_75 = arith.constant 0 : i32
    %get3A_76 = arith.index_cast %get3A_75 : i32 to index
    %get3A_77 = arith.constant 64 : index
    %get3A_78 = tpu.vector_load %arg6[%get3A_76, %get3A_77] {strides = array<i32>} : memref<2x128xf32, #tpu.memory_space<vmem>>, vector<1x16xf32>,
    %get3A_79 = vector.shape_cast %get3A_78 : vector<1x16xf32> to vector<16xf32>
    %add3A_80 = arith.addf %get3A_74, %get3A_79 : vector<16xf32>
    %swap3A_81 = arith.constant 0 : i32
    %swap3A_82 = arith.index_cast %swap3A_81 : i32 to index
    %swap3A_83 = arith.constant 64 : index
    %swap3A_84 = tpu.vector_load %arg7[%swap3A_82, %swap3A_83] {strides = array<i32>} : memref<16x128xf32, #tpu.memory_space<vmem>>, vector<1x16xf32>,
    %swap3A_85 = vector.shape_cast %swap3A_84 : vector<1x16xf32> to vector<16xf32>
    %swap3A_86 = vector.shape_cast %add3A_80 : vector<16xf32> to vector<1x16xf32>
    tpu.vector_store %arg7[%swap3A_82, %swap3A_83], %swap3A_86 {strides = array<i32>} : memref<16x128xf32, #tpu.memory_space<vmem>>, vector<1x16xf32>,
    %get3A_87 = arith.constant 0 : i32
    %get3A_88 = arith.index_cast %get3A_87 : i32 to index
    %get3A_89 = arith.constant 80 : index
    %get3A_90 = tpu.vector_load %arg5[%get3A_88, %get3A_89] {strides = array<i32>} : memref<8x128xf32, #tpu.memory_space<vmem>>, vector<1x16xf32>,
    %get3A_91 = vector.shape_cast %get3A_90 : vector<1x16xf32> to vector<16xf32>
    %get3A_92 = arith.constant 0 : i32
    %get3A_93 = arith.index_cast %get3A_92 : i32 to index
    %get3A_94 = arith.constant 80 : index
    %get3A_95 = tpu.vector_load %arg6[%get3A_93, %get3A_94] {strides = array<i32>} : memref<2x128xf32, #tpu.memory_space<vmem>>, vector<1x16xf32>,
    %get3A_96 = vector.shape_cast %get3A_95 : vector<1x16xf32> to vector<16xf32>
    %add3A_97 = arith.addf %get3A_91, %get3A_96 : vector<16xf32>
    %swap3A_98 = arith.constant 0 : i32
    %swap3A_99 = arith.index_cast %swap3A_98 : i32 to index
    %swap3A_100 = arith.constant 80 : index
    %swap3A_101 = tpu.vector_load %arg7[%swap3A_99, %swap3A_100] {strides = array<i32>} : memref<16x128xf32, #tpu.memory_space<vmem>>, vector<1x16xf32>,
    %swap3A_102 = vector.shape_cast %swap3A_101 : vector<1x16xf32> to vector<16xf32>
    %swap3A_103 = vector.shape_cast %add3A_97 : vector<16xf32> to vector<1x16xf32>
    tpu.vector_store %arg7[%swap3A_99, %swap3A_100], %swap3A_103 {strides = array<i32>} : memref<16x128xf32, #tpu.memory_space<vmem>>, vector<1x16xf32>,
    %get3A_104 = arith.constant 0 : i32
    %get3A_105 = arith.index_cast %get3A_104 : i32 to index
    %get3A_106 = arith.constant 96 : index
    %get3A_107 = tpu.vector_load %arg5[%get3A_105, %get3A_106] {strides = array<i32>} : memref<8x128xf32, #tpu.memory_space<vmem>>, vector<1x16xf32>,
    %get3A_108 = vector.shape_cast %get3A_107 : vector<1x16xf32> to vector<16xf32>
    %get3A_109 = arith.constant 0 : i32
    %get3A_110 = arith.index_cast %get3A_109 : i32 to index
    %get3A_111 = arith.constant 96 : index
    %get3A_112 = tpu.vector_load %arg6[%get3A_110, %get3A_111] {strides = array<i32>} : memref<2x128xf32, #tpu.memory_space<vmem>>, vector<1x16xf32>,
    %get3A_113 = vector.shape_cast %get3A_112 : vector<1x16xf32> to vector<16xf32>
    %add3A_114 = arith.addf %get3A_108, %get3A_113 : vector<16xf32>
    %swap3A_115 = arith.constant 0 : i32
    %swap3A_116 = arith.index_cast %swap3A_115 : i32 to index
    %swap3A_117 = arith.constant 96 : index
    %swap3A_118 = tpu.vector_load %arg7[%swap3A_116, %swap3A_117] {strides = array<i32>} : memref<16x128xf32, #tpu.memory_space<vmem>>, vector<1x16xf32>,
    %swap3A_119 = vector.shape_cast %swap3A_118 : vector<1x16xf32> to vector<16xf32>
    %swap3A_120 = vector.shape_cast %add3A_114 : vector<16xf32> to vector<1x16xf32>
    tpu.vector_store %arg7[%swap3A_116, %swap3A_117], %swap3A_120 {strides = array<i32>} : memref<16x128xf32, #tpu.memory_space<vmem>>, vector<1x16xf32>,
    %get3A_121 = arith.constant 0 : i32
    %get3A_122 = arith.index_cast %get3A_121 : i32 to index
    %get3A_123 = arith.constant 112 : index
    %get3A_124 = tpu.vector_load %arg5[%get3A_122, %get3A_123] {strides = array<i32>} : memref<8x128xf32, #tpu.memory_space<vmem>>, vector<1x16xf32>,
    %get3A_125 = vector.shape_cast %get3A_124 : vector<1x16xf32> to vector<16xf32>
    %get3A_126 = arith.constant 0 : i32
    %get3A_127 = arith.index_cast %get3A_126 : i32 to index
    %get3A_128 = arith.constant 112 : index
    %get3A_129 = tpu.vector_load %arg6[%get3A_127, %get3A_128] {strides = array<i32>} : memref<2x128xf32, #tpu.memory_space<vmem>>, vector<1x16xf32>,
    %get3A_130 = vector.shape_cast %get3A_129 : vector<1x16xf32> to vector<16xf32>
    %add3A_131 = arith.addf %get3A_125, %get3A_130 : vector<16xf32>
    %swap3A_132 = arith.constant 0 : i32
    %swap3A_133 = arith.index_cast %swap3A_132 : i32 to index
    %swap3A_134 = arith.constant 112 : index
    %swap3A_135 = tpu.vector_load %arg7[%swap3A_133, %swap3A_134] {strides = array<i32>} : memref<16x128xf32, #tpu.memory_space<vmem>>, vector<1x16xf32>,
    %swap3A_136 = vector.shape_cast %swap3A_135 : vector<1x16xf32> to vector<16xf32>
    %swap3A_137 = vector.shape_cast %add3A_131 : vector<16xf32> to vector<1x16xf32>
    tpu.vector_store %arg7[%swap3A_133, %swap3A_134], %swap3A_137 {strides = array<i32>} : memref<16x128xf32, #tpu.memory_space<vmem>>, vector<1x16xf32>,
    %get3A_138 = arith.constant 0 : i32
    %get3A_139 = arith.index_cast %get3A_138 : i32 to index
    %get3A_140 = arith.constant 0 : index
    %get3A_141 = tpu.vector_load %arg5[%get3A_139, %get3A_140] {strides = array<i32>} : memref<8x128xf32, #tpu.memory_space<vmem>>, vector<1x16xf32>,
    %get3A_142 = vector.shape_cast %get3A_141 : vector<1x16xf32> to vector<16xf32>
    %get3A_143 = arith.constant 1 : i32
    %get3A_144 = arith.index_cast %get3A_143 : i32 to index
    %get3A_145 = arith.constant 0 : index
    %get3A_146 = tpu.vector_load %arg6[%get3A_144, %get3A_145] {strides = array<i32>} : memref<2x128xf32, #tpu.memory_space<vmem>>, vector<1x16xf32>,
    %get3A_147 = vector.shape_cast %get3A_146 : vector<1x16xf32> to vector<16xf32>
    %add3A_148 = arith.addf %get3A_142, %get3A_147 : vector<16xf32>
    %swap3A_149 = arith.constant 1 : i32
    %swap3A_150 = arith.index_cast %swap3A_149 : i32 to index
    %swap3A_151 = arith.constant 0 : index
    %swap3A_152 = tpu.vector_load %arg7[%swap3A_150, %swap3A_151] {strides = array<i32>} : memref<16x128xf32, #tpu.memory_space<vmem>>, vector<1x16xf32>,
    %swap3A_153 = vector.shape_cast %swap3A_152 : vector<1x16xf32> to vector<16xf32>
    %swap3A_154 = vector.shape_cast %add3A_148 : vector<16xf32> to vector<1x16xf32>
    tpu.vector_store %arg7[%swap3A_150, %swap3A_151], %swap3A_154 {strides = array<i32>} : memref<16x128xf32, #tpu.memory_space<vmem>>, vector<1x16xf32>,
    %get3A_155 = arith.constant 0 : i32
    %get3A_156 = arith.index_cast %get3A_155 : i32 to index
    %get3A_157 = arith.constant 16 : index
    %get3A_158 = tpu.vector_load %arg5[%get3A_156, %get3A_157] {strides = array<i32>} : memref<8x128xf32, #tpu.memory_space<vmem>>, vector<1x16xf32>,
    %get3A_159 = vector.shape_cast %get3A_158 : vector<1x16xf32> to vector<16xf32>
    %get3A_160 = arith.constant 1 : i32
    %get3A_161 = arith.index_cast %get3A_160 : i32 to index
    %get3A_162 = arith.constant 16 : index
    %get3A_163 = tpu.vector_load %arg6[%get3A_161, %get3A_162] {strides = array<i32>} : memref<2x128xf32, #tpu.memory_space<vmem>>, vector<1x16xf32>,
    %get3A_164 = vector.shape_cast %get3A_163 : vector<1x16xf32> to vector<16xf32>
    %add3A_165 = arith.addf %get3A_159, %get3A_164 : vector<16xf32>
    %swap3A_166 = arith.constant 1 : i32
    %swap3A_167 = arith.index_cast %swap3A_166 : i32 to index
    %swap3A_168 = arith.constant 16 : index
    %swap3A_169 = tpu.vector_load %arg7[%swap3A_167, %swap3A_168] {strides = array<i32>} : memref<16x128xf32, #tpu.memory_space<vmem>>, vector<1x16xf32>,
    %swap3A_170 = vector.shape_cast %swap3A_169 : vector<1x16xf32> to vector<16xf32>
    %swap3A_171 = vector.shape_cast %add3A_165 : vector<16xf32> to vector<1x16xf32>
    tpu.vector_store %arg7[%swap3A_167, %swap3A_168], %swap3A_171 {strides = array<i32>} : memref<16x128xf32, #tpu.memory_space<vmem>>, vector<1x16xf32>,
    %get3A_172 = arith.constant 0 : i32
    %get3A_173 = arith.index_cast %get3A_172 : i32 to index
    %get3A_174 = arith.constant 32 : index
    %get3A_175 = tpu.vector_load %arg5[%get3A_173, %get3A_174] {strides = array<i32>} : memref<8x128xf32, #tpu.memory_space<vmem>>, vector<1x16xf32>,
    %get3A_176 = vector.shape_cast %get3A_175 : vector<1x16xf32> to vector<16xf32>
    %get3A_177 = arith.constant 1 : i32
    %get3A_178 = arith.index_cast %get3A_177 : i32 to index
    %get3A_179 = arith.constant 32 : index
    %get3A_180 = tpu.vector_load %arg6[%get3A_178, %get3A_179] {strides = array<i32>} : memref<2x128xf32, #tpu.memory_space<vmem>>, vector<1x16xf32>,
    %get3A_181 = vector.shape_cast %get3A_180 : vector<1x16xf32> to vector<16xf32>
    %add3A_182 = arith.addf %get3A_176, %get3A_181 : vector<16xf32>
    %swap3A_183 = arith.constant 1 : i32
    %swap3A_184 = arith.index_cast %swap3A_183 : i32 to index
    %swap3A_185 = arith.constant 32 : index
    %swap3A_186 = tpu.vector_load %arg7[%swap3A_184, %swap3A_185] {strides = array<i32>} : memref<16x128xf32, #tpu.memory_space<vmem>>, vector<1x16xf32>,
    %swap3A_187 = vector.shape_cast %swap3A_186 : vector<1x16xf32> to vector<16xf32>
    %swap3A_188 = vector.shape_cast %add3A_182 : vector<16xf32> to vector<1x16xf32>
    tpu.vector_store %arg7[%swap3A_184, %swap3A_185], %swap3A_188 {strides = array<i32>} : memref<16x128xf32, #tpu.memory_space<vmem>>, vector<1x16xf32>,
    %get3A_189 = arith.constant 0 : i32
    %get3A_190 = arith.index_cast %get3A_189 : i32 to index
    %get3A_191 = arith.constant 48 : index
    %get3A_192 = tpu.vector_load %arg5[%get3A_190, %get3A_191] {strides = array<i32>} : memref<8x128xf32, #tpu.memory_space<vmem>>, vector<1x16xf32>,
    %get3A_193 = vector.shape_cast %get3A_192 : vector<1x16xf32> to vector<16xf32>
    %get3A_194 = arith.constant 1 : i32
    %get3A_195 = arith.index_cast %get3A_194 : i32 to index
    %get3A_196 = arith.constant 48 : index
    %get3A_197 = tpu.vector_load %arg6[%get3A_195, %get3A_196] {strides = array<i32>} : memref<2x128xf32, #tpu.memory_space<vmem>>, vector<1x16xf32>,
    %get3A_198 = vector.shape_cast %get3A_197 : vector<1x16xf32> to vector<16xf32>
    %add3A_199 = arith.addf %get3A_193, %get3A_198 : vector<16xf32>
    %swap3A_200 = arith.constant 1 : i32
    %swap3A_201 = arith.index_cast %swap3A_200 : i32 to index
    %swap3A_202 = arith.constant 48 : index
    %swap3A_203 = tpu.vector_load %arg7[%swap3A_201, %swap3A_202] {strides = array<i32>} : memref<16x128xf32, #tpu.memory_space<vmem>>, vector<1x16xf32>,
    %swap3A_204 = vector.shape_cast %swap3A_203 : vector<1x16xf32> to vector<16xf32>
    %swap3A_205 = vector.shape_cast %add3A_199 : vector<16xf32> to vector<1x16xf32>
    tpu.vector_store %arg7[%swap3A_201, %swap3A_202], %swap3A_205 {strides = array<i32>} : memref<16x128xf32, #tpu.memory_space<vmem>>, vector<1x16xf32>,
    %get3A_206 = arith.constant 0 : i32
    %get3A_207 = arith.index_cast %get3A_206 : i32 to index
    %get3A_208 = arith.constant 64 : index
    %get3A_209 = tpu.vector_load %arg5[%get3A_207, %get3A_208] {strides = array<i32>} : memref<8x128xf32, #tpu.memory_space<vmem>>, vector<1x16xf32>,
    %get3A_210 = vector.shape_cast %get3A_209 : vector<1x16xf32> to vector<16xf32>
    %get3A_211 = arith.constant 1 : i32
    %get3A_212 = arith.index_cast %get3A_211 : i32 to index
    %get3A_213 = arith.constant 64 : index
    %get3A_214 = tpu.vector_load %arg6[%get3A_212, %get3A_213] {strides = array<i32>} : memref<2x128xf32, #tpu.memory_space<vmem>>, vector<1x16xf32>,
    %get3A_215 = vector.shape_cast %get3A_214 : vector<1x16xf32> to vector<16xf32>
    %add3A_216 = arith.addf %get3A_210, %get3A_215 : vector<16xf32>
    %swap3A_217 = arith.constant 1 : i32
    %swap3A_218 = arith.index_cast %swap3A_217 : i32 to index
    %swap3A_219 = arith.constant 64 : index
    %swap3A_220 = tpu.vector_load %arg7[%swap3A_218, %swap3A_219] {strides = array<i32>} : memref<16x128xf32, #tpu.memory_space<vmem>>, vector<1x16xf32>,
    %swap3A_221 = vector.shape_cast %swap3A_220 : vector<1x16xf32> to vector<16xf32>
    %swap3A_222 = vector.shape_cast %add3A_216 : vector<16xf32> to vector<1x16xf32>
    tpu.vector_store %arg7[%swap3A_218, %swap3A_219], %swap3A_222 {strides = array<i32>} : memref<16x128xf32, #tpu.memory_space<vmem>>, vector<1x16xf32>,
    %get3A_223 = arith.constant 0 : i32
    %get3A_224 = arith.index_cast %get3A_223 : i32 to index
    %get3A_225 = arith.constant 80 : index
    %get3A_226 = tpu.vector_load %arg5[%get3A_224, %get3A_225] {strides = array<i32>} : memref<8x128xf32, #tpu.memory_space<vmem>>, vector<1x16xf32>,
    %get3A_227 = vector.shape_cast %get3A_226 : vector<1x16xf32> to vector<16xf32>
    %get3A_228 = arith.constant 1 : i32
    %get3A_229 = arith.index_cast %get3A_228 : i32 to index
    %get3A_230 = arith.constant 80 : index
    %get3A_231 = tpu.vector_load %arg6[%get3A_229, %get3A_230] {strides = array<i32>} : memref<2x128xf32, #tpu.memory_space<vmem>>, vector<1x16xf32>,
    %get3A_232 = vector.shape_cast %get3A_231 : vector<1x16xf32> to vector<16xf32>
    %add3A_233 = arith.addf %get3A_227, %get3A_232 : vector<16xf32>
    %swap3A_234 = arith.constant 1 : i32
    %swap3A_235 = arith.index_cast %swap3A_234 : i32 to index
    %swap3A_236 = arith.constant 80 : index
    %swap3A_237 = tpu.vector_load %arg7[%swap3A_235, %swap3A_236] {strides = array<i32>} : memref<16x128xf32, #tpu.memory_space<vmem>>, vector<1x16xf32>,
    %swap3A_238 = vector.shape_cast %swap3A_237 : vector<1x16xf32> to vector<16xf32>
    %swap3A_239 = vector.shape_cast %add3A_233 : vector<16xf32> to vector<1x16xf32>
    tpu.vector_store %arg7[%swap3A_235, %swap3A_236], %swap3A_239 {strides = array<i32>} : memref<16x128xf32, #tpu.memory_space<vmem>>, vector<1x16xf32>,
    %get3A_240 = arith.constant 0 : i32
    %get3A_241 = arith.index_cast %get3A_240 : i32 to index
    %get3A_242 = arith.constant 96 : index
    %get3A_243 = tpu.vector_load %arg5[%get3A_241, %get3A_242] {strides = array<i32>} : memref<8x128xf32, #tpu.memory_space<vmem>>, vector<1x16xf32>,
    %get3A_244 = vector.shape_cast %get3A_243 : vector<1x16xf32> to vector<16xf32>
    %get3A_245 = arith.constant 1 : i32
    %get3A_246 = arith.index_cast %get3A_245 : i32 to index
    %get3A_247 = arith.constant 96 : index
    %get3A_248 = tpu.vector_load %arg6[%get3A_246, %get3A_247] {strides = array<i32>} : memref<2x128xf32, #tpu.memory_space<vmem>>, vector<1x16xf32>,
    %get3A_249 = vector.shape_cast %get3A_248 : vector<1x16xf32> to vector<16xf32>
    %add3A_250 = arith.addf %get3A_244, %get3A_249 : vector<16xf32>
    %swap3A_251 = arith.constant 1 : i32
    %swap3A_252 = arith.index_cast %swap3A_251 : i32 to index
    %swap3A_253 = arith.constant 96 : index
    %swap3A_254 = tpu.vector_load %arg7[%swap3A_252, %swap3A_253] {strides = array<i32>} : memref<16x128xf32, #tpu.memory_space<vmem>>, vector<1x16xf32>,
    %swap3A_255 = vector.shape_cast %swap3A_254 : vector<1x16xf32> to vector<16xf32>
    %swap3A_256 = vector.shape_cast %add3A_250 : vector<16xf32> to vector<1x16xf32>
    tpu.vector_store %arg7[%swap3A_252, %swap3A_253], %swap3A_256 {strides = array<i32>} : memref<16x128xf32, #tpu.memory_space<vmem>>, vector<1x16xf32>,
    %get3A_257 = arith.constant 0 : i32
    %get3A_258 = arith.index_cast %get3A_257 : i32 to index
    %get3A_259 = arith.constant 112 : index
    %get3A_260 = tpu.vector_load %arg5[%get3A_258, %get3A_259] {strides = array<i32>} : memref<8x128xf32, #tpu.memory_space<vmem>>, vector<1x16xf32>,
    %get3A_261 = vector.shape_cast %get3A_260 : vector<1x16xf32> to vector<16xf32>
    %get3A_262 = arith.constant 1 : i32
    %get3A_263 = arith.index_cast %get3A_262 : i32 to index
    %get3A_264 = arith.constant 112 : index
    %get3A_265 = tpu.vector_load %arg6[%get3A_263, %get3A_264] {strides = array<i32>} : memref<2x128xf32, #tpu.memory_space<vmem>>, vector<1x16xf32>,
    %get3A_266 = vector.shape_cast %get3A_265 : vector<1x16xf32> to vector<16xf32>
    %add3A_267 = arith.addf %get3A_261, %get3A_266 : vector<16xf32>
    %swap3A_268 = arith.constant 1 : i32
    %swap3A_269 = arith.index_cast %swap3A_268 : i32 to index
    %swap3A_270 = arith.constant 112 : index
    %swap3A_271 = tpu.vector_load %arg7[%swap3A_269, %swap3A_270] {strides = array<i32>} : memref<16x128xf32, #tpu.memory_space<vmem>>, vector<1x16xf32>,
    %swap3A_272 = vector.shape_cast %swap3A_271 : vector<1x16xf32> to vector<16xf32>
    %swap3A_273 = vector.shape_cast %add3A_267 : vector<16xf32> to vector<1x16xf32>
    tpu.vector_store %arg7[%swap3A_269, %swap3A_270], %swap3A_273 {strides = array<i32>} : memref<16x128xf32, #tpu.memory_space<vmem>>, vector<1x16xf32>,
    %get3A_274 = arith.constant 1 : i32
    %get3A_275 = arith.index_cast %get3A_274 : i32 to index
    %get3A_276 = arith.constant 0 : index
    %get3A_277 = tpu.vector_load %arg5[%get3A_275, %get3A_276] {strides = array<i32>} : memref<8x128xf32, #tpu.memory_space<vmem>>, vector<1x16xf32>,
    %get3A_278 = vector.shape_cast %get3A_277 : vector<1x16xf32> to vector<16xf32>
    %get3A_279 = arith.constant 0 : i32
    %get3A_280 = arith.index_cast %get3A_279 : i32 to index
    %get3A_281 = arith.constant 0 : index
    %get3A_282 = tpu.vector_load %arg6[%get3A_280, %get3A_281] {strides = array<i32>} : memref<2x128xf32, #tpu.memory_space<vmem>>, vector<1x16xf32>,
    %get3A_283 = vector.shape_cast %get3A_282 : vector<1x16xf32> to vector<16xf32>
    %add3A_284 = arith.addf %get3A_278, %get3A_283 : vector<16xf32>
    %swap3A_285 = arith.constant 2 : i32
    %swap3A_286 = arith.index_cast %swap3A_285 : i32 to index
    %swap3A_287 = arith.constant 0 : index
    %swap3A_288 = tpu.vector_load %arg7[%swap3A_286, %swap3A_287] {strides = array<i32>} : memref<16x128xf32, #tpu.memory_space<vmem>>, vector<1x16xf32>,
    %swap3A_289 = vector.shape_cast %swap3A_288 : vector<1x16xf32> to vector<16xf32>
    %swap3A_290 = vector.shape_cast %add3A_284 : vector<16xf32> to vector<1x16xf32>
    tpu.vector_store %arg7[%swap3A_286, %swap3A_287], %swap3A_290 {strides = array<i32>} : memref<16x128xf32, #tpu.memory_space<vmem>>, vector<1x16xf32>,
    %get3A_291 = arith.constant 1 : i32
    %get3A_292 = arith.index_cast %get3A_291 : i32 to index
    %get3A_293 = arith.constant 16 : index
    %get3A_294 = tpu.vector_load %arg5[%get3A_292, %get3A_293] {strides = array<i32>} : memref<8x128xf32, #tpu.memory_space<vmem>>, vector<1x16xf32>,
    %get3A_295 = vector.shape_cast %get3A_294 : vector<1x16xf32> to vector<16xf32>
    %get3A_296 = arith.constant 0 : i32
    %get3A_297 = arith.index_cast %get3A_296 : i32 to index
    %get3A_298 = arith.constant 16 : index
    %get3A_299 = tpu.vector_load %arg6[%get3A_297, %get3A_298] {strides = array<i32>} : memref<2x128xf32, #tpu.memory_space<vmem>>, vector<1x16xf32>,
    %get3A_300 = vector.shape_cast %get3A_299 : vector<1x16xf32> to vector<16xf32>
    %add3A_301 = arith.addf %get3A_295, %get3A_300 : vector<16xf32>
    %swap3A_302 = arith.constant 2 : i32
    %swap3A_303 = arith.index_cast %swap3A_302 : i32 to index
    %swap3A_304 = arith.constant 16 : index
    %swap3A_305 = tpu.vector_load %arg7[%swap3A_303, %swap3A_304] {strides = array<i32>} : memref<16x128xf32, #tpu.memory_space<vmem>>, vector<1x16xf32>,
    %swap3A_306 = vector.shape_cast %swap3A_305 : vector<1x16xf32> to vector<16xf32>
    %swap3A_307 = vector.shape_cast %add3A_301 : vector<16xf32> to vector<1x16xf32>
    tpu.vector_store %arg7[%swap3A_303, %swap3A_304], %swap3A_307 {strides = array<i32>} : memref<16x128xf32, #tpu.memory_space<vmem>>, vector<1x16xf32>,
    %get3A_308 = arith.constant 1 : i32
    %get3A_309 = arith.index_cast %get3A_308 : i32 to index
    %get3A_310 = arith.constant 32 : index
    %get3A_311 = tpu.vector_load %arg5[%get3A_309, %get3A_310] {strides = array<i32>} : memref<8x128xf32, #tpu.memory_space<vmem>>, vector<1x16xf32>,
    %get3A_312 = vector.shape_cast %get3A_311 : vector<1x16xf32> to vector<16xf32>
    %get3A_313 = arith.constant 0 : i32
    %get3A_314 = arith.index_cast %get3A_313 : i32 to index
    %get3A_315 = arith.constant 32 : index
    %get3A_316 = tpu.vector_load %arg6[%get3A_314, %get3A_315] {strides = array<i32>} : memref<2x128xf32, #tpu.memory_space<vmem>>, vector<1x16xf32>,
    %get3A_317 = vector.shape_cast %get3A_316 : vector<1x16xf32> to vector<16xf32>
    %add3A_318 = arith.addf %get3A_312, %get3A_317 : vector<16xf32>
    %swap3A_319 = arith.constant 2 : i32
    %swap3A_320 = arith.index_cast %swap3A_319 : i32 to index
    %swap3A_321 = arith.constant 32 : index
    %swap3A_322 = tpu.vector_load %arg7[%swap3A_320, %swap3A_321] {strides = array<i32>} : memref<16x128xf32, #tpu.memory_space<vmem>>, vector<1x16xf32>,
    %swap3A_323 = vector.shape_cast %swap3A_322 : vector<1x16xf32> to vector<16xf32>
    %swap3A_324 = vector.shape_cast %add3A_318 : vector<16xf32> to vector<1x16xf32>
    tpu.vector_store %arg7[%swap3A_320, %swap3A_321], %swap3A_324 {strides = array<i32>} : memref<16x128xf32, #tpu.memory_space<vmem>>, vector<1x16xf32>,
    %get3A_325 = arith.constant 1 : i32
    %get3A_326 = arith.index_cast %get3A_325 : i32 to index
    %get3A_327 = arith.constant 48 : index
    %get3A_328 = tpu.vector_load %arg5[%get3A_326, %get3A_327] {strides = array<i32>} : memref<8x128xf32, #tpu.memory_space<vmem>>, vector<1x16xf32>,
    %get3A_329 = vector.shape_cast %get3A_328 : vector<1x16xf32> to vector<16xf32>
    %get3A_330 = arith.constant 0 : i32
    %get3A_331 = arith.index_cast %get3A_330 : i32 to index
    %get3A_332 = arith.constant 48 : index
    %get3A_333 = tpu.vector_load %arg6[%get3A_331, %get3A_332] {strides = array<i32>} : memref<2x128xf32, #tpu.memory_space<vmem>>, vector<1x16xf32>,
    %get3A_334 = vector.shape_cast %get3A_333 : vector<1x16xf32> to vector<16xf32>
    %add3A_335 = arith.addf %get3A_329, %get3A_334 : vector<16xf32>
    %swap3A_336 = arith.constant 2 : i32
    %swap3A_337 = arith.index_cast %swap3A_336 : i32 to index
    %swap3A_338 = arith.constant 48 : index
    %swap3A_339 = tpu.vector_load %arg7[%swap3A_337, %swap3A_338] {strides = array<i32>} : memref<16x128xf32, #tpu.memory_space<vmem>>, vector<1x16xf32>,
    %swap3A_340 = vector.shape_cast %swap3A_339 : vector<1x16xf32> to vector<16xf32>
    %swap3A_341 = vector.shape_cast %add3A_335 : vector<16xf32> to vector<1x16xf32>
    tpu.vector_store %arg7[%swap3A_337, %swap3A_338], %swap3A_341 {strides = array<i32>} : memref<16x128xf32, #tpu.memory_space<vmem>>, vector<1x16xf32>,
    %get3A_342 = arith.constant 1 : i32
    %get3A_343 = arith.index_cast %get3A_342 : i32 to index
    %get3A_344 = arith.constant 64 : index
    %get3A_345 = tpu.vector_load %arg5[%get3A_343, %get3A_344] {strides = array<i32>} : memref<8x128xf32, #tpu.memory_space<vmem>>, vector<1x16xf32>,
    %get3A_346 = vector.shape_cast %get3A_345 : vector<1x16xf32> to vector<16xf32>
    %get3A_347 = arith.constant 0 : i32
    %get3A_348 = arith.index_cast %get3A_347 : i32 to index
    %get3A_349 = arith.constant 64 : index
    %get3A_350 = tpu.vector_load %arg6[%get3A_348, %get3A_349] {strides = array<i32>} : memref<2x128xf32, #tpu.memory_space<vmem>>, vector<1x16xf32>,
    %get3A_351 = vector.shape_cast %get3A_350 : vector<1x16xf32> to vector<16xf32>
    %add3A_352 = arith.addf %get3A_346, %get3A_351 : vector<16xf32>
    %swap3A_353 = arith.constant 2 : i32
    %swap3A_354 = arith.index_cast %swap3A_353 : i32 to index
    %swap3A_355 = arith.constant 64 : index
    %swap3A_356 = tpu.vector_load %arg7[%swap3A_354, %swap3A_355] {strides = array<i32>} : memref<16x128xf32, #tpu.memory_space<vmem>>, vector<1x16xf32>,
    %swap3A_357 = vector.shape_cast %swap3A_356 : vector<1x16xf32> to vector<16xf32>
    %swap3A_358 = vector.shape_cast %add3A_352 : vector<16xf32> to vector<1x16xf32>
    tpu.vector_store %arg7[%swap3A_354, %swap3A_355], %swap3A_358 {strides = array<i32>} : memref<16x128xf32, #tpu.memory_space<vmem>>, vector<1x16xf32>,
    %get3A_359 = arith.constant 1 : i32
    %get3A_360 = arith.index_cast %get3A_359 : i32 to index
    %get3A_361 = arith.constant 80 : index
    %get3A_362 = tpu.vector_load %arg5[%get3A_360, %get3A_361] {strides = array<i32>} : memref<8x128xf32, #tpu.memory_space<vmem>>, vector<1x16xf32>,
    %get3A_363 = vector.shape_cast %get3A_362 : vector<1x16xf32> to vector<16xf32>
    %get3A_364 = arith.constant 0 : i32
    %get3A_365 = arith.index_cast %get3A_364 : i32 to index
    %get3A_366 = arith.constant 80 : index
    %get3A_367 = tpu.vector_load %arg6[%get3A_365, %get3A_366] {strides = array<i32>} : memref<2x128xf32, #tpu.memory_space<vmem>>, vector<1x16xf32>,
    %get3A_368 = vector.shape_cast %get3A_367 : vector<1x16xf32> to vector<16xf32>
    %add3A_369 = arith.addf %get3A_363, %get3A_368 : vector<16xf32>
    %swap3A_370 = arith.constant 2 : i32
    %swap3A_371 = arith.index_cast %swap3A_370 : i32 to index
    %swap3A_372 = arith.constant 80 : index
    %swap3A_373 = tpu.vector_load %arg7[%swap3A_371, %swap3A_372] {strides = array<i32>} : memref<16x128xf32, #tpu.memory_space<vmem>>, vector<1x16xf32>,
    %swap3A_374 = vector.shape_cast %swap3A_373 : vector<1x16xf32> to vector<16xf32>
    %swap3A_375 = vector.shape_cast %add3A_369 : vector<16xf32> to vector<1x16xf32>
    tpu.vector_store %arg7[%swap3A_371, %swap3A_372], %swap3A_375 {strides = array<i32>} : memref<16x128xf32, #tpu.memory_space<vmem>>, vector<1x16xf32>,
    %get3A_376 = arith.constant 1 : i32
    %get3A_377 = arith.index_cast %get3A_376 : i32 to index
    %get3A_378 = arith.constant 96 : index
    %get3A_379 = tpu.vector_load %arg5[%get3A_377, %get3A_378] {strides = array<i32>} : memref<8x128xf32, #tpu.memory_space<vmem>>, vector<1x16xf32>,
    %get3A_380 = vector.shape_cast %get3A_379 : vector<1x16xf32> to vector<16xf32>
    %get3A_381 = arith.constant 0 : i32
    %get3A_382 = arith.index_cast %get3A_381 : i32 to index
    %get3A_383 = arith.constant 96 : index
    %get3A_384 = tpu.vector_load %arg6[%get3A_382, %get3A_383] {strides = array<i32>} : memref<2x128xf32, #tpu.memory_space<vmem>>, vector<1x16xf32>,
    %get3A_385 = vector.shape_cast %get3A_384 : vector<1x16xf32> to vector<16xf32>
    %add3A_386 = arith.addf %get3A_380, %get3A_385 : vector<16xf32>
    %swap3A_387 = arith.constant 2 : i32
    %swap3A_388 = arith.index_cast %swap3A_387 : i32 to index
    %swap3A_389 = arith.constant 96 : index
    %swap3A_390 = tpu.vector_load %arg7[%swap3A_388, %swap3A_389] {strides = array<i32>} : memref<16x128xf32, #tpu.memory_space<vmem>>, vector<1x16xf32>,
    %swap3A_391 = vector.shape_cast %swap3A_390 : vector<1x16xf32> to vector<16xf32>
    %swap3A_392 = vector.shape_cast %add3A_386 : vector<16xf32> to vector<1x16xf32>
    tpu.vector_store %arg7[%swap3A_388, %swap3A_389], %swap3A_392 {strides = array<i32>} : memref<16x128xf32, #tpu.memory_space<vmem>>, vector<1x16xf32>,
    %get3A_393 = arith.constant 1 : i32
    %get3A_394 = arith.index_cast %get3A_393 : i32 to index
    %get3A_395 = arith.constant 112 : index
    %get3A_396 = tpu.vector_load %arg5[%get3A_394, %get3A_395] {strides = array<i32>} : memref<8x128xf32, #tpu.memory_space<vmem>>, vector<1x16xf32>,
    %get3A_397 = vector.shape_cast %get3A_396 : vector<1x16xf32> to vector<16xf32>
    %get3A_398 = arith.constant 0 : i32
    %get3A_399 = arith.index_cast %get3A_398 : i32 to index
    %get3A_400 = arith.constant 112 : index
    %get3A_401 = tpu.vector_load %arg6[%get3A_399, %get3A_400] {strides = array<i32>} : memref<2x128xf32, #tpu.memory_space<vmem>>, vector<1x16xf32>,
    %get3A_402 = vector.shape_cast %get3A_401 : vector<1x16xf32> to vector<16xf32>
    %add3A_403 = arith.addf %get3A_397, %get3A_402 : vector<16xf32>
    %swap3A_404 = arith.constant 2 : i32
    %swap3A_405 = arith.index_cast %swap3A_404 : i32 to index
    %swap3A_406 = arith.constant 112 : index
    %swap3A_407 = tpu.vector_load %arg7[%swap3A_405, %swap3A_406] {strides = array<i32>} : memref<16x128xf32, #tpu.memory_space<vmem>>, vector<1x16xf32>,
    %swap3A_408 = vector.shape_cast %swap3A_407 : vector<1x16xf32> to vector<16xf32>
    %swap3A_409 = vector.shape_cast %add3A_403 : vector<16xf32> to vector<1x16xf32>
    tpu.vector_store %arg7[%swap3A_405, %swap3A_406], %swap3A_409 {strides = array<i32>} : memref<16x128xf32, #tpu.memory_space<vmem>>, vector<1x16xf32>,
    %get3A_410 = arith.constant 1 : i32
    %get3A_411 = arith.index_cast %get3A_410 : i32 to index
    %get3A_412 = arith.constant 0 : index
    %get3A_413 = tpu.vector_load %arg5[%get3A_411, %get3A_412] {strides = array<i32>} : memref<8x128xf32, #tpu.memory_space<vmem>>, vector<1x16xf32>,
    %get3A_414 = vector.shape_cast %get3A_413 : vector<1x16xf32> to vector<16xf32>
    %get3A_415 = arith.constant 1 : i32
    %get3A_416 = arith.index_cast %get3A_415 : i32 to index
    %get3A_417 = arith.constant 0 : index
    %get3A_418 = tpu.vector_load %arg6[%get3A_416, %get3A_417] {strides = array<i32>} : memref<2x128xf32, #tpu.memory_space<vmem>>, vector<1x16xf32>,
    %get3A_419 = vector.shape_cast %get3A_418 : vector<1x16xf32> to vector<16xf32>
    %add3A_420 = arith.addf %get3A_414, %get3A_419 : vector<16xf32>
    %swap3A_421 = arith.constant 3 : i32
    %swap3A_422 = arith.index_cast %swap3A_421 : i32 to index
    %swap3A_423 = arith.constant 0 : index
    %swap3A_424 = tpu.vector_load %arg7[%swap3A_422, %swap3A_423] {strides = array<i32>} : memref<16x128xf32, #tpu.memory_space<vmem>>, vector<1x16xf32>,
    %swap3A_425 = vector.shape_cast %swap3A_424 : vector<1x16xf32> to vector<16xf32>
    %swap3A_426 = vector.shape_cast %add3A_420 : vector<16xf32> to vector<1x16xf32>
    tpu.vector_store %arg7[%swap3A_422, %swap3A_423], %swap3A_426 {strides = array<i32>} : memref<16x128xf32, #tpu.memory_space<vmem>>, vector<1x16xf32>,
    %get3A_427 = arith.constant 1 : i32
    %get3A_428 = arith.index_cast %get3A_427 : i32 to index
    %get3A_429 = arith.constant 16 : index
    %get3A_430 = tpu.vector_load %arg5[%get3A_428, %get3A_429] {strides = array<i32>} : memref<8x128xf32, #tpu.memory_space<vmem>>, vector<1x16xf32>,
    %get3A_431 = vector.shape_cast %get3A_430 : vector<1x16xf32> to vector<16xf32>
    %get3A_432 = arith.constant 1 : i32
    %get3A_433 = arith.index_cast %get3A_432 : i32 to index
    %get3A_434 = arith.constant 16 : index
    %get3A_435 = tpu.vector_load %arg6[%get3A_433, %get3A_434] {strides = array<i32>} : memref<2x128xf32, #tpu.memory_space<vmem>>, vector<1x16xf32>,
    %get3A_436 = vector.shape_cast %get3A_435 : vector<1x16xf32> to vector<16xf32>
    %add3A_437 = arith.addf %get3A_431, %get3A_436 : vector<16xf32>
    %swap3A_438 = arith.constant 3 : i32
    %swap3A_439 = arith.index_cast %swap3A_438 : i32 to index
    %swap3A_440 = arith.constant 16 : index
    %swap3A_441 = tpu.vector_load %arg7[%swap3A_439, %swap3A_440] {strides = array<i32>} : memref<16x128xf32, #tpu.memory_space<vmem>>, vector<1x16xf32>,
    %swap3A_442 = vector.shape_cast %swap3A_441 : vector<1x16xf32> to vector<16xf32>
    %swap3A_443 = vector.shape_cast %add3A_437 : vector<16xf32> to vector<1x16xf32>
    tpu.vector_store %arg7[%swap3A_439, %swap3A_440], %swap3A_443 {strides = array<i32>} : memref<16x128xf32, #tpu.memory_space<vmem>>, vector<1x16xf32>,
    %get3A_444 = arith.constant 1 : i32
    %get3A_445 = arith.index_cast %get3A_444 : i32 to index
    %get3A_446 = arith.constant 32 : index
    %get3A_447 = tpu.vector_load %arg5[%get3A_445, %get3A_446] {strides = array<i32>} : memref<8x128xf32, #tpu.memory_space<vmem>>, vector<1x16xf32>,
    %get3A_448 = vector.shape_cast %get3A_447 : vector<1x16xf32> to vector<16xf32>
    %get3A_449 = arith.constant 1 : i32
    %get3A_450 = arith.index_cast %get3A_449 : i32 to index
    %get3A_451 = arith.constant 32 : index
    %get3A_452 = tpu.vector_load %arg6[%get3A_450, %get3A_451] {strides = array<i32>} : memref<2x128xf32, #tpu.memory_space<vmem>>, vector<1x16xf32>,
    %get3A_453 = vector.shape_cast %get3A_452 : vector<1x16xf32> to vector<16xf32>
    %add3A_454 = arith.addf %get3A_448, %get3A_453 : vector<16xf32>
    %swap3A_455 = arith.constant 3 : i32
    %swap3A_456 = arith.index_cast %swap3A_455 : i32 to index
    %swap3A_457 = arith.constant 32 : index
    %swap3A_458 = tpu.vector_load %arg7[%swap3A_456, %swap3A_457] {strides = array<i32>} : memref<16x128xf32, #tpu.memory_space<vmem>>, vector<1x16xf32>,
    %swap3A_459 = vector.shape_cast %swap3A_458 : vector<1x16xf32> to vector<16xf32>
    %swap3A_460 = vector.shape_cast %add3A_454 : vector<16xf32> to vector<1x16xf32>
    tpu.vector_store %arg7[%swap3A_456, %swap3A_457], %swap3A_460 {strides = array<i32>} : memref<16x128xf32, #tpu.memory_space<vmem>>, vector<1x16xf32>,
    %get3A_461 = arith.constant 1 : i32
    %get3A_462 = arith.index_cast %get3A_461 : i32 to index
    %get3A_463 = arith.constant 48 : index
    %get3A_464 = tpu.vector_load %arg5[%get3A_462, %get3A_463] {strides = array<i32>} : memref<8x128xf32, #tpu.memory_space<vmem>>, vector<1x16xf32>,
    %get3A_465 = vector.shape_cast %get3A_464 : vector<1x16xf32> to vector<16xf32>
    %get3A_466 = arith.constant 1 : i32
    %get3A_467 = arith.index_cast %get3A_466 : i32 to index
    %get3A_468 = arith.constant 48 : index
    %get3A_469 = tpu.vector_load %arg6[%get3A_467, %get3A_468] {strides = array<i32>} : memref<2x128xf32, #tpu.memory_space<vmem>>, vector<1x16xf32>,
    %get3A_470 = vector.shape_cast %get3A_469 : vector<1x16xf32> to vector<16xf32>
    %add3A_471 = arith.addf %get3A_465, %get3A_470 : vector<16xf32>
    %swap3A_472 = arith.constant 3 : i32
    %swap3A_473 = arith.index_cast %swap3A_472 : i32 to index
    %swap3A_474 = arith.constant 48 : index
    %swap3A_475 = tpu.vector_load %arg7[%swap3A_473, %swap3A_474] {strides = array<i32>} : memref<16x128xf32, #tpu.memory_space<vmem>>, vector<1x16xf32>,
    %swap3A_476 = vector.shape_cast %swap3A_475 : vector<1x16xf32> to vector<16xf32>
    %swap3A_477 = vector.shape_cast %add3A_471 : vector<16xf32> to vector<1x16xf32>
    tpu.vector_store %arg7[%swap3A_473, %swap3A_474], %swap3A_477 {strides = array<i32>} : memref<16x128xf32, #tpu.memory_space<vmem>>, vector<1x16xf32>,
    %get3A_478 = arith.constant 1 : i32
    %get3A_479 = arith.index_cast %get3A_478 : i32 to index
    %get3A_480 = arith.constant 64 : index
    %get3A_481 = tpu.vector_load %arg5[%get3A_479, %get3A_480] {strides = array<i32>} : memref<8x128xf32, #tpu.memory_space<vmem>>, vector<1x16xf32>,
    %get3A_482 = vector.shape_cast %get3A_481 : vector<1x16xf32> to vector<16xf32>
    %get3A_483 = arith.constant 1 : i32
    %get3A_484 = arith.index_cast %get3A_483 : i32 to index
    %get3A_485 = arith.constant 64 : index
    %get3A_486 = tpu.vector_load %arg6[%get3A_484, %get3A_485] {strides = array<i32>} : memref<2x128xf32, #tpu.memory_space<vmem>>, vector<1x16xf32>,
    %get3A_487 = vector.shape_cast %get3A_486 : vector<1x16xf32> to vector<16xf32>
    %add3A_488 = arith.addf %get3A_482, %get3A_487 : vector<16xf32>
    %swap3A_489 = arith.constant 3 : i32
    %swap3A_490 = arith.index_cast %swap3A_489 : i32 to index
    %swap3A_491 = arith.constant 64 : index
    %swap3A_492 = tpu.vector_load %arg7[%swap3A_490, %swap3A_491] {strides = array<i32>} : memref<16x128xf32, #tpu.memory_space<vmem>>, vector<1x16xf32>,
    %swap3A_493 = vector.shape_cast %swap3A_492 : vector<1x16xf32> to vector<16xf32>
    %swap3A_494 = vector.shape_cast %add3A_488 : vector<16xf32> to vector<1x16xf32>
    tpu.vector_store %arg7[%swap3A_490, %swap3A_491], %swap3A_494 {strides = array<i32>} : memref<16x128xf32, #tpu.memory_space<vmem>>, vector<1x16xf32>,
    %get3A_495 = arith.constant 1 : i32
    %get3A_496 = arith.index_cast %get3A_495 : i32 to index
    %get3A_497 = arith.constant 80 : index
    %get3A_498 = tpu.vector_load %arg5[%get3A_496, %get3A_497] {strides = array<i32>} : memref<8x128xf32, #tpu.memory_space<vmem>>, vector<1x16xf32>,
    %get3A_499 = vector.shape_cast %get3A_498 : vector<1x16xf32> to vector<16xf32>
    %get3A_500 = arith.constant 1 : i32
    %get3A_501 = arith.index_cast %get3A_500 : i32 to index
    %get3A_502 = arith.constant 80 : index
    %get3A_503 = tpu.vector_load %arg6[%get3A_501, %get3A_502] {strides = array<i32>} : memref<2x128xf32, #tpu.memory_space<vmem>>, vector<1x16xf32>,
    %get3A_504 = vector.shape_cast %get3A_503 : vector<1x16xf32> to vector<16xf32>
    %add3A_505 = arith.addf %get3A_499, %get3A_504 : vector<16xf32>
    %swap3A_506 = arith.constant 3 : i32
    %swap3A_507 = arith.index_cast %swap3A_506 : i32 to index
    %swap3A_508 = arith.constant 80 : index
    %swap3A_509 = tpu.vector_load %arg7[%swap3A_507, %swap3A_508] {strides = array<i32>} : memref<16x128xf32, #tpu.memory_space<vmem>>, vector<1x16xf32>,
    %swap3A_510 = vector.shape_cast %swap3A_509 : vector<1x16xf32> to vector<16xf32>
    %swap3A_511 = vector.shape_cast %add3A_505 : vector<16xf32> to vector<1x16xf32>
    tpu.vector_store %arg7[%swap3A_507, %swap3A_508], %swap3A_511 {strides = array<i32>} : memref<16x128xf32, #tpu.memory_space<vmem>>, vector<1x16xf32>,
    %get3A_512 = arith.constant 1 : i32
    %get3A_513 = arith.index_cast %get3A_512 : i32 to index
    %get3A_514 = arith.constant 96 : index
    %get3A_515 = tpu.vector_load %arg5[%get3A_513, %get3A_514] {strides = array<i32>} : memref<8x128xf32, #tpu.memory_space<vmem>>, vector<1x16xf32>,
    %get3A_516 = vector.shape_cast %get3A_515 : vector<1x16xf32> to vector<16xf32>
    %get3A_517 = arith.constant 1 : i32
    %get3A_518 = arith.index_cast %get3A_517 : i32 to index
    %get3A_519 = arith.constant 96 : index
    %get3A_520 = tpu.vector_load %arg6[%get3A_518, %get3A_519] {strides = array<i32>} : memref<2x128xf32, #tpu.memory_space<vmem>>, vector<1x16xf32>,
    %get3A_521 = vector.shape_cast %get3A_520 : vector<1x16xf32> to vector<16xf32>
    %add3A_522 = arith.addf %get3A_516, %get3A_521 : vector<16xf32>
    %swap3A_523 = arith.constant 3 : i32
    %swap3A_524 = arith.index_cast %swap3A_523 : i32 to index
    %swap3A_525 = arith.constant 96 : index
    %swap3A_526 = tpu.vector_load %arg7[%swap3A_524, %swap3A_525] {strides = array<i32>} : memref<16x128xf32, #tpu.memory_space<vmem>>, vector<1x16xf32>,
    %swap3A_527 = vector.shape_cast %swap3A_526 : vector<1x16xf32> to vector<16xf32>
    %swap3A_528 = vector.shape_cast %add3A_522 : vector<16xf32> to vector<1x16xf32>
    tpu.vector_store %arg7[%swap3A_524, %swap3A_525], %swap3A_528 {strides = array<i32>} : memref<16x128xf32, #tpu.memory_space<vmem>>, vector<1x16xf32>,
    %get3A_529 = arith.constant 1 : i32
    %get3A_530 = arith.index_cast %get3A_529 : i32 to index
    %get3A_531 = arith.constant 112 : index
    %get3A_532 = tpu.vector_load %arg5[%get3A_530, %get3A_531] {strides = array<i32>} : memref<8x128xf32, #tpu.memory_space<vmem>>, vector<1x16xf32>,
    %get3A_533 = vector.shape_cast %get3A_532 : vector<1x16xf32> to vector<16xf32>
    %get3A_534 = arith.constant 1 : i32
    %get3A_535 = arith.index_cast %get3A_534 : i32 to index
    %get3A_536 = arith.constant 112 : index
    %get3A_537 = tpu.vector_load %arg6[%get3A_535, %get3A_536] {strides = array<i32>} : memref<2x128xf32, #tpu.memory_space<vmem>>, vector<1x16xf32>,
    %get3A_538 = vector.shape_cast %get3A_537 : vector<1x16xf32> to vector<16xf32>
    %add3A_539 = arith.addf %get3A_533, %get3A_538 : vector<16xf32>
    %swap3A_540 = arith.constant 3 : i32
    %swap3A_541 = arith.index_cast %swap3A_540 : i32 to index
    %swap3A_542 = arith.constant 112 : index
    %swap3A_543 = tpu.vector_load %arg7[%swap3A_541, %swap3A_542] {strides = array<i32>} : memref<16x128xf32, #tpu.memory_space<vmem>>, vector<1x16xf32>,
    %swap3A_544 = vector.shape_cast %swap3A_543 : vector<1x16xf32> to vector<16xf32>
    %swap3A_545 = vector.shape_cast %add3A_539 : vector<16xf32> to vector<1x16xf32>
    tpu.vector_store %arg7[%swap3A_541, %swap3A_542], %swap3A_545 {strides = array<i32>} : memref<16x128xf32, #tpu.memory_space<vmem>>, vector<1x16xf32>,
    %get3A_546 = arith.constant 2 : i32
    %get3A_547 = arith.index_cast %get3A_546 : i32 to index
    %get3A_548 = arith.constant 0 : index
    %get3A_549 = tpu.vector_load %arg5[%get3A_547, %get3A_548] {strides = array<i32>} : memref<8x128xf32, #tpu.memory_space<vmem>>, vector<1x16xf32>,
    %get3A_550 = vector.shape_cast %get3A_549 : vector<1x16xf32> to vector<16xf32>
    %get3A_551 = arith.constant 0 : i32
    %get3A_552 = arith.index_cast %get3A_551 : i32 to index
    %get3A_553 = arith.constant 0 : index
    %get3A_554 = tpu.vector_load %arg6[%get3A_552, %get3A_553] {strides = array<i32>} : memref<2x128xf32, #tpu.memory_space<vmem>>, vector<1x16xf32>,
    %get3A_555 = vector.shape_cast %get3A_554 : vector<1x16xf32> to vector<16xf32>
    %add3A_556 = arith.addf %get3A_550, %get3A_555 : vector<16xf32>
    %swap3A_557 = arith.constant 4 : i32
    %swap3A_558 = arith.index_cast %swap3A_557 : i32 to index
    %swap3A_559 = arith.constant 0 : index
    %swap3A_560 = tpu.vector_load %arg7[%swap3A_558, %swap3A_559] {strides = array<i32>} : memref<16x128xf32, #tpu.memory_space<vmem>>, vector<1x16xf32>,
    %swap3A_561 = vector.shape_cast %swap3A_560 : vector<1x16xf32> to vector<16xf32>
    %swap3A_562 = vector.shape_cast %add3A_556 : vector<16xf32> to vector<1x16xf32>
    tpu.vector_store %arg7[%swap3A_558, %swap3A_559], %swap3A_562 {strides = array<i32>} : memref<16x128xf32, #tpu.memory_space<vmem>>, vector<1x16xf32>,
    %get3A_563 = arith.constant 2 : i32
    %get3A_564 = arith.index_cast %get3A_563 : i32 to index
    %get3A_565 = arith.constant 16 : index
    %get3A_566 = tpu.vector_load %arg5[%get3A_564, %get3A_565] {strides = array<i32>} : memref<8x128xf32, #tpu.memory_space<vmem>>, vector<1x16xf32>,
    %get3A_567 = vector.shape_cast %get3A_566 : vector<1x16xf32> to vector<16xf32>
    %get3A_568 = arith.constant 0 : i32
    %get3A_569 = arith.index_cast %get3A_568 : i32 to index
    %get3A_570 = arith.constant 16 : index
    %get3A_571 = tpu.vector_load %arg6[%get3A_569, %get3A_570] {strides = array<i32>} : memref<2x128xf32, #tpu.memory_space<vmem>>, vector<1x16xf32>,
    %get3A_572 = vector.shape_cast %get3A_571 : vector<1x16xf32> to vector<16xf32>
    %add3A_573 = arith.addf %get3A_567, %get3A_572 : vector<16xf32>
    %swap3A_574 = arith.constant 4 : i32
    %swap3A_575 = arith.index_cast %swap3A_574 : i32 to index
    %swap3A_576 = arith.constant 16 : index
    %swap3A_577 = tpu.vector_load %arg7[%swap3A_575, %swap3A_576] {strides = array<i32>} : memref<16x128xf32, #tpu.memory_space<vmem>>, vector<1x16xf32>,
    %swap3A_578 = vector.shape_cast %swap3A_577 : vector<1x16xf32> to vector<16xf32>
    %swap3A_579 = vector.shape_cast %add3A_573 : vector<16xf32> to vector<1x16xf32>
    tpu.vector_store %arg7[%swap3A_575, %swap3A_576], %swap3A_579 {strides = array<i32>} : memref<16x128xf32, #tpu.memory_space<vmem>>, vector<1x16xf32>,
    %get3A_580 = arith.constant 2 : i32
    %get3A_581 = arith.index_cast %get3A_580 : i32 to index
    %get3A_582 = arith.constant 32 : index
    %get3A_583 = tpu.vector_load %arg5[%get3A_581, %get3A_582] {strides = array<i32>} : memref<8x128xf32, #tpu.memory_space<vmem>>, vector<1x16xf32>,
    %get3A_584 = vector.shape_cast %get3A_583 : vector<1x16xf32> to vector<16xf32>
    %get3A_585 = arith.constant 0 : i32
    %get3A_586 = arith.index_cast %get3A_585 : i32 to index
    %get3A_587 = arith.constant 32 : index
    %get3A_588 = tpu.vector_load %arg6[%get3A_586, %get3A_587] {strides = array<i32>} : memref<2x128xf32, #tpu.memory_space<vmem>>, vector<1x16xf32>,
    %get3A_589 = vector.shape_cast %get3A_588 : vector<1x16xf32> to vector<16xf32>
    %add3A_590 = arith.addf %get3A_584, %get3A_589 : vector<16xf32>
    %swap3A_591 = arith.constant 4 : i32
    %swap3A_592 = arith.index_cast %swap3A_591 : i32 to index
    %swap3A_593 = arith.constant 32 : index
    %swap3A_594 = tpu.vector_load %arg7[%swap3A_592, %swap3A_593] {strides = array<i32>} : memref<16x128xf32, #tpu.memory_space<vmem>>, vector<1x16xf32>,
    %swap3A_595 = vector.shape_cast %swap3A_594 : vector<1x16xf32> to vector<16xf32>
    %swap3A_596 = vector.shape_cast %add3A_590 : vector<16xf32> to vector<1x16xf32>
    tpu.vector_store %arg7[%swap3A_592, %swap3A_593], %swap3A_596 {strides = array<i32>} : memref<16x128xf32, #tpu.memory_space<vmem>>, vector<1x16xf32>,
    %get3A_597 = arith.constant 2 : i32
    %get3A_598 = arith.index_cast %get3A_597 : i32 to index
    %get3A_599 = arith.constant 48 : index
    %get3A_600 = tpu.vector_load %arg5[%get3A_598, %get3A_599] {strides = array<i32>} : memref<8x128xf32, #tpu.memory_space<vmem>>, vector<1x16xf32>,
    %get3A_601 = vector.shape_cast %get3A_600 : vector<1x16xf32> to vector<16xf32>
    %get3A_602 = arith.constant 0 : i32
    %get3A_603 = arith.index_cast %get3A_602 : i32 to index
    %get3A_604 = arith.constant 48 : index
    %get3A_605 = tpu.vector_load %arg6[%get3A_603, %get3A_604] {strides = array<i32>} : memref<2x128xf32, #tpu.memory_space<vmem>>, vector<1x16xf32>,
    %get3A_606 = vector.shape_cast %get3A_605 : vector<1x16xf32> to vector<16xf32>
    %add3A_607 = arith.addf %get3A_601, %get3A_606 : vector<16xf32>
    %swap3A_608 = arith.constant 4 : i32
    %swap3A_609 = arith.index_cast %swap3A_608 : i32 to index
    %swap3A_610 = arith.constant 48 : index
    %swap3A_611 = tpu.vector_load %arg7[%swap3A_609, %swap3A_610] {strides = array<i32>} : memref<16x128xf32, #tpu.memory_space<vmem>>, vector<1x16xf32>,
    %swap3A_612 = vector.shape_cast %swap3A_611 : vector<1x16xf32> to vector<16xf32>
    %swap3A_613 = vector.shape_cast %add3A_607 : vector<16xf32> to vector<1x16xf32>
    tpu.vector_store %arg7[%swap3A_609, %swap3A_610], %swap3A_613 {strides = array<i32>} : memref<16x128xf32, #tpu.memory_space<vmem>>, vector<1x16xf32>,
    %get3A_614 = arith.constant 2 : i32
    %get3A_615 = arith.index_cast %get3A_614 : i32 to index
    %get3A_616 = arith.constant 64 : index
    %get3A_617 = tpu.vector_load %arg5[%get3A_615, %get3A_616] {strides = array<i32>} : memref<8x128xf32, #tpu.memory_space<vmem>>, vector<1x16xf32>,
    %get3A_618 = vector.shape_cast %get3A_617 : vector<1x16xf32> to vector<16xf32>
    %get3A_619 = arith.constant 0 : i32
    %get3A_620 = arith.index_cast %get3A_619 : i32 to index
    %get3A_621 = arith.constant 64 : index
    %get3A_622 = tpu.vector_load %arg6[%get3A_620, %get3A_621] {strides = array<i32>} : memref<2x128xf32, #tpu.memory_space<vmem>>, vector<1x16xf32>,
    %get3A_623 = vector.shape_cast %get3A_622 : vector<1x16xf32> to vector<16xf32>
    %add3A_624 = arith.addf %get3A_618, %get3A_623 : vector<16xf32>
    %swap3A_625 = arith.constant 4 : i32
    %swap3A_626 = arith.index_cast %swap3A_625 : i32 to index
    %swap3A_627 = arith.constant 64 : index
    %swap3A_628 = tpu.vector_load %arg7[%swap3A_626, %swap3A_627] {strides = array<i32>} : memref<16x128xf32, #tpu.memory_space<vmem>>, vector<1x16xf32>,
    %swap3A_629 = vector.shape_cast %swap3A_628 : vector<1x16xf32> to vector<16xf32>
    %swap3A_630 = vector.shape_cast %add3A_624 : vector<16xf32> to vector<1x16xf32>
    tpu.vector_store %arg7[%swap3A_626, %swap3A_627], %swap3A_630 {strides = array<i32>} : memref<16x128xf32, #tpu.memory_space<vmem>>, vector<1x16xf32>,
    %get3A_631 = arith.constant 2 : i32
    %get3A_632 = arith.index_cast %get3A_631 : i32 to index
    %get3A_633 = arith.constant 80 : index
    %get3A_634 = tpu.vector_load %arg5[%get3A_632, %get3A_633] {strides = array<i32>} : memref<8x128xf32, #tpu.memory_space<vmem>>, vector<1x16xf32>,
    %get3A_635 = vector.shape_cast %get3A_634 : vector<1x16xf32> to vector<16xf32>
    %get3A_636 = arith.constant 0 : i32
    %get3A_637 = arith.index_cast %get3A_636 : i32 to index
    %get3A_638 = arith.constant 80 : index
    %get3A_639 = tpu.vector_load %arg6[%get3A_637, %get3A_638] {strides = array<i32>} : memref<2x128xf32, #tpu.memory_space<vmem>>, vector<1x16xf32>,
    %get3A_640 = vector.shape_cast %get3A_639 : vector<1x16xf32> to vector<16xf32>
    %add3A_641 = arith.addf %get3A_635, %get3A_640 : vector<16xf32>
    %swap3A_642 = arith.constant 4 : i32
    %swap3A_643 = arith.index_cast %swap3A_642 : i32 to index
    %swap3A_644 = arith.constant 80 : index
    %swap3A_645 = tpu.vector_load %arg7[%swap3A_643, %swap3A_644] {strides = array<i32>} : memref<16x128xf32, #tpu.memory_space<vmem>>, vector<1x16xf32>,
    %swap3A_646 = vector.shape_cast %swap3A_645 : vector<1x16xf32> to vector<16xf32>
    %swap3A_647 = vector.shape_cast %add3A_641 : vector<16xf32> to vector<1x16xf32>
    tpu.vector_store %arg7[%swap3A_643, %swap3A_644], %swap3A_647 {strides = array<i32>} : memref<16x128xf32, #tpu.memory_space<vmem>>, vector<1x16xf32>,
    %get3A_648 = arith.constant 2 : i32
    %get3A_649 = arith.index_cast %get3A_648 : i32 to index
    %get3A_650 = arith.constant 96 : index
    %get3A_651 = tpu.vector_load %arg5[%get3A_649, %get3A_650] {strides = array<i32>} : memref<8x128xf32, #tpu.memory_space<vmem>>, vector<1x16xf32>,
    %get3A_652 = vector.shape_cast %get3A_651 : vector<1x16xf32> to vector<16xf32>
    %get3A_653 = arith.constant 0 : i32
    %get3A_654 = arith.index_cast %get3A_653 : i32 to index
    %get3A_655 = arith.constant 96 : index
    %get3A_656 = tpu.vector_load %arg6[%get3A_654, %get3A_655] {strides = array<i32>} : memref<2x128xf32, #tpu.memory_space<vmem>>, vector<1x16xf32>,
    %get3A_657 = vector.shape_cast %get3A_656 : vector<1x16xf32> to vector<16xf32>
    %add3A_658 = arith.addf %get3A_652, %get3A_657 : vector<16xf32>
    %swap3A_659 = arith.constant 4 : i32
    %swap3A_660 = arith.index_cast %swap3A_659 : i32 to index
    %swap3A_661 = arith.constant 96 : index
    %swap3A_662 = tpu.vector_load %arg7[%swap3A_660, %swap3A_661] {strides = array<i32>} : memref<16x128xf32, #tpu.memory_space<vmem>>, vector<1x16xf32>,
    %swap3A_663 = vector.shape_cast %swap3A_662 : vector<1x16xf32> to vector<16xf32>
    %swap3A_664 = vector.shape_cast %add3A_658 : vector<16xf32> to vector<1x16xf32>
    tpu.vector_store %arg7[%swap3A_660, %swap3A_661], %swap3A_664 {strides = array<i32>} : memref<16x128xf32, #tpu.memory_space<vmem>>, vector<1x16xf32>,
    %get3A_665 = arith.constant 2 : i32
    %get3A_666 = arith.index_cast %get3A_665 : i32 to index
    %get3A_667 = arith.constant 112 : index
    %get3A_668 = tpu.vector_load %arg5[%get3A_666, %get3A_667] {strides = array<i32>} : memref<8x128xf32, #tpu.memory_space<vmem>>, vector<1x16xf32>,
    %get3A_669 = vector.shape_cast %get3A_668 : vector<1x16xf32> to vector<16xf32>
    %get3A_670 = arith.constant 0 : i32
    %get3A_671 = arith.index_cast %get3A_670 : i32 to index
    %get3A_672 = arith.constant 112 : index
    %get3A_673 = tpu.vector_load %arg6[%get3A_671, %get3A_672] {strides = array<i32>} : memref<2x128xf32, #tpu.memory_space<vmem>>, vector<1x16xf32>,
    %get3A_674 = vector.shape_cast %get3A_673 : vector<1x16xf32> to vector<16xf32>
    %add3A_675 = arith.addf %get3A_669, %get3A_674 : vector<16xf32>
    %swap3A_676 = arith.constant 4 : i32
    %swap3A_677 = arith.index_cast %swap3A_676 : i32 to index
    %swap3A_678 = arith.constant 112 : index
    %swap3A_679 = tpu.vector_load %arg7[%swap3A_677, %swap3A_678] {strides = array<i32>} : memref<16x128xf32, #tpu.memory_space<vmem>>, vector<1x16xf32>,
    %swap3A_680 = vector.shape_cast %swap3A_679 : vector<1x16xf32> to vector<16xf32>
    %swap3A_681 = vector.shape_cast %add3A_675 : vector<16xf32> to vector<1x16xf32>
    tpu.vector_store %arg7[%swap3A_677, %swap3A_678], %swap3A_681 {strides = array<i32>} : memref<16x128xf32, #tpu.memory_space<vmem>>, vector<1x16xf32>,
    %get3A_682 = arith.constant 2 : i32
    %get3A_683 = arith.index_cast %get3A_682 : i32 to index
    %get3A_684 = arith.constant 0 : index
    %get3A_685 = tpu.vector_load %arg5[%get3A_683, %get3A_684] {strides = array<i32>} : memref<8x128xf32, #tpu.memory_space<vmem>>, vector<1x16xf32>,
    %get3A_686 = vector.shape_cast %get3A_685 : vector<1x16xf32> to vector<16xf32>
    %get3A_687 = arith.constant 1 : i32
    %get3A_688 = arith.index_cast %get3A_687 : i32 to index
    %get3A_689 = arith.constant 0 : index
    %get3A_690 = tpu.vector_load %arg6[%get3A_688, %get3A_689] {strides = array<i32>} : memref<2x128xf32, #tpu.memory_space<vmem>>, vector<1x16xf32>,
    %get3A_691 = vector.shape_cast %get3A_690 : vector<1x16xf32> to vector<16xf32>
    %add3A_692 = arith.addf %get3A_686, %get3A_691 : vector<16xf32>
    %swap3A_693 = arith.constant 5 : i32
    %swap3A_694 = arith.index_cast %swap3A_693 : i32 to index
    %swap3A_695 = arith.constant 0 : index
    %swap3A_696 = tpu.vector_load %arg7[%swap3A_694, %swap3A_695] {strides = array<i32>} : memref<16x128xf32, #tpu.memory_space<vmem>>, vector<1x16xf32>,
    %swap3A_697 = vector.shape_cast %swap3A_696 : vector<1x16xf32> to vector<16xf32>
    %swap3A_698 = vector.shape_cast %add3A_692 : vector<16xf32> to vector<1x16xf32>
    tpu.vector_store %arg7[%swap3A_694, %swap3A_695], %swap3A_698 {strides = array<i32>} : memref<16x128xf32, #tpu.memory_space<vmem>>, vector<1x16xf32>,
    %get3A_699 = arith.constant 2 : i32
    %get3A_700 = arith.index_cast %get3A_699 : i32 to index
    %get3A_701 = arith.constant 16 : index
    %get3A_702 = tpu.vector_load %arg5[%get3A_700, %get3A_701] {strides = array<i32>} : memref<8x128xf32, #tpu.memory_space<vmem>>, vector<1x16xf32>,
    %get3A_703 = vector.shape_cast %get3A_702 : vector<1x16xf32> to vector<16xf32>
    %get3A_704 = arith.constant 1 : i32
    %get3A_705 = arith.index_cast %get3A_704 : i32 to index
    %get3A_706 = arith.constant 16 : index
    %get3A_707 = tpu.vector_load %arg6[%get3A_705, %get3A_706] {strides = array<i32>} : memref<2x128xf32, #tpu.memory_space<vmem>>, vector<1x16xf32>,
    %get3A_708 = vector.shape_cast %get3A_707 : vector<1x16xf32> to vector<16xf32>
    %add3A_709 = arith.addf %get3A_703, %get3A_708 : vector<16xf32>
    %swap3A_710 = arith.constant 5 : i32
    %swap3A_711 = arith.index_cast %swap3A_710 : i32 to index
    %swap3A_712 = arith.constant 16 : index
    %swap3A_713 = tpu.vector_load %arg7[%swap3A_711, %swap3A_712] {strides = array<i32>} : memref<16x128xf32, #tpu.memory_space<vmem>>, vector<1x16xf32>,
    %swap3A_714 = vector.shape_cast %swap3A_713 : vector<1x16xf32> to vector<16xf32>
    %swap3A_715 = vector.shape_cast %add3A_709 : vector<16xf32> to vector<1x16xf32>
    tpu.vector_store %arg7[%swap3A_711, %swap3A_712], %swap3A_715 {strides = array<i32>} : memref<16x128xf32, #tpu.memory_space<vmem>>, vector<1x16xf32>,
    %get3A_716 = arith.constant 2 : i32
    %get3A_717 = arith.index_cast %get3A_716 : i32 to index
    %get3A_718 = arith.constant 32 : index
    %get3A_719 = tpu.vector_load %arg5[%get3A_717, %get3A_718] {strides = array<i32>} : memref<8x128xf32, #tpu.memory_space<vmem>>, vector<1x16xf32>,
    %get3A_720 = vector.shape_cast %get3A_719 : vector<1x16xf32> to vector<16xf32>
    %get3A_721 = arith.constant 1 : i32
    %get3A_722 = arith.index_cast %get3A_721 : i32 to index
    %get3A_723 = arith.constant 32 : index
    %get3A_724 = tpu.vector_load %arg6[%get3A_722, %get3A_723] {strides = array<i32>} : memref<2x128xf32, #tpu.memory_space<vmem>>, vector<1x16xf32>,
    %get3A_725 = vector.shape_cast %get3A_724 : vector<1x16xf32> to vector<16xf32>
    %add3A_726 = arith.addf %get3A_720, %get3A_725 : vector<16xf32>
    %swap3A_727 = arith.constant 5 : i32
    %swap3A_728 = arith.index_cast %swap3A_727 : i32 to index
    %swap3A_729 = arith.constant 32 : index
    %swap3A_730 = tpu.vector_load %arg7[%swap3A_728, %swap3A_729] {strides = array<i32>} : memref<16x128xf32, #tpu.memory_space<vmem>>, vector<1x16xf32>,
    %swap3A_731 = vector.shape_cast %swap3A_730 : vector<1x16xf32> to vector<16xf32>
    %swap3A_732 = vector.shape_cast %add3A_726 : vector<16xf32> to vector<1x16xf32>
    tpu.vector_store %arg7[%swap3A_728, %swap3A_729], %swap3A_732 {strides = array<i32>} : memref<16x128xf32, #tpu.memory_space<vmem>>, vector<1x16xf32>,
    %get3A_733 = arith.constant 2 : i32
    %get3A_734 = arith.index_cast %get3A_733 : i32 to index
    %get3A_735 = arith.constant 48 : index
    %get3A_736 = tpu.vector_load %arg5[%get3A_734, %get3A_735] {strides = array<i32>} : memref<8x128xf32, #tpu.memory_space<vmem>>, vector<1x16xf32>,
    %get3A_737 = vector.shape_cast %get3A_736 : vector<1x16xf32> to vector<16xf32>
    %get3A_738 = arith.constant 1 : i32
    %get3A_739 = arith.index_cast %get3A_738 : i32 to index
    %get3A_740 = arith.constant 48 : index
    %get3A_741 = tpu.vector_load %arg6[%get3A_739, %get3A_740] {strides = array<i32>} : memref<2x128xf32, #tpu.memory_space<vmem>>, vector<1x16xf32>,
    %get3A_742 = vector.shape_cast %get3A_741 : vector<1x16xf32> to vector<16xf32>
    %add3A_743 = arith.addf %get3A_737, %get3A_742 : vector<16xf32>
    %swap3A_744 = arith.constant 5 : i32
    %swap3A_745 = arith.index_cast %swap3A_744 : i32 to index
    %swap3A_746 = arith.constant 48 : index
    %swap3A_747 = tpu.vector_load %arg7[%swap3A_745, %swap3A_746] {strides = array<i32>} : memref<16x128xf32, #tpu.memory_space<vmem>>, vector<1x16xf32>,
    %swap3A_748 = vector.shape_cast %swap3A_747 : vector<1x16xf32> to vector<16xf32>
    %swap3A_749 = vector.shape_cast %add3A_743 : vector<16xf32> to vector<1x16xf32>
    tpu.vector_store %arg7[%swap3A_745, %swap3A_746], %swap3A_749 {strides = array<i32>} : memref<16x128xf32, #tpu.memory_space<vmem>>, vector<1x16xf32>,
    %get3A_750 = arith.constant 2 : i32
    %get3A_751 = arith.index_cast %get3A_750 : i32 to index
    %get3A_752 = arith.constant 64 : index
    %get3A_753 = tpu.vector_load %arg5[%get3A_751, %get3A_752] {strides = array<i32>} : memref<8x128xf32, #tpu.memory_space<vmem>>, vector<1x16xf32>,
    %get3A_754 = vector.shape_cast %get3A_753 : vector<1x16xf32> to vector<16xf32>
    %get3A_755 = arith.constant 1 : i32
    %get3A_756 = arith.index_cast %get3A_755 : i32 to index
    %get3A_757 = arith.constant 64 : index
    %get3A_758 = tpu.vector_load %arg6[%get3A_756, %get3A_757] {strides = array<i32>} : memref<2x128xf32, #tpu.memory_space<vmem>>, vector<1x16xf32>,
    %get3A_759 = vector.shape_cast %get3A_758 : vector<1x16xf32> to vector<16xf32>
    %add3A_760 = arith.addf %get3A_754, %get3A_759 : vector<16xf32>
    %swap3A_761 = arith.constant 5 : i32
    %swap3A_762 = arith.index_cast %swap3A_761 : i32 to index
    %swap3A_763 = arith.constant 64 : index
    %swap3A_764 = tpu.vector_load %arg7[%swap3A_762, %swap3A_763] {strides = array<i32>} : memref<16x128xf32, #tpu.memory_space<vmem>>, vector<1x16xf32>,
    %swap3A_765 = vector.shape_cast %swap3A_764 : vector<1x16xf32> to vector<16xf32>
    %swap3A_766 = vector.shape_cast %add3A_760 : vector<16xf32> to vector<1x16xf32>
    tpu.vector_store %arg7[%swap3A_762, %swap3A_763], %swap3A_766 {strides = array<i32>} : memref<16x128xf32, #tpu.memory_space<vmem>>, vector<1x16xf32>,
    %get3A_767 = arith.constant 2 : i32
    %get3A_768 = arith.index_cast %get3A_767 : i32 to index
    %get3A_769 = arith.constant 80 : index
    %get3A_770 = tpu.vector_load %arg5[%get3A_768, %get3A_769] {strides = array<i32>} : memref<8x128xf32, #tpu.memory_space<vmem>>, vector<1x16xf32>,
    %get3A_771 = vector.shape_cast %get3A_770 : vector<1x16xf32> to vector<16xf32>
    %get3A_772 = arith.constant 1 : i32
    %get3A_773 = arith.index_cast %get3A_772 : i32 to index
    %get3A_774 = arith.constant 80 : index
    %get3A_775 = tpu.vector_load %arg6[%get3A_773, %get3A_774] {strides = array<i32>} : memref<2x128xf32, #tpu.memory_space<vmem>>, vector<1x16xf32>,
    %get3A_776 = vector.shape_cast %get3A_775 : vector<1x16xf32> to vector<16xf32>
    %add3A_777 = arith.addf %get3A_771, %get3A_776 : vector<16xf32>
    %swap3A_778 = arith.constant 5 : i32
    %swap3A_779 = arith.index_cast %swap3A_778 : i32 to index
    %swap3A_780 = arith.constant 80 : index
    %swap3A_781 = tpu.vector_load %arg7[%swap3A_779, %swap3A_780] {strides = array<i32>} : memref<16x128xf32, #tpu.memory_space<vmem>>, vector<1x16xf32>,
    %swap3A_782 = vector.shape_cast %swap3A_781 : vector<1x16xf32> to vector<16xf32>
    %swap3A_783 = vector.shape_cast %add3A_777 : vector<16xf32> to vector<1x16xf32>
    tpu.vector_store %arg7[%swap3A_779, %swap3A_780], %swap3A_783 {strides = array<i32>} : memref<16x128xf32, #tpu.memory_space<vmem>>, vector<1x16xf32>,
    %get3A_784 = arith.constant 2 : i32
    %get3A_785 = arith.index_cast %get3A_784 : i32 to index
    %get3A_786 = arith.constant 96 : index
    %get3A_787 = tpu.vector_load %arg5[%get3A_785, %get3A_786] {strides = array<i32>} : memref<8x128xf32, #tpu.memory_space<vmem>>, vector<1x16xf32>,
    %get3A_788 = vector.shape_cast %get3A_787 : vector<1x16xf32> to vector<16xf32>
    %get3A_789 = arith.constant 1 : i32
    %get3A_790 = arith.index_cast %get3A_789 : i32 to index
    %get3A_791 = arith.constant 96 : index
    %get3A_792 = tpu.vector_load %arg6[%get3A_790, %get3A_791] {strides = array<i32>} : memref<2x128xf32, #tpu.memory_space<vmem>>, vector<1x16xf32>,
    %get3A_793 = vector.shape_cast %get3A_792 : vector<1x16xf32> to vector<16xf32>
    %add3A_794 = arith.addf %get3A_788, %get3A_793 : vector<16xf32>
    %swap3A_795 = arith.constant 5 : i32
    %swap3A_796 = arith.index_cast %swap3A_795 : i32 to index
    %swap3A_797 = arith.constant 96 : index
    %swap3A_798 = tpu.vector_load %arg7[%swap3A_796, %swap3A_797] {strides = array<i32>} : memref<16x128xf32, #tpu.memory_space<vmem>>, vector<1x16xf32>,
    %swap3A_799 = vector.shape_cast %swap3A_798 : vector<1x16xf32> to vector<16xf32>
    %swap3A_800 = vector.shape_cast %add3A_794 : vector<16xf32> to vector<1x16xf32>
    tpu.vector_store %arg7[%swap3A_796, %swap3A_797], %swap3A_800 {strides = array<i32>} : memref<16x128xf32, #tpu.memory_space<vmem>>, vector<1x16xf32>,
    %get3A_801 = arith.constant 2 : i32
    %get3A_802 = arith.index_cast %get3A_801 : i32 to index
    %get3A_803 = arith.constant 112 : index
    %get3A_804 = tpu.vector_load %arg5[%get3A_802, %get3A_803] {strides = array<i32>} : memref<8x128xf32, #tpu.memory_space<vmem>>, vector<1x16xf32>,
    %get3A_805 = vector.shape_cast %get3A_804 : vector<1x16xf32> to vector<16xf32>
    %get3A_806 = arith.constant 1 : i32
    %get3A_807 = arith.index_cast %get3A_806 : i32 to index
    %get3A_808 = arith.constant 112 : index
    %get3A_809 = tpu.vector_load %arg6[%get3A_807, %get3A_808] {strides = array<i32>} : memref<2x128xf32, #tpu.memory_space<vmem>>, vector<1x16xf32>,
    %get3A_810 = vector.shape_cast %get3A_809 : vector<1x16xf32> to vector<16xf32>
    %add3A_811 = arith.addf %get3A_805, %get3A_810 : vector<16xf32>
    %swap3A_812 = arith.constant 5 : i32
    %swap3A_813 = arith.index_cast %swap3A_812 : i32 to index
    %swap3A_814 = arith.constant 112 : index
    %swap3A_815 = tpu.vector_load %arg7[%swap3A_813, %swap3A_814] {strides = array<i32>} : memref<16x128xf32, #tpu.memory_space<vmem>>, vector<1x16xf32>,
    %swap3A_816 = vector.shape_cast %swap3A_815 : vector<1x16xf32> to vector<16xf32>
    %swap3A_817 = vector.shape_cast %add3A_811 : vector<16xf32> to vector<1x16xf32>
    tpu.vector_store %arg7[%swap3A_813, %swap3A_814], %swap3A_817 {strides = array<i32>} : memref<16x128xf32, #tpu.memory_space<vmem>>, vector<1x16xf32>,
    %get3A_818 = arith.constant 3 : i32
    %get3A_819 = arith.index_cast %get3A_818 : i32 to index
    %get3A_820 = arith.constant 0 : index
    %get3A_821 = tpu.vector_load %arg5[%get3A_819, %get3A_820] {strides = array<i32>} : memref<8x128xf32, #tpu.memory_space<vmem>>, vector<1x16xf32>,
    %get3A_822 = vector.shape_cast %get3A_821 : vector<1x16xf32> to vector<16xf32>
    %get3A_823 = arith.constant 0 : i32
    %get3A_824 = arith.index_cast %get3A_823 : i32 to index
    %get3A_825 = arith.constant 0 : index
    %get3A_826 = tpu.vector_load %arg6[%get3A_824, %get3A_825] {strides = array<i32>} : memref<2x128xf32, #tpu.memory_space<vmem>>, vector<1x16xf32>,
    %get3A_827 = vector.shape_cast %get3A_826 : vector<1x16xf32> to vector<16xf32>
    %add3A_828 = arith.addf %get3A_822, %get3A_827 : vector<16xf32>
    %swap3A_829 = arith.constant 6 : i32
    %swap3A_830 = arith.index_cast %swap3A_829 : i32 to index
    %swap3A_831 = arith.constant 0 : index
    %swap3A_832 = tpu.vector_load %arg7[%swap3A_830, %swap3A_831] {strides = array<i32>} : memref<16x128xf32, #tpu.memory_space<vmem>>, vector<1x16xf32>,
    %swap3A_833 = vector.shape_cast %swap3A_832 : vector<1x16xf32> to vector<16xf32>
    %swap3A_834 = vector.shape_cast %add3A_828 : vector<16xf32> to vector<1x16xf32>
    tpu.vector_store %arg7[%swap3A_830, %swap3A_831], %swap3A_834 {strides = array<i32>} : memref<16x128xf32, #tpu.memory_space<vmem>>, vector<1x16xf32>,
    %get3A_835 = arith.constant 3 : i32
    %get3A_836 = arith.index_cast %get3A_835 : i32 to index
    %get3A_837 = arith.constant 16 : index
    %get3A_838 = tpu.vector_load %arg5[%get3A_836, %get3A_837] {strides = array<i32>} : memref<8x128xf32, #tpu.memory_space<vmem>>, vector<1x16xf32>,
    %get3A_839 = vector.shape_cast %get3A_838 : vector<1x16xf32> to vector<16xf32>
    %get3A_840 = arith.constant 0 : i32
    %get3A_841 = arith.index_cast %get3A_840 : i32 to index
    %get3A_842 = arith.constant 16 : index
    %get3A_843 = tpu.vector_load %arg6[%get3A_841, %get3A_842] {strides = array<i32>} : memref<2x128xf32, #tpu.memory_space<vmem>>, vector<1x16xf32>,
    %get3A_844 = vector.shape_cast %get3A_843 : vector<1x16xf32> to vector<16xf32>
    %add3A_845 = arith.addf %get3A_839, %get3A_844 : vector<16xf32>
    %swap3A_846 = arith.constant 6 : i32
    %swap3A_847 = arith.index_cast %swap3A_846 : i32 to index
    %swap3A_848 = arith.constant 16 : index
    %swap3A_849 = tpu.vector_load %arg7[%swap3A_847, %swap3A_848] {strides = array<i32>} : memref<16x128xf32, #tpu.memory_space<vmem>>, vector<1x16xf32>,
    %swap3A_850 = vector.shape_cast %swap3A_849 : vector<1x16xf32> to vector<16xf32>
    %swap3A_851 = vector.shape_cast %add3A_845 : vector<16xf32> to vector<1x16xf32>
    tpu.vector_store %arg7[%swap3A_847, %swap3A_848], %swap3A_851 {strides = array<i32>} : memref<16x128xf32, #tpu.memory_space<vmem>>, vector<1x16xf32>,
    %get3A_852 = arith.constant 3 : i32
    %get3A_853 = arith.index_cast %get3A_852 : i32 to index
    %get3A_854 = arith.constant 32 : index
    %get3A_855 = tpu.vector_load %arg5[%get3A_853, %get3A_854] {strides = array<i32>} : memref<8x128xf32, #tpu.memory_space<vmem>>, vector<1x16xf32>,
    %get3A_856 = vector.shape_cast %get3A_855 : vector<1x16xf32> to vector<16xf32>
    %get3A_857 = arith.constant 0 : i32
    %get3A_858 = arith.index_cast %get3A_857 : i32 to index
    %get3A_859 = arith.constant 32 : index
    %get3A_860 = tpu.vector_load %arg6[%get3A_858, %get3A_859] {strides = array<i32>} : memref<2x128xf32, #tpu.memory_space<vmem>>, vector<1x16xf32>,
    %get3A_861 = vector.shape_cast %get3A_860 : vector<1x16xf32> to vector<16xf32>
    %add3A_862 = arith.addf %get3A_856, %get3A_861 : vector<16xf32>
    %swap3A_863 = arith.constant 6 : i32
    %swap3A_864 = arith.index_cast %swap3A_863 : i32 to index
    %swap3A_865 = arith.constant 32 : index
    %swap3A_866 = tpu.vector_load %arg7[%swap3A_864, %swap3A_865] {strides = array<i32>} : memref<16x128xf32, #tpu.memory_space<vmem>>, vector<1x16xf32>,
    %swap3A_867 = vector.shape_cast %swap3A_866 : vector<1x16xf32> to vector<16xf32>
    %swap3A_868 = vector.shape_cast %add3A_862 : vector<16xf32> to vector<1x16xf32>
    tpu.vector_store %arg7[%swap3A_864, %swap3A_865], %swap3A_868 {strides = array<i32>} : memref<16x128xf32, #tpu.memory_space<vmem>>, vector<1x16xf32>,
    %get3A_869 = arith.constant 3 : i32
    %get3A_870 = arith.index_cast %get3A_869 : i32 to index
    %get3A_871 = arith.constant 48 : index
    %get3A_872 = tpu.vector_load %arg5[%get3A_870, %get3A_871] {strides = array<i32>} : memref<8x128xf32, #tpu.memory_space<vmem>>, vector<1x16xf32>,
    %get3A_873 = vector.shape_cast %get3A_872 : vector<1x16xf32> to vector<16xf32>
    %get3A_874 = arith.constant 0 : i32
    %get3A_875 = arith.index_cast %get3A_874 : i32 to index
    %get3A_876 = arith.constant 48 : index
    %get3A_877 = tpu.vector_load %arg6[%get3A_875, %get3A_876] {strides = array<i32>} : memref<2x128xf32, #tpu.memory_space<vmem>>, vector<1x16xf32>,
    %get3A_878 = vector.shape_cast %get3A_877 : vector<1x16xf32> to vector<16xf32>
    %add3A_879 = arith.addf %get3A_873, %get3A_878 : vector<16xf32>
    %swap3A_880 = arith.constant 6 : i32
    %swap3A_881 = arith.index_cast %swap3A_880 : i32 to index
    %swap3A_882 = arith.constant 48 : index
    %swap3A_883 = tpu.vector_load %arg7[%swap3A_881, %swap3A_882] {strides = array<i32>} : memref<16x128xf32, #tpu.memory_space<vmem>>, vector<1x16xf32>,
    %swap3A_884 = vector.shape_cast %swap3A_883 : vector<1x16xf32> to vector<16xf32>
    %swap3A_885 = vector.shape_cast %add3A_879 : vector<16xf32> to vector<1x16xf32>
    tpu.vector_store %arg7[%swap3A_881, %swap3A_882], %swap3A_885 {strides = array<i32>} : memref<16x128xf32, #tpu.memory_space<vmem>>, vector<1x16xf32>,
    %get3A_886 = arith.constant 3 : i32
    %get3A_887 = arith.index_cast %get3A_886 : i32 to index
    %get3A_888 = arith.constant 64 : index
    %get3A_889 = tpu.vector_load %arg5[%get3A_887, %get3A_888] {strides = array<i32>} : memref<8x128xf32, #tpu.memory_space<vmem>>, vector<1x16xf32>,
    %get3A_890 = vector.shape_cast %get3A_889 : vector<1x16xf32> to vector<16xf32>
    %get3A_891 = arith.constant 0 : i32
    %get3A_892 = arith.index_cast %get3A_891 : i32 to index
    %get3A_893 = arith.constant 64 : index
    %get3A_894 = tpu.vector_load %arg6[%get3A_892, %get3A_893] {strides = array<i32>} : memref<2x128xf32, #tpu.memory_space<vmem>>, vector<1x16xf32>,
    %get3A_895 = vector.shape_cast %get3A_894 : vector<1x16xf32> to vector<16xf32>
    %add3A_896 = arith.addf %get3A_890, %get3A_895 : vector<16xf32>
    %swap3A_897 = arith.constant 6 : i32
    %swap3A_898 = arith.index_cast %swap3A_897 : i32 to index
    %swap3A_899 = arith.constant 64 : index
    %swap3A_900 = tpu.vector_load %arg7[%swap3A_898, %swap3A_899] {strides = array<i32>} : memref<16x128xf32, #tpu.memory_space<vmem>>, vector<1x16xf32>,
    %swap3A_901 = vector.shape_cast %swap3A_900 : vector<1x16xf32> to vector<16xf32>
    %swap3A_902 = vector.shape_cast %add3A_896 : vector<16xf32> to vector<1x16xf32>
    tpu.vector_store %arg7[%swap3A_898, %swap3A_899], %swap3A_902 {strides = array<i32>} : memref<16x128xf32, #tpu.memory_space<vmem>>, vector<1x16xf32>,
    %get3A_903 = arith.constant 3 : i32
    %get3A_904 = arith.index_cast %get3A_903 : i32 to index
    %get3A_905 = arith.constant 80 : index
    %get3A_906 = tpu.vector_load %arg5[%get3A_904, %get3A_905] {strides = array<i32>} : memref<8x128xf32, #tpu.memory_space<vmem>>, vector<1x16xf32>,
    %get3A_907 = vector.shape_cast %get3A_906 : vector<1x16xf32> to vector<16xf32>
    %get3A_908 = arith.constant 0 : i32
    %get3A_909 = arith.index_cast %get3A_908 : i32 to index
    %get3A_910 = arith.constant 80 : index
    %get3A_911 = tpu.vector_load %arg6[%get3A_909, %get3A_910] {strides = array<i32>} : memref<2x128xf32, #tpu.memory_space<vmem>>, vector<1x16xf32>,
    %get3A_912 = vector.shape_cast %get3A_911 : vector<1x16xf32> to vector<16xf32>
    %add3A_913 = arith.addf %get3A_907, %get3A_912 : vector<16xf32>
    %swap3A_914 = arith.constant 6 : i32
    %swap3A_915 = arith.index_cast %swap3A_914 : i32 to index
    %swap3A_916 = arith.constant 80 : index
    %swap3A_917 = tpu.vector_load %arg7[%swap3A_915, %swap3A_916] {strides = array<i32>} : memref<16x128xf32, #tpu.memory_space<vmem>>, vector<1x16xf32>,
    %swap3A_918 = vector.shape_cast %swap3A_917 : vector<1x16xf32> to vector<16xf32>
    %swap3A_919 = vector.shape_cast %add3A_913 : vector<16xf32> to vector<1x16xf32>
    tpu.vector_store %arg7[%swap3A_915, %swap3A_916], %swap3A_919 {strides = array<i32>} : memref<16x128xf32, #tpu.memory_space<vmem>>, vector<1x16xf32>,
    %get3A_920 = arith.constant 3 : i32
    %get3A_921 = arith.index_cast %get3A_920 : i32 to index
    %get3A_922 = arith.constant 96 : index
    %get3A_923 = tpu.vector_load %arg5[%get3A_921, %get3A_922] {strides = array<i32>} : memref<8x128xf32, #tpu.memory_space<vmem>>, vector<1x16xf32>,
    %get3A_924 = vector.shape_cast %get3A_923 : vector<1x16xf32> to vector<16xf32>
    %get3A_925 = arith.constant 0 : i32
    %get3A_926 = arith.index_cast %get3A_925 : i32 to index
    %get3A_927 = arith.constant 96 : index
    %get3A_928 = tpu.vector_load %arg6[%get3A_926, %get3A_927] {strides = array<i32>} : memref<2x128xf32, #tpu.memory_space<vmem>>, vector<1x16xf32>,
    %get3A_929 = vector.shape_cast %get3A_928 : vector<1x16xf32> to vector<16xf32>
    %add3A_930 = arith.addf %get3A_924, %get3A_929 : vector<16xf32>
    %swap3A_931 = arith.constant 6 : i32
    %swap3A_932 = arith.index_cast %swap3A_931 : i32 to index
    %swap3A_933 = arith.constant 96 : index
    %swap3A_934 = tpu.vector_load %arg7[%swap3A_932, %swap3A_933] {strides = array<i32>} : memref<16x128xf32, #tpu.memory_space<vmem>>, vector<1x16xf32>,
    %swap3A_935 = vector.shape_cast %swap3A_934 : vector<1x16xf32> to vector<16xf32>
    %swap3A_936 = vector.shape_cast %add3A_930 : vector<16xf32> to vector<1x16xf32>
    tpu.vector_store %arg7[%swap3A_932, %swap3A_933], %swap3A_936 {strides = array<i32>} : memref<16x128xf32, #tpu.memory_space<vmem>>, vector<1x16xf32>,
    %get3A_937 = arith.constant 3 : i32
    %get3A_938 = arith.index_cast %get3A_937 : i32 to index
    %get3A_939 = arith.constant 112 : index
    %get3A_940 = tpu.vector_load %arg5[%get3A_938, %get3A_939] {strides = array<i32>} : memref<8x128xf32, #tpu.memory_space<vmem>>, vector<1x16xf32>,
    %get3A_941 = vector.shape_cast %get3A_940 : vector<1x16xf32> to vector<16xf32>
    %get3A_942 = arith.constant 0 : i32
    %get3A_943 = arith.index_cast %get3A_942 : i32 to index
    %get3A_944 = arith.constant 112 : index
    %get3A_945 = tpu.vector_load %arg6[%get3A_943, %get3A_944] {strides = array<i32>} : memref<2x128xf32, #tpu.memory_space<vmem>>, vector<1x16xf32>,
    %get3A_946 = vector.shape_cast %get3A_945 : vector<1x16xf32> to vector<16xf32>
    %add3A_947 = arith.addf %get3A_941, %get3A_946 : vector<16xf32>
    %swap3A_948 = arith.constant 6 : i32
    %swap3A_949 = arith.index_cast %swap3A_948 : i32 to index
    %swap3A_950 = arith.constant 112 : index
    %swap3A_951 = tpu.vector_load %arg7[%swap3A_949, %swap3A_950] {strides = array<i32>} : memref<16x128xf32, #tpu.memory_space<vmem>>, vector<1x16xf32>,
    %swap3A_952 = vector.shape_cast %swap3A_951 : vector<1x16xf32> to vector<16xf32>
    %swap3A_953 = vector.shape_cast %add3A_947 : vector<16xf32> to vector<1x16xf32>
    tpu.vector_store %arg7[%swap3A_949, %swap3A_950], %swap3A_953 {strides = array<i32>} : memref<16x128xf32, #tpu.memory_space<vmem>>, vector<1x16xf32>,
    %get3A_954 = arith.constant 3 : i32
    %get3A_955 = arith.index_cast %get3A_954 : i32 to index
    %get3A_956 = arith.constant 0 : index
    %get3A_957 = tpu.vector_load %arg5[%get3A_955, %get3A_956] {strides = array<i32>} : memref<8x128xf32, #tpu.memory_space<vmem>>, vector<1x16xf32>,
    %get3A_958 = vector.shape_cast %get3A_957 : vector<1x16xf32> to vector<16xf32>
    %get3A_959 = arith.constant 1 : i32
    %get3A_960 = arith.index_cast %get3A_959 : i32 to index
    %get3A_961 = arith.constant 0 : index
    %get3A_962 = tpu.vector_load %arg6[%get3A_960, %get3A_961] {strides = array<i32>} : memref<2x128xf32, #tpu.memory_space<vmem>>, vector<1x16xf32>,
    %get3A_963 = vector.shape_cast %get3A_962 : vector<1x16xf32> to vector<16xf32>
    %add3A_964 = arith.addf %get3A_958, %get3A_963 : vector<16xf32>
    %swap3A_965 = arith.constant 7 : i32
    %swap3A_966 = arith.index_cast %swap3A_965 : i32 to index
    %swap3A_967 = arith.constant 0 : index
    %swap3A_968 = tpu.vector_load %arg7[%swap3A_966, %swap3A_967] {strides = array<i32>} : memref<16x128xf32, #tpu.memory_space<vmem>>, vector<1x16xf32>,
    %swap3A_969 = vector.shape_cast %swap3A_968 : vector<1x16xf32> to vector<16xf32>
    %swap3A_970 = vector.shape_cast %add3A_964 : vector<16xf32> to vector<1x16xf32>
    tpu.vector_store %arg7[%swap3A_966, %swap3A_967], %swap3A_970 {strides = array<i32>} : memref<16x128xf32, #tpu.memory_space<vmem>>, vector<1x16xf32>,
    %get3A_971 = arith.constant 3 : i32
    %get3A_972 = arith.index_cast %get3A_971 : i32 to index
    %get3A_973 = arith.constant 16 : index
    %get3A_974 = tpu.vector_load %arg5[%get3A_972, %get3A_973] {strides = array<i32>} : memref<8x128xf32, #tpu.memory_space<vmem>>, vector<1x16xf32>,
    %get3A_975 = vector.shape_cast %get3A_974 : vector<1x16xf32> to vector<16xf32>
    %get3A_976 = arith.constant 1 : i32
    %get3A_977 = arith.index_cast %get3A_976 : i32 to index
    %get3A_978 = arith.constant 16 : index
    %get3A_979 = tpu.vector_load %arg6[%get3A_977, %get3A_978] {strides = array<i32>} : memref<2x128xf32, #tpu.memory_space<vmem>>, vector<1x16xf32>,
    %get3A_980 = vector.shape_cast %get3A_979 : vector<1x16xf32> to vector<16xf32>
    %add3A_981 = arith.addf %get3A_975, %get3A_980 : vector<16xf32>
    %swap3A_982 = arith.constant 7 : i32
    %swap3A_983 = arith.index_cast %swap3A_982 : i32 to index
    %swap3A_984 = arith.constant 16 : index
    %swap3A_985 = tpu.vector_load %arg7[%swap3A_983, %swap3A_984] {strides = array<i32>} : memref<16x128xf32, #tpu.memory_space<vmem>>, vector<1x16xf32>,
    %swap3A_986 = vector.shape_cast %swap3A_985 : vector<1x16xf32> to vector<16xf32>
    %swap3A_987 = vector.shape_cast %add3A_981 : vector<16xf32> to vector<1x16xf32>
    tpu.vector_store %arg7[%swap3A_983, %swap3A_984], %swap3A_987 {strides = array<i32>} : memref<16x128xf32, #tpu.memory_space<vmem>>, vector<1x16xf32>,
    %get3A_988 = arith.constant 3 : i32
    %get3A_989 = arith.index_cast %get3A_988 : i32 to index
    %get3A_990 = arith.constant 32 : index
    %get3A_991 = tpu.vector_load %arg5[%get3A_989, %get3A_990] {strides = array<i32>} : memref<8x128xf32, #tpu.memory_space<vmem>>, vector<1x16xf32>,
    %get3A_992 = vector.shape_cast %get3A_991 : vector<1x16xf32> to vector<16xf32>
    %get3A_993 = arith.constant 1 : i32
    %get3A_994 = arith.index_cast %get3A_993 : i32 to index
    %get3A_995 = arith.constant 32 : index
    %get3A_996 = tpu.vector_load %arg6[%get3A_994, %get3A_995] {strides = array<i32>} : memref<2x128xf32, #tpu.memory_space<vmem>>, vector<1x16xf32>,
    %get3A_997 = vector.shape_cast %get3A_996 : vector<1x16xf32> to vector<16xf32>
    %add3A_998 = arith.addf %get3A_992, %get3A_997 : vector<16xf32>
    %swap3A_999 = arith.constant 7 : i32
    %swap3A_1000 = arith.index_cast %swap3A_999 : i32 to index
    %swap3A_1001 = arith.constant 32 : index
    %swap3A_1002 = tpu.vector_load %arg7[%swap3A_1000, %swap3A_1001] {strides = array<i32>} : memref<16x128xf32, #tpu.memory_space<vmem>>, vector<1x16xf32>,
    %swap3A_1003 = vector.shape_cast %swap3A_1002 : vector<1x16xf32> to vector<16xf32>
    %swap3A_1004 = vector.shape_cast %add3A_998 : vector<16xf32> to vector<1x16xf32>
    tpu.vector_store %arg7[%swap3A_1000, %swap3A_1001], %swap3A_1004 {strides = array<i32>} : memref<16x128xf32, #tpu.memory_space<vmem>>, vector<1x16xf32>,
    %get3A_1005 = arith.constant 3 : i32
    %get3A_1006 = arith.index_cast %get3A_1005 : i32 to index
    %get3A_1007 = arith.constant 48 : index
    %get3A_1008 = tpu.vector_load %arg5[%get3A_1006, %get3A_1007] {strides = array<i32>} : memref<8x128xf32, #tpu.memory_space<vmem>>, vector<1x16xf32>,
    %get3A_1009 = vector.shape_cast %get3A_1008 : vector<1x16xf32> to vector<16xf32>
    %get3A_1010 = arith.constant 1 : i32
    %get3A_1011 = arith.index_cast %get3A_1010 : i32 to index
    %get3A_1012 = arith.constant 48 : index
    %get3A_1013 = tpu.vector_load %arg6[%get3A_1011, %get3A_1012] {strides = array<i32>} : memref<2x128xf32, #tpu.memory_space<vmem>>, vector<1x16xf32>,
    %get3A_1014 = vector.shape_cast %get3A_1013 : vector<1x16xf32> to vector<16xf32>
    %add3A_1015 = arith.addf %get3A_1009, %get3A_1014 : vector<16xf32>
    %swap3A_1016 = arith.constant 7 : i32
    %swap3A_1017 = arith.index_cast %swap3A_1016 : i32 to index
    %swap3A_1018 = arith.constant 48 : index
    %swap3A_1019 = tpu.vector_load %arg7[%swap3A_1017, %swap3A_1018] {strides = array<i32>} : memref<16x128xf32, #tpu.memory_space<vmem>>, vector<1x16xf32>,
    %swap3A_1020 = vector.shape_cast %swap3A_1019 : vector<1x16xf32> to vector<16xf32>
    %swap3A_1021 = vector.shape_cast %add3A_1015 : vector<16xf32> to vector<1x16xf32>
    tpu.vector_store %arg7[%swap3A_1017, %swap3A_1018], %swap3A_1021 {strides = array<i32>} : memref<16x128xf32, #tpu.memory_space<vmem>>, vector<1x16xf32>,
    %get3A_1022 = arith.constant 3 : i32
    %get3A_1023 = arith.index_cast %get3A_1022 : i32 to index
    %get3A_1024 = arith.constant 64 : index
    %get3A_1025 = tpu.vector_load %arg5[%get3A_1023, %get3A_1024] {strides = array<i32>} : memref<8x128xf32, #tpu.memory_space<vmem>>, vector<1x16xf32>,
    %get3A_1026 = vector.shape_cast %get3A_1025 : vector<1x16xf32> to vector<16xf32>
    %get3A_1027 = arith.constant 1 : i32
    %get3A_1028 = arith.index_cast %get3A_1027 : i32 to index
    %get3A_1029 = arith.constant 64 : index
    %get3A_1030 = tpu.vector_load %arg6[%get3A_1028, %get3A_1029] {strides = array<i32>} : memref<2x128xf32, #tpu.memory_space<vmem>>, vector<1x16xf32>,
    %get3A_1031 = vector.shape_cast %get3A_1030 : vector<1x16xf32> to vector<16xf32>
    %add3A_1032 = arith.addf %get3A_1026, %get3A_1031 : vector<16xf32>
    %swap3A_1033 = arith.constant 7 : i32
    %swap3A_1034 = arith.index_cast %swap3A_1033 : i32 to index
    %swap3A_1035 = arith.constant 64 : index
    %swap3A_1036 = tpu.vector_load %arg7[%swap3A_1034, %swap3A_1035] {strides = array<i32>} : memref<16x128xf32, #tpu.memory_space<vmem>>, vector<1x16xf32>,
    %swap3A_1037 = vector.shape_cast %swap3A_1036 : vector<1x16xf32> to vector<16xf32>
    %swap3A_1038 = vector.shape_cast %add3A_1032 : vector<16xf32> to vector<1x16xf32>
    tpu.vector_store %arg7[%swap3A_1034, %swap3A_1035], %swap3A_1038 {strides = array<i32>} : memref<16x128xf32, #tpu.memory_space<vmem>>, vector<1x16xf32>,
    %get3A_1039 = arith.constant 3 : i32
    %get3A_1040 = arith.index_cast %get3A_1039 : i32 to index
    %get3A_1041 = arith.constant 80 : index
    %get3A_1042 = tpu.vector_load %arg5[%get3A_1040, %get3A_1041] {strides = array<i32>} : memref<8x128xf32, #tpu.memory_space<vmem>>, vector<1x16xf32>,
    %get3A_1043 = vector.shape_cast %get3A_1042 : vector<1x16xf32> to vector<16xf32>
    %get3A_1044 = arith.constant 1 : i32
    %get3A_1045 = arith.index_cast %get3A_1044 : i32 to index
    %get3A_1046 = arith.constant 80 : index
    %get3A_1047 = tpu.vector_load %arg6[%get3A_1045, %get3A_1046] {strides = array<i32>} : memref<2x128xf32, #tpu.memory_space<vmem>>, vector<1x16xf32>,
    %get3A_1048 = vector.shape_cast %get3A_1047 : vector<1x16xf32> to vector<16xf32>
    %add3A_1049 = arith.addf %get3A_1043, %get3A_1048 : vector<16xf32>
    %swap3A_1050 = arith.constant 7 : i32
    %swap3A_1051 = arith.index_cast %swap3A_1050 : i32 to index
    %swap3A_1052 = arith.constant 80 : index
    %swap3A_1053 = tpu.vector_load %arg7[%swap3A_1051, %swap3A_1052] {strides = array<i32>} : memref<16x128xf32, #tpu.memory_space<vmem>>, vector<1x16xf32>,
    %swap3A_1054 = vector.shape_cast %swap3A_1053 : vector<1x16xf32> to vector<16xf32>
    %swap3A_1055 = vector.shape_cast %add3A_1049 : vector<16xf32> to vector<1x16xf32>
    tpu.vector_store %arg7[%swap3A_1051, %swap3A_1052], %swap3A_1055 {strides = array<i32>} : memref<16x128xf32, #tpu.memory_space<vmem>>, vector<1x16xf32>,
    %get3A_1056 = arith.constant 3 : i32
    %get3A_1057 = arith.index_cast %get3A_1056 : i32 to index
    %get3A_1058 = arith.constant 96 : index
    %get3A_1059 = tpu.vector_load %arg5[%get3A_1057, %get3A_1058] {strides = array<i32>} : memref<8x128xf32, #tpu.memory_space<vmem>>, vector<1x16xf32>,
    %get3A_1060 = vector.shape_cast %get3A_1059 : vector<1x16xf32> to vector<16xf32>
    %get3A_1061 = arith.constant 1 : i32
    %get3A_1062 = arith.index_cast %get3A_1061 : i32 to index
    %get3A_1063 = arith.constant 96 : index
    %get3A_1064 = tpu.vector_load %arg6[%get3A_1062, %get3A_1063] {strides = array<i32>} : memref<2x128xf32, #tpu.memory_space<vmem>>, vector<1x16xf32>,
    %get3A_1065 = vector.shape_cast %get3A_1064 : vector<1x16xf32> to vector<16xf32>
    %add3A_1066 = arith.addf %get3A_1060, %get3A_1065 : vector<16xf32>
    %swap3A_1067 = arith.constant 7 : i32
    %swap3A_1068 = arith.index_cast %swap3A_1067 : i32 to index
    %swap3A_1069 = arith.constant 96 : index
    %swap3A_1070 = tpu.vector_load %arg7[%swap3A_1068, %swap3A_1069] {strides = array<i32>} : memref<16x128xf32, #tpu.memory_space<vmem>>, vector<1x16xf32>,
    %swap3A_1071 = vector.shape_cast %swap3A_1070 : vector<1x16xf32> to vector<16xf32>
    %swap3A_1072 = vector.shape_cast %add3A_1066 : vector<16xf32> to vector<1x16xf32>
    tpu.vector_store %arg7[%swap3A_1068, %swap3A_1069], %swap3A_1072 {strides = array<i32>} : memref<16x128xf32, #tpu.memory_space<vmem>>, vector<1x16xf32>,
    %get3A_1073 = arith.constant 3 : i32
    %get3A_1074 = arith.index_cast %get3A_1073 : i32 to index
    %get3A_1075 = arith.constant 112 : index
    %get3A_1076 = tpu.vector_load %arg5[%get3A_1074, %get3A_1075] {strides = array<i32>} : memref<8x128xf32, #tpu.memory_space<vmem>>, vector<1x16xf32>,
    %get3A_1077 = vector.shape_cast %get3A_1076 : vector<1x16xf32> to vector<16xf32>
    %get3A_1078 = arith.constant 1 : i32
    %get3A_1079 = arith.index_cast %get3A_1078 : i32 to index
    %get3A_1080 = arith.constant 112 : index
    %get3A_1081 = tpu.vector_load %arg6[%get3A_1079, %get3A_1080] {strides = array<i32>} : memref<2x128xf32, #tpu.memory_space<vmem>>, vector<1x16xf32>,
    %get3A_1082 = vector.shape_cast %get3A_1081 : vector<1x16xf32> to vector<16xf32>
    %add3A_1083 = arith.addf %get3A_1077, %get3A_1082 : vector<16xf32>
    %swap3A_1084 = arith.constant 7 : i32
    %swap3A_1085 = arith.index_cast %swap3A_1084 : i32 to index
    %swap3A_1086 = arith.constant 112 : index
    %swap3A_1087 = tpu.vector_load %arg7[%swap3A_1085, %swap3A_1086] {strides = array<i32>} : memref<16x128xf32, #tpu.memory_space<vmem>>, vector<1x16xf32>,
    %swap3A_1088 = vector.shape_cast %swap3A_1087 : vector<1x16xf32> to vector<16xf32>
    %swap3A_1089 = vector.shape_cast %add3A_1083 : vector<16xf32> to vector<1x16xf32>
    tpu.vector_store %arg7[%swap3A_1085, %swap3A_1086], %swap3A_1089 {strides = array<i32>} : memref<16x128xf32, #tpu.memory_space<vmem>>, vector<1x16xf32>,
    %get3A_1090 = arith.constant 4 : i32
    %get3A_1091 = arith.index_cast %get3A_1090 : i32 to index
    %get3A_1092 = arith.constant 0 : index
    %get3A_1093 = tpu.vector_load %arg5[%get3A_1091, %get3A_1092] {strides = array<i32>} : memref<8x128xf32, #tpu.memory_space<vmem>>, vector<1x16xf32>,
    %get3A_1094 = vector.shape_cast %get3A_1093 : vector<1x16xf32> to vector<16xf32>
    %get3A_1095 = arith.constant 0 : i32
    %get3A_1096 = arith.index_cast %get3A_1095 : i32 to index
    %get3A_1097 = arith.constant 0 : index
    %get3A_1098 = tpu.vector_load %arg6[%get3A_1096, %get3A_1097] {strides = array<i32>} : memref<2x128xf32, #tpu.memory_space<vmem>>, vector<1x16xf32>,
    %get3A_1099 = vector.shape_cast %get3A_1098 : vector<1x16xf32> to vector<16xf32>
    %add3A_1100 = arith.addf %get3A_1094, %get3A_1099 : vector<16xf32>
    %swap3A_1101 = arith.constant 8 : i32
    %swap3A_1102 = arith.index_cast %swap3A_1101 : i32 to index
    %swap3A_1103 = arith.constant 0 : index
    %swap3A_1104 = tpu.vector_load %arg7[%swap3A_1102, %swap3A_1103] {strides = array<i32>} : memref<16x128xf32, #tpu.memory_space<vmem>>, vector<1x16xf32>,
    %swap3A_1105 = vector.shape_cast %swap3A_1104 : vector<1x16xf32> to vector<16xf32>
    %swap3A_1106 = vector.shape_cast %add3A_1100 : vector<16xf32> to vector<1x16xf32>
    tpu.vector_store %arg7[%swap3A_1102, %swap3A_1103], %swap3A_1106 {strides = array<i32>} : memref<16x128xf32, #tpu.memory_space<vmem>>, vector<1x16xf32>,
    %get3A_1107 = arith.constant 4 : i32
    %get3A_1108 = arith.index_cast %get3A_1107 : i32 to index
    %get3A_1109 = arith.constant 16 : index
    %get3A_1110 = tpu.vector_load %arg5[%get3A_1108, %get3A_1109] {strides = array<i32>} : memref<8x128xf32, #tpu.memory_space<vmem>>, vector<1x16xf32>,
    %get3A_1111 = vector.shape_cast %get3A_1110 : vector<1x16xf32> to vector<16xf32>
    %get3A_1112 = arith.constant 0 : i32
    %get3A_1113 = arith.index_cast %get3A_1112 : i32 to index
    %get3A_1114 = arith.constant 16 : index
    %get3A_1115 = tpu.vector_load %arg6[%get3A_1113, %get3A_1114] {strides = array<i32>} : memref<2x128xf32, #tpu.memory_space<vmem>>, vector<1x16xf32>,
    %get3A_1116 = vector.shape_cast %get3A_1115 : vector<1x16xf32> to vector<16xf32>
    %add3A_1117 = arith.addf %get3A_1111, %get3A_1116 : vector<16xf32>
    %swap3A_1118 = arith.constant 8 : i32
    %swap3A_1119 = arith.index_cast %swap3A_1118 : i32 to index
    %swap3A_1120 = arith.constant 16 : index
    %swap3A_1121 = tpu.vector_load %arg7[%swap3A_1119, %swap3A_1120] {strides = array<i32>} : memref<16x128xf32, #tpu.memory_space<vmem>>, vector<1x16xf32>,
    %swap3A_1122 = vector.shape_cast %swap3A_1121 : vector<1x16xf32> to vector<16xf32>
    %swap3A_1123 = vector.shape_cast %add3A_1117 : vector<16xf32> to vector<1x16xf32>
    tpu.vector_store %arg7[%swap3A_1119, %swap3A_1120], %swap3A_1123 {strides = array<i32>} : memref<16x128xf32, #tpu.memory_space<vmem>>, vector<1x16xf32>,
    %get3A_1124 = arith.constant 4 : i32
    %get3A_1125 = arith.index_cast %get3A_1124 : i32 to index
    %get3A_1126 = arith.constant 32 : index
    %get3A_1127 = tpu.vector_load %arg5[%get3A_1125, %get3A_1126] {strides = array<i32>} : memref<8x128xf32, #tpu.memory_space<vmem>>, vector<1x16xf32>,
    %get3A_1128 = vector.shape_cast %get3A_1127 : vector<1x16xf32> to vector<16xf32>
    %get3A_1129 = arith.constant 0 : i32
    %get3A_1130 = arith.index_cast %get3A_1129 : i32 to index
    %get3A_1131 = arith.constant 32 : index
    %get3A_1132 = tpu.vector_load %arg6[%get3A_1130, %get3A_1131] {strides = array<i32>} : memref<2x128xf32, #tpu.memory_space<vmem>>, vector<1x16xf32>,
    %get3A_1133 = vector.shape_cast %get3A_1132 : vector<1x16xf32> to vector<16xf32>
    %add3A_1134 = arith.addf %get3A_1128, %get3A_1133 : vector<16xf32>
    %swap3A_1135 = arith.constant 8 : i32
    %swap3A_1136 = arith.index_cast %swap3A_1135 : i32 to index
    %swap3A_1137 = arith.constant 32 : index
    %swap3A_1138 = tpu.vector_load %arg7[%swap3A_1136, %swap3A_1137] {strides = array<i32>} : memref<16x128xf32, #tpu.memory_space<vmem>>, vector<1x16xf32>,
    %swap3A_1139 = vector.shape_cast %swap3A_1138 : vector<1x16xf32> to vector<16xf32>
    %swap3A_1140 = vector.shape_cast %add3A_1134 : vector<16xf32> to vector<1x16xf32>
    tpu.vector_store %arg7[%swap3A_1136, %swap3A_1137], %swap3A_1140 {strides = array<i32>} : memref<16x128xf32, #tpu.memory_space<vmem>>, vector<1x16xf32>,
    %get3A_1141 = arith.constant 4 : i32
    %get3A_1142 = arith.index_cast %get3A_1141 : i32 to index
    %get3A_1143 = arith.constant 48 : index
    %get3A_1144 = tpu.vector_load %arg5[%get3A_1142, %get3A_1143] {strides = array<i32>} : memref<8x128xf32, #tpu.memory_space<vmem>>, vector<1x16xf32>,
    %get3A_1145 = vector.shape_cast %get3A_1144 : vector<1x16xf32> to vector<16xf32>
    %get3A_1146 = arith.constant 0 : i32
    %get3A_1147 = arith.index_cast %get3A_1146 : i32 to index
    %get3A_1148 = arith.constant 48 : index
    %get3A_1149 = tpu.vector_load %arg6[%get3A_1147, %get3A_1148] {strides = array<i32>} : memref<2x128xf32, #tpu.memory_space<vmem>>, vector<1x16xf32>,
    %get3A_1150 = vector.shape_cast %get3A_1149 : vector<1x16xf32> to vector<16xf32>
    %add3A_1151 = arith.addf %get3A_1145, %get3A_1150 : vector<16xf32>
    %swap3A_1152 = arith.constant 8 : i32
    %swap3A_1153 = arith.index_cast %swap3A_1152 : i32 to index
    %swap3A_1154 = arith.constant 48 : index
    %swap3A_1155 = tpu.vector_load %arg7[%swap3A_1153, %swap3A_1154] {strides = array<i32>} : memref<16x128xf32, #tpu.memory_space<vmem>>, vector<1x16xf32>,
    %swap3A_1156 = vector.shape_cast %swap3A_1155 : vector<1x16xf32> to vector<16xf32>
    %swap3A_1157 = vector.shape_cast %add3A_1151 : vector<16xf32> to vector<1x16xf32>
    tpu.vector_store %arg7[%swap3A_1153, %swap3A_1154], %swap3A_1157 {strides = array<i32>} : memref<16x128xf32, #tpu.memory_space<vmem>>, vector<1x16xf32>,
    %get3A_1158 = arith.constant 4 : i32
    %get3A_1159 = arith.index_cast %get3A_1158 : i32 to index
    %get3A_1160 = arith.constant 64 : index
    %get3A_1161 = tpu.vector_load %arg5[%get3A_1159, %get3A_1160] {strides = array<i32>} : memref<8x128xf32, #tpu.memory_space<vmem>>, vector<1x16xf32>,
    %get3A_1162 = vector.shape_cast %get3A_1161 : vector<1x16xf32> to vector<16xf32>
    %get3A_1163 = arith.constant 0 : i32
    %get3A_1164 = arith.index_cast %get3A_1163 : i32 to index
    %get3A_1165 = arith.constant 64 : index
    %get3A_1166 = tpu.vector_load %arg6[%get3A_1164, %get3A_1165] {strides = array<i32>} : memref<2x128xf32, #tpu.memory_space<vmem>>, vector<1x16xf32>,
    %get3A_1167 = vector.shape_cast %get3A_1166 : vector<1x16xf32> to vector<16xf32>
    %add3A_1168 = arith.addf %get3A_1162, %get3A_1167 : vector<16xf32>
    %swap3A_1169 = arith.constant 8 : i32
    %swap3A_1170 = arith.index_cast %swap3A_1169 : i32 to index
    %swap3A_1171 = arith.constant 64 : index
    %swap3A_1172 = tpu.vector_load %arg7[%swap3A_1170, %swap3A_1171] {strides = array<i32>} : memref<16x128xf32, #tpu.memory_space<vmem>>, vector<1x16xf32>,
    %swap3A_1173 = vector.shape_cast %swap3A_1172 : vector<1x16xf32> to vector<16xf32>
    %swap3A_1174 = vector.shape_cast %add3A_1168 : vector<16xf32> to vector<1x16xf32>
    tpu.vector_store %arg7[%swap3A_1170, %swap3A_1171], %swap3A_1174 {strides = array<i32>} : memref<16x128xf32, #tpu.memory_space<vmem>>, vector<1x16xf32>,
    %get3A_1175 = arith.constant 4 : i32
    %get3A_1176 = arith.index_cast %get3A_1175 : i32 to index
    %get3A_1177 = arith.constant 80 : index
    %get3A_1178 = tpu.vector_load %arg5[%get3A_1176, %get3A_1177] {strides = array<i32>} : memref<8x128xf32, #tpu.memory_space<vmem>>, vector<1x16xf32>,
    %get3A_1179 = vector.shape_cast %get3A_1178 : vector<1x16xf32> to vector<16xf32>
    %get3A_1180 = arith.constant 0 : i32
    %get3A_1181 = arith.index_cast %get3A_1180 : i32 to index
    %get3A_1182 = arith.constant 80 : index
    %get3A_1183 = tpu.vector_load %arg6[%get3A_1181, %get3A_1182] {strides = array<i32>} : memref<2x128xf32, #tpu.memory_space<vmem>>, vector<1x16xf32>,
    %get3A_1184 = vector.shape_cast %get3A_1183 : vector<1x16xf32> to vector<16xf32>
    %add3A_1185 = arith.addf %get3A_1179, %get3A_1184 : vector<16xf32>
    %swap3A_1186 = arith.constant 8 : i32
    %swap3A_1187 = arith.index_cast %swap3A_1186 : i32 to index
    %swap3A_1188 = arith.constant 80 : index
    %swap3A_1189 = tpu.vector_load %arg7[%swap3A_1187, %swap3A_1188] {strides = array<i32>} : memref<16x128xf32, #tpu.memory_space<vmem>>, vector<1x16xf32>,
    %swap3A_1190 = vector.shape_cast %swap3A_1189 : vector<1x16xf32> to vector<16xf32>
    %swap3A_1191 = vector.shape_cast %add3A_1185 : vector<16xf32> to vector<1x16xf32>
    tpu.vector_store %arg7[%swap3A_1187, %swap3A_1188], %swap3A_1191 {strides = array<i32>} : memref<16x128xf32, #tpu.memory_space<vmem>>, vector<1x16xf32>,
    %get3A_1192 = arith.constant 4 : i32
    %get3A_1193 = arith.index_cast %get3A_1192 : i32 to index
    %get3A_1194 = arith.constant 96 : index
    %get3A_1195 = tpu.vector_load %arg5[%get3A_1193, %get3A_1194] {strides = array<i32>} : memref<8x128xf32, #tpu.memory_space<vmem>>, vector<1x16xf32>,
    %get3A_1196 = vector.shape_cast %get3A_1195 : vector<1x16xf32> to vector<16xf32>
    %get3A_1197 = arith.constant 0 : i32
    %get3A_1198 = arith.index_cast %get3A_1197 : i32 to index
    %get3A_1199 = arith.constant 96 : index
    %get3A_1200 = tpu.vector_load %arg6[%get3A_1198, %get3A_1199] {strides = array<i32>} : memref<2x128xf32, #tpu.memory_space<vmem>>, vector<1x16xf32>,
    %get3A_1201 = vector.shape_cast %get3A_1200 : vector<1x16xf32> to vector<16xf32>
    %add3A_1202 = arith.addf %get3A_1196, %get3A_1201 : vector<16xf32>
    %swap3A_1203 = arith.constant 8 : i32
    %swap3A_1204 = arith.index_cast %swap3A_1203 : i32 to index
    %swap3A_1205 = arith.constant 96 : index
    %swap3A_1206 = tpu.vector_load %arg7[%swap3A_1204, %swap3A_1205] {strides = array<i32>} : memref<16x128xf32, #tpu.memory_space<vmem>>, vector<1x16xf32>,
    %swap3A_1207 = vector.shape_cast %swap3A_1206 : vector<1x16xf32> to vector<16xf32>
    %swap3A_1208 = vector.shape_cast %add3A_1202 : vector<16xf32> to vector<1x16xf32>
    tpu.vector_store %arg7[%swap3A_1204, %swap3A_1205], %swap3A_1208 {strides = array<i32>} : memref<16x128xf32, #tpu.memory_space<vmem>>, vector<1x16xf32>,
    %get3A_1209 = arith.constant 4 : i32
    %get3A_1210 = arith.index_cast %get3A_1209 : i32 to index
    %get3A_1211 = arith.constant 112 : index
    %get3A_1212 = tpu.vector_load %arg5[%get3A_1210, %get3A_1211] {strides = array<i32>} : memref<8x128xf32, #tpu.memory_space<vmem>>, vector<1x16xf32>,
    %get3A_1213 = vector.shape_cast %get3A_1212 : vector<1x16xf32> to vector<16xf32>
    %get3A_1214 = arith.constant 0 : i32
    %get3A_1215 = arith.index_cast %get3A_1214 : i32 to index
    %get3A_1216 = arith.constant 112 : index
    %get3A_1217 = tpu.vector_load %arg6[%get3A_1215, %get3A_1216] {strides = array<i32>} : memref<2x128xf32, #tpu.memory_space<vmem>>, vector<1x16xf32>,
    %get3A_1218 = vector.shape_cast %get3A_1217 : vector<1x16xf32> to vector<16xf32>
    %add3A_1219 = arith.addf %get3A_1213, %get3A_1218 : vector<16xf32>
    %swap3A_1220 = arith.constant 8 : i32
    %swap3A_1221 = arith.index_cast %swap3A_1220 : i32 to index
    %swap3A_1222 = arith.constant 112 : index
    %swap3A_1223 = tpu.vector_load %arg7[%swap3A_1221, %swap3A_1222] {strides = array<i32>} : memref<16x128xf32, #tpu.memory_space<vmem>>, vector<1x16xf32>,
    %swap3A_1224 = vector.shape_cast %swap3A_1223 : vector<1x16xf32> to vector<16xf32>
    %swap3A_1225 = vector.shape_cast %add3A_1219 : vector<16xf32> to vector<1x16xf32>
    tpu.vector_store %arg7[%swap3A_1221, %swap3A_1222], %swap3A_1225 {strides = array<i32>} : memref<16x128xf32, #tpu.memory_space<vmem>>, vector<1x16xf32>,
    %get3A_1226 = arith.constant 4 : i32
    %get3A_1227 = arith.index_cast %get3A_1226 : i32 to index
    %get3A_1228 = arith.constant 0 : index
    %get3A_1229 = tpu.vector_load %arg5[%get3A_1227, %get3A_1228] {strides = array<i32>} : memref<8x128xf32, #tpu.memory_space<vmem>>, vector<1x16xf32>,
    %get3A_1230 = vector.shape_cast %get3A_1229 : vector<1x16xf32> to vector<16xf32>
    %get3A_1231 = arith.constant 1 : i32
    %get3A_1232 = arith.index_cast %get3A_1231 : i32 to index
    %get3A_1233 = arith.constant 0 : index
    %get3A_1234 = tpu.vector_load %arg6[%get3A_1232, %get3A_1233] {strides = array<i32>} : memref<2x128xf32, #tpu.memory_space<vmem>>, vector<1x16xf32>,
    %get3A_1235 = vector.shape_cast %get3A_1234 : vector<1x16xf32> to vector<16xf32>
    %add3A_1236 = arith.addf %get3A_1230, %get3A_1235 : vector<16xf32>
    %swap3A_1237 = arith.constant 9 : i32
    %swap3A_1238 = arith.index_cast %swap3A_1237 : i32 to index
    %swap3A_1239 = arith.constant 0 : index
    %swap3A_1240 = tpu.vector_load %arg7[%swap3A_1238, %swap3A_1239] {strides = array<i32>} : memref<16x128xf32, #tpu.memory_space<vmem>>, vector<1x16xf32>,
    %swap3A_1241 = vector.shape_cast %swap3A_1240 : vector<1x16xf32> to vector<16xf32>
    %swap3A_1242 = vector.shape_cast %add3A_1236 : vector<16xf32> to vector<1x16xf32>
    tpu.vector_store %arg7[%swap3A_1238, %swap3A_1239], %swap3A_1242 {strides = array<i32>} : memref<16x128xf32, #tpu.memory_space<vmem>>, vector<1x16xf32>,
    %get3A_1243 = arith.constant 4 : i32
    %get3A_1244 = arith.index_cast %get3A_1243 : i32 to index
    %get3A_1245 = arith.constant 16 : index
    %get3A_1246 = tpu.vector_load %arg5[%get3A_1244, %get3A_1245] {strides = array<i32>} : memref<8x128xf32, #tpu.memory_space<vmem>>, vector<1x16xf32>,
    %get3A_1247 = vector.shape_cast %get3A_1246 : vector<1x16xf32> to vector<16xf32>
    %get3A_1248 = arith.constant 1 : i32
    %get3A_1249 = arith.index_cast %get3A_1248 : i32 to index
    %get3A_1250 = arith.constant 16 : index
    %get3A_1251 = tpu.vector_load %arg6[%get3A_1249, %get3A_1250] {strides = array<i32>} : memref<2x128xf32, #tpu.memory_space<vmem>>, vector<1x16xf32>,
    %get3A_1252 = vector.shape_cast %get3A_1251 : vector<1x16xf32> to vector<16xf32>
    %add3A_1253 = arith.addf %get3A_1247, %get3A_1252 : vector<16xf32>
    %swap3A_1254 = arith.constant 9 : i32
    %swap3A_1255 = arith.index_cast %swap3A_1254 : i32 to index
    %swap3A_1256 = arith.constant 16 : index
    %swap3A_1257 = tpu.vector_load %arg7[%swap3A_1255, %swap3A_1256] {strides = array<i32>} : memref<16x128xf32, #tpu.memory_space<vmem>>, vector<1x16xf32>,
    %swap3A_1258 = vector.shape_cast %swap3A_1257 : vector<1x16xf32> to vector<16xf32>
    %swap3A_1259 = vector.shape_cast %add3A_1253 : vector<16xf32> to vector<1x16xf32>
    tpu.vector_store %arg7[%swap3A_1255, %swap3A_1256], %swap3A_1259 {strides = array<i32>} : memref<16x128xf32, #tpu.memory_space<vmem>>, vector<1x16xf32>,
    %get3A_1260 = arith.constant 4 : i32
    %get3A_1261 = arith.index_cast %get3A_1260 : i32 to index
    %get3A_1262 = arith.constant 32 : index
    %get3A_1263 = tpu.vector_load %arg5[%get3A_1261, %get3A_1262] {strides = array<i32>} : memref<8x128xf32, #tpu.memory_space<vmem>>, vector<1x16xf32>,
    %get3A_1264 = vector.shape_cast %get3A_1263 : vector<1x16xf32> to vector<16xf32>
    %get3A_1265 = arith.constant 1 : i32
    %get3A_1266 = arith.index_cast %get3A_1265 : i32 to index
    %get3A_1267 = arith.constant 32 : index
    %get3A_1268 = tpu.vector_load %arg6[%get3A_1266, %get3A_1267] {strides = array<i32>} : memref<2x128xf32, #tpu.memory_space<vmem>>, vector<1x16xf32>,
    %get3A_1269 = vector.shape_cast %get3A_1268 : vector<1x16xf32> to vector<16xf32>
    %add3A_1270 = arith.addf %get3A_1264, %get3A_1269 : vector<16xf32>
    %swap3A_1271 = arith.constant 9 : i32
    %swap3A_1272 = arith.index_cast %swap3A_1271 : i32 to index
    %swap3A_1273 = arith.constant 32 : index
    %swap3A_1274 = tpu.vector_load %arg7[%swap3A_1272, %swap3A_1273] {strides = array<i32>} : memref<16x128xf32, #tpu.memory_space<vmem>>, vector<1x16xf32>,
    %swap3A_1275 = vector.shape_cast %swap3A_1274 : vector<1x16xf32> to vector<16xf32>
    %swap3A_1276 = vector.shape_cast %add3A_1270 : vector<16xf32> to vector<1x16xf32>
    tpu.vector_store %arg7[%swap3A_1272, %swap3A_1273], %swap3A_1276 {strides = array<i32>} : memref<16x128xf32, #tpu.memory_space<vmem>>, vector<1x16xf32>,
    %get3A_1277 = arith.constant 4 : i32
    %get3A_1278 = arith.index_cast %get3A_1277 : i32 to index
    %get3A_1279 = arith.constant 48 : index
    %get3A_1280 = tpu.vector_load %arg5[%get3A_1278, %get3A_1279] {strides = array<i32>} : memref<8x128xf32, #tpu.memory_space<vmem>>, vector<1x16xf32>,
    %get3A_1281 = vector.shape_cast %get3A_1280 : vector<1x16xf32> to vector<16xf32>
    %get3A_1282 = arith.constant 1 : i32
    %get3A_1283 = arith.index_cast %get3A_1282 : i32 to index
    %get3A_1284 = arith.constant 48 : index
    %get3A_1285 = tpu.vector_load %arg6[%get3A_1283, %get3A_1284] {strides = array<i32>} : memref<2x128xf32, #tpu.memory_space<vmem>>, vector<1x16xf32>,
    %get3A_1286 = vector.shape_cast %get3A_1285 : vector<1x16xf32> to vector<16xf32>
    %add3A_1287 = arith.addf %get3A_1281, %get3A_1286 : vector<16xf32>
    %swap3A_1288 = arith.constant 9 : i32
    %swap3A_1289 = arith.index_cast %swap3A_1288 : i32 to index
    %swap3A_1290 = arith.constant 48 : index
    %swap3A_1291 = tpu.vector_load %arg7[%swap3A_1289, %swap3A_1290] {strides = array<i32>} : memref<16x128xf32, #tpu.memory_space<vmem>>, vector<1x16xf32>,
    %swap3A_1292 = vector.shape_cast %swap3A_1291 : vector<1x16xf32> to vector<16xf32>
    %swap3A_1293 = vector.shape_cast %add3A_1287 : vector<16xf32> to vector<1x16xf32>
    tpu.vector_store %arg7[%swap3A_1289, %swap3A_1290], %swap3A_1293 {strides = array<i32>} : memref<16x128xf32, #tpu.memory_space<vmem>>, vector<1x16xf32>,
    %get3A_1294 = arith.constant 4 : i32
    %get3A_1295 = arith.index_cast %get3A_1294 : i32 to index
    %get3A_1296 = arith.constant 64 : index
    %get3A_1297 = tpu.vector_load %arg5[%get3A_1295, %get3A_1296] {strides = array<i32>} : memref<8x128xf32, #tpu.memory_space<vmem>>, vector<1x16xf32>,
    %get3A_1298 = vector.shape_cast %get3A_1297 : vector<1x16xf32> to vector<16xf32>
    %get3A_1299 = arith.constant 1 : i32
    %get3A_1300 = arith.index_cast %get3A_1299 : i32 to index
    %get3A_1301 = arith.constant 64 : index
    %get3A_1302 = tpu.vector_load %arg6[%get3A_1300, %get3A_1301] {strides = array<i32>} : memref<2x128xf32, #tpu.memory_space<vmem>>, vector<1x16xf32>,
    %get3A_1303 = vector.shape_cast %get3A_1302 : vector<1x16xf32> to vector<16xf32>
    %add3A_1304 = arith.addf %get3A_1298, %get3A_1303 : vector<16xf32>
    %swap3A_1305 = arith.constant 9 : i32
    %swap3A_1306 = arith.index_cast %swap3A_1305 : i32 to index
    %swap3A_1307 = arith.constant 64 : index
    %swap3A_1308 = tpu.vector_load %arg7[%swap3A_1306, %swap3A_1307] {strides = array<i32>} : memref<16x128xf32, #tpu.memory_space<vmem>>, vector<1x16xf32>,
    %swap3A_1309 = vector.shape_cast %swap3A_1308 : vector<1x16xf32> to vector<16xf32>
    %swap3A_1310 = vector.shape_cast %add3A_1304 : vector<16xf32> to vector<1x16xf32>
    tpu.vector_store %arg7[%swap3A_1306, %swap3A_1307], %swap3A_1310 {strides = array<i32>} : memref<16x128xf32, #tpu.memory_space<vmem>>, vector<1x16xf32>,
    %get3A_1311 = arith.constant 4 : i32
    %get3A_1312 = arith.index_cast %get3A_1311 : i32 to index
    %get3A_1313 = arith.constant 80 : index
    %get3A_1314 = tpu.vector_load %arg5[%get3A_1312, %get3A_1313] {strides = array<i32>} : memref<8x128xf32, #tpu.memory_space<vmem>>, vector<1x16xf32>,
    %get3A_1315 = vector.shape_cast %get3A_1314 : vector<1x16xf32> to vector<16xf32>
    %get3A_1316 = arith.constant 1 : i32
    %get3A_1317 = arith.index_cast %get3A_1316 : i32 to index
    %get3A_1318 = arith.constant 80 : index
    %get3A_1319 = tpu.vector_load %arg6[%get3A_1317, %get3A_1318] {strides = array<i32>} : memref<2x128xf32, #tpu.memory_space<vmem>>, vector<1x16xf32>,
    %get3A_1320 = vector.shape_cast %get3A_1319 : vector<1x16xf32> to vector<16xf32>
    %add3A_1321 = arith.addf %get3A_1315, %get3A_1320 : vector<16xf32>
    %swap3A_1322 = arith.constant 9 : i32
    %swap3A_1323 = arith.index_cast %swap3A_1322 : i32 to index
    %swap3A_1324 = arith.constant 80 : index
    %swap3A_1325 = tpu.vector_load %arg7[%swap3A_1323, %swap3A_1324] {strides = array<i32>} : memref<16x128xf32, #tpu.memory_space<vmem>>, vector<1x16xf32>,
    %swap3A_1326 = vector.shape_cast %swap3A_1325 : vector<1x16xf32> to vector<16xf32>
    %swap3A_1327 = vector.shape_cast %add3A_1321 : vector<16xf32> to vector<1x16xf32>
    tpu.vector_store %arg7[%swap3A_1323, %swap3A_1324], %swap3A_1327 {strides = array<i32>} : memref<16x128xf32, #tpu.memory_space<vmem>>, vector<1x16xf32>,
    %get3A_1328 = arith.constant 4 : i32
    %get3A_1329 = arith.index_cast %get3A_1328 : i32 to index
    %get3A_1330 = arith.constant 96 : index
    %get3A_1331 = tpu.vector_load %arg5[%get3A_1329, %get3A_1330] {strides = array<i32>} : memref<8x128xf32, #tpu.memory_space<vmem>>, vector<1x16xf32>,
    %get3A_1332 = vector.shape_cast %get3A_1331 : vector<1x16xf32> to vector<16xf32>
    %get3A_1333 = arith.constant 1 : i32
    %get3A_1334 = arith.index_cast %get3A_1333 : i32 to index
    %get3A_1335 = arith.constant 96 : index
    %get3A_1336 = tpu.vector_load %arg6[%get3A_1334, %get3A_1335] {strides = array<i32>} : memref<2x128xf32, #tpu.memory_space<vmem>>, vector<1x16xf32>,
    %get3A_1337 = vector.shape_cast %get3A_1336 : vector<1x16xf32> to vector<16xf32>
    %add3A_1338 = arith.addf %get3A_1332, %get3A_1337 : vector<16xf32>
    %swap3A_1339 = arith.constant 9 : i32
    %swap3A_1340 = arith.index_cast %swap3A_1339 : i32 to index
    %swap3A_1341 = arith.constant 96 : index
    %swap3A_1342 = tpu.vector_load %arg7[%swap3A_1340, %swap3A_1341] {strides = array<i32>} : memref<16x128xf32, #tpu.memory_space<vmem>>, vector<1x16xf32>,
    %swap3A_1343 = vector.shape_cast %swap3A_1342 : vector<1x16xf32> to vector<16xf32>
    %swap3A_1344 = vector.shape_cast %add3A_1338 : vector<16xf32> to vector<1x16xf32>
    tpu.vector_store %arg7[%swap3A_1340, %swap3A_1341], %swap3A_1344 {strides = array<i32>} : memref<16x128xf32, #tpu.memory_space<vmem>>, vector<1x16xf32>,
    %get3A_1345 = arith.constant 4 : i32
    %get3A_1346 = arith.index_cast %get3A_1345 : i32 to index
    %get3A_1347 = arith.constant 112 : index
    %get3A_1348 = tpu.vector_load %arg5[%get3A_1346, %get3A_1347] {strides = array<i32>} : memref<8x128xf32, #tpu.memory_space<vmem>>, vector<1x16xf32>,
    %get3A_1349 = vector.shape_cast %get3A_1348 : vector<1x16xf32> to vector<16xf32>
    %get3A_1350 = arith.constant 1 : i32
    %get3A_1351 = arith.index_cast %get3A_1350 : i32 to index
    %get3A_1352 = arith.constant 112 : index
    %get3A_1353 = tpu.vector_load %arg6[%get3A_1351, %get3A_1352] {strides = array<i32>} : memref<2x128xf32, #tpu.memory_space<vmem>>, vector<1x16xf32>,
    %get3A_1354 = vector.shape_cast %get3A_1353 : vector<1x16xf32> to vector<16xf32>
    %add3A_1355 = arith.addf %get3A_1349, %get3A_1354 : vector<16xf32>
    %swap3A_1356 = arith.constant 9 : i32
    %swap3A_1357 = arith.index_cast %swap3A_1356 : i32 to index
    %swap3A_1358 = arith.constant 112 : index
    %swap3A_1359 = tpu.vector_load %arg7[%swap3A_1357, %swap3A_1358] {strides = array<i32>} : memref<16x128xf32, #tpu.memory_space<vmem>>, vector<1x16xf32>,
    %swap3A_1360 = vector.shape_cast %swap3A_1359 : vector<1x16xf32> to vector<16xf32>
    %swap3A_1361 = vector.shape_cast %add3A_1355 : vector<16xf32> to vector<1x16xf32>
    tpu.vector_store %arg7[%swap3A_1357, %swap3A_1358], %swap3A_1361 {strides = array<i32>} : memref<16x128xf32, #tpu.memory_space<vmem>>, vector<1x16xf32>,
    %get3A_1362 = arith.constant 5 : i32
    %get3A_1363 = arith.index_cast %get3A_1362 : i32 to index
    %get3A_1364 = arith.constant 0 : index
    %get3A_1365 = tpu.vector_load %arg5[%get3A_1363, %get3A_1364] {strides = array<i32>} : memref<8x128xf32, #tpu.memory_space<vmem>>, vector<1x16xf32>,
    %get3A_1366 = vector.shape_cast %get3A_1365 : vector<1x16xf32> to vector<16xf32>
    %get3A_1367 = arith.constant 0 : i32
    %get3A_1368 = arith.index_cast %get3A_1367 : i32 to index
    %get3A_1369 = arith.constant 0 : index
    %get3A_1370 = tpu.vector_load %arg6[%get3A_1368, %get3A_1369] {strides = array<i32>} : memref<2x128xf32, #tpu.memory_space<vmem>>, vector<1x16xf32>,
    %get3A_1371 = vector.shape_cast %get3A_1370 : vector<1x16xf32> to vector<16xf32>
    %add3A_1372 = arith.addf %get3A_1366, %get3A_1371 : vector<16xf32>
    %swap3A_1373 = arith.constant 10 : i32
    %swap3A_1374 = arith.index_cast %swap3A_1373 : i32 to index
    %swap3A_1375 = arith.constant 0 : index
    %swap3A_1376 = tpu.vector_load %arg7[%swap3A_1374, %swap3A_1375] {strides = array<i32>} : memref<16x128xf32, #tpu.memory_space<vmem>>, vector<1x16xf32>,
    %swap3A_1377 = vector.shape_cast %swap3A_1376 : vector<1x16xf32> to vector<16xf32>
    %swap3A_1378 = vector.shape_cast %add3A_1372 : vector<16xf32> to vector<1x16xf32>
    tpu.vector_store %arg7[%swap3A_1374, %swap3A_1375], %swap3A_1378 {strides = array<i32>} : memref<16x128xf32, #tpu.memory_space<vmem>>, vector<1x16xf32>,
    %get3A_1379 = arith.constant 5 : i32
    %get3A_1380 = arith.index_cast %get3A_1379 : i32 to index
    %get3A_1381 = arith.constant 16 : index
    %get3A_1382 = tpu.vector_load %arg5[%get3A_1380, %get3A_1381] {strides = array<i32>} : memref<8x128xf32, #tpu.memory_space<vmem>>, vector<1x16xf32>,
    %get3A_1383 = vector.shape_cast %get3A_1382 : vector<1x16xf32> to vector<16xf32>
    %get3A_1384 = arith.constant 0 : i32
    %get3A_1385 = arith.index_cast %get3A_1384 : i32 to index
    %get3A_1386 = arith.constant 16 : index
    %get3A_1387 = tpu.vector_load %arg6[%get3A_1385, %get3A_1386] {strides = array<i32>} : memref<2x128xf32, #tpu.memory_space<vmem>>, vector<1x16xf32>,
    %get3A_1388 = vector.shape_cast %get3A_1387 : vector<1x16xf32> to vector<16xf32>
    %add3A_1389 = arith.addf %get3A_1383, %get3A_1388 : vector<16xf32>
    %swap3A_1390 = arith.constant 10 : i32
    %swap3A_1391 = arith.index_cast %swap3A_1390 : i32 to index
    %swap3A_1392 = arith.constant 16 : index
    %swap3A_1393 = tpu.vector_load %arg7[%swap3A_1391, %swap3A_1392] {strides = array<i32>} : memref<16x128xf32, #tpu.memory_space<vmem>>, vector<1x16xf32>,
    %swap3A_1394 = vector.shape_cast %swap3A_1393 : vector<1x16xf32> to vector<16xf32>
    %swap3A_1395 = vector.shape_cast %add3A_1389 : vector<16xf32> to vector<1x16xf32>
    tpu.vector_store %arg7[%swap3A_1391, %swap3A_1392], %swap3A_1395 {strides = array<i32>} : memref<16x128xf32, #tpu.memory_space<vmem>>, vector<1x16xf32>,
    %get3A_1396 = arith.constant 5 : i32
    %get3A_1397 = arith.index_cast %get3A_1396 : i32 to index
    %get3A_1398 = arith.constant 32 : index
    %get3A_1399 = tpu.vector_load %arg5[%get3A_1397, %get3A_1398] {strides = array<i32>} : memref<8x128xf32, #tpu.memory_space<vmem>>, vector<1x16xf32>,
    %get3A_1400 = vector.shape_cast %get3A_1399 : vector<1x16xf32> to vector<16xf32>
    %get3A_1401 = arith.constant 0 : i32
    %get3A_1402 = arith.index_cast %get3A_1401 : i32 to index
    %get3A_1403 = arith.constant 32 : index
    %get3A_1404 = tpu.vector_load %arg6[%get3A_1402, %get3A_1403] {strides = array<i32>} : memref<2x128xf32, #tpu.memory_space<vmem>>, vector<1x16xf32>,
    %get3A_1405 = vector.shape_cast %get3A_1404 : vector<1x16xf32> to vector<16xf32>
    %add3A_1406 = arith.addf %get3A_1400, %get3A_1405 : vector<16xf32>
    %swap3A_1407 = arith.constant 10 : i32
    %swap3A_1408 = arith.index_cast %swap3A_1407 : i32 to index
    %swap3A_1409 = arith.constant 32 : index
    %swap3A_1410 = tpu.vector_load %arg7[%swap3A_1408, %swap3A_1409] {strides = array<i32>} : memref<16x128xf32, #tpu.memory_space<vmem>>, vector<1x16xf32>,
    %swap3A_1411 = vector.shape_cast %swap3A_1410 : vector<1x16xf32> to vector<16xf32>
    %swap3A_1412 = vector.shape_cast %add3A_1406 : vector<16xf32> to vector<1x16xf32>
    tpu.vector_store %arg7[%swap3A_1408, %swap3A_1409], %swap3A_1412 {strides = array<i32>} : memref<16x128xf32, #tpu.memory_space<vmem>>, vector<1x16xf32>,
    %get3A_1413 = arith.constant 5 : i32
    %get3A_1414 = arith.index_cast %get3A_1413 : i32 to index
    %get3A_1415 = arith.constant 48 : index
    %get3A_1416 = tpu.vector_load %arg5[%get3A_1414, %get3A_1415] {strides = array<i32>} : memref<8x128xf32, #tpu.memory_space<vmem>>, vector<1x16xf32>,
    %get3A_1417 = vector.shape_cast %get3A_1416 : vector<1x16xf32> to vector<16xf32>
    %get3A_1418 = arith.constant 0 : i32
    %get3A_1419 = arith.index_cast %get3A_1418 : i32 to index
    %get3A_1420 = arith.constant 48 : index
    %get3A_1421 = tpu.vector_load %arg6[%get3A_1419, %get3A_1420] {strides = array<i32>} : memref<2x128xf32, #tpu.memory_space<vmem>>, vector<1x16xf32>,
    %get3A_1422 = vector.shape_cast %get3A_1421 : vector<1x16xf32> to vector<16xf32>
    %add3A_1423 = arith.addf %get3A_1417, %get3A_1422 : vector<16xf32>
    %swap3A_1424 = arith.constant 10 : i32
    %swap3A_1425 = arith.index_cast %swap3A_1424 : i32 to index
    %swap3A_1426 = arith.constant 48 : index
    %swap3A_1427 = tpu.vector_load %arg7[%swap3A_1425, %swap3A_1426] {strides = array<i32>} : memref<16x128xf32, #tpu.memory_space<vmem>>, vector<1x16xf32>,
    %swap3A_1428 = vector.shape_cast %swap3A_1427 : vector<1x16xf32> to vector<16xf32>
    %swap3A_1429 = vector.shape_cast %add3A_1423 : vector<16xf32> to vector<1x16xf32>
    tpu.vector_store %arg7[%swap3A_1425, %swap3A_1426], %swap3A_1429 {strides = array<i32>} : memref<16x128xf32, #tpu.memory_space<vmem>>, vector<1x16xf32>,
    %get3A_1430 = arith.constant 5 : i32
    %get3A_1431 = arith.index_cast %get3A_1430 : i32 to index
    %get3A_1432 = arith.constant 64 : index
    %get3A_1433 = tpu.vector_load %arg5[%get3A_1431, %get3A_1432] {strides = array<i32>} : memref<8x128xf32, #tpu.memory_space<vmem>>, vector<1x16xf32>,
    %get3A_1434 = vector.shape_cast %get3A_1433 : vector<1x16xf32> to vector<16xf32>
    %get3A_1435 = arith.constant 0 : i32
    %get3A_1436 = arith.index_cast %get3A_1435 : i32 to index
    %get3A_1437 = arith.constant 64 : index
    %get3A_1438 = tpu.vector_load %arg6[%get3A_1436, %get3A_1437] {strides = array<i32>} : memref<2x128xf32, #tpu.memory_space<vmem>>, vector<1x16xf32>,
    %get3A_1439 = vector.shape_cast %get3A_1438 : vector<1x16xf32> to vector<16xf32>
    %add3A_1440 = arith.addf %get3A_1434, %get3A_1439 : vector<16xf32>
    %swap3A_1441 = arith.constant 10 : i32
    %swap3A_1442 = arith.index_cast %swap3A_1441 : i32 to index
    %swap3A_1443 = arith.constant 64 : index
    %swap3A_1444 = tpu.vector_load %arg7[%swap3A_1442, %swap3A_1443] {strides = array<i32>} : memref<16x128xf32, #tpu.memory_space<vmem>>, vector<1x16xf32>,
    %swap3A_1445 = vector.shape_cast %swap3A_1444 : vector<1x16xf32> to vector<16xf32>
    %swap3A_1446 = vector.shape_cast %add3A_1440 : vector<16xf32> to vector<1x16xf32>
    tpu.vector_store %arg7[%swap3A_1442, %swap3A_1443], %swap3A_1446 {strides = array<i32>} : memref<16x128xf32, #tpu.memory_space<vmem>>, vector<1x16xf32>,
    %get3A_1447 = arith.constant 5 : i32
    %get3A_1448 = arith.index_cast %get3A_1447 : i32 to index
    %get3A_1449 = arith.constant 80 : index
    %get3A_1450 = tpu.vector_load %arg5[%get3A_1448, %get3A_1449] {strides = array<i32>} : memref<8x128xf32, #tpu.memory_space<vmem>>, vector<1x16xf32>,
    %get3A_1451 = vector.shape_cast %get3A_1450 : vector<1x16xf32> to vector<16xf32>
    %get3A_1452 = arith.constant 0 : i32
    %get3A_1453 = arith.index_cast %get3A_1452 : i32 to index
    %get3A_1454 = arith.constant 80 : index
    %get3A_1455 = tpu.vector_load %arg6[%get3A_1453, %get3A_1454] {strides = array<i32>} : memref<2x128xf32, #tpu.memory_space<vmem>>, vector<1x16xf32>,
    %get3A_1456 = vector.shape_cast %get3A_1455 : vector<1x16xf32> to vector<16xf32>
    %add3A_1457 = arith.addf %get3A_1451, %get3A_1456 : vector<16xf32>
    %swap3A_1458 = arith.constant 10 : i32
    %swap3A_1459 = arith.index_cast %swap3A_1458 : i32 to index
    %swap3A_1460 = arith.constant 80 : index
    %swap3A_1461 = tpu.vector_load %arg7[%swap3A_1459, %swap3A_1460] {strides = array<i32>} : memref<16x128xf32, #tpu.memory_space<vmem>>, vector<1x16xf32>,
    %swap3A_1462 = vector.shape_cast %swap3A_1461 : vector<1x16xf32> to vector<16xf32>
    %swap3A_1463 = vector.shape_cast %add3A_1457 : vector<16xf32> to vector<1x16xf32>
    tpu.vector_store %arg7[%swap3A_1459, %swap3A_1460], %swap3A_1463 {strides = array<i32>} : memref<16x128xf32, #tpu.memory_space<vmem>>, vector<1x16xf32>,
    %get3A_1464 = arith.constant 5 : i32
    %get3A_1465 = arith.index_cast %get3A_1464 : i32 to index
    %get3A_1466 = arith.constant 96 : index
    %get3A_1467 = tpu.vector_load %arg5[%get3A_1465, %get3A_1466] {strides = array<i32>} : memref<8x128xf32, #tpu.memory_space<vmem>>, vector<1x16xf32>,
    %get3A_1468 = vector.shape_cast %get3A_1467 : vector<1x16xf32> to vector<16xf32>
    %get3A_1469 = arith.constant 0 : i32
    %get3A_1470 = arith.index_cast %get3A_1469 : i32 to index
    %get3A_1471 = arith.constant 96 : index
    %get3A_1472 = tpu.vector_load %arg6[%get3A_1470, %get3A_1471] {strides = array<i32>} : memref<2x128xf32, #tpu.memory_space<vmem>>, vector<1x16xf32>,
    %get3A_1473 = vector.shape_cast %get3A_1472 : vector<1x16xf32> to vector<16xf32>
    %add3A_1474 = arith.addf %get3A_1468, %get3A_1473 : vector<16xf32>
    %swap3A_1475 = arith.constant 10 : i32
    %swap3A_1476 = arith.index_cast %swap3A_1475 : i32 to index
    %swap3A_1477 = arith.constant 96 : index
    %swap3A_1478 = tpu.vector_load %arg7[%swap3A_1476, %swap3A_1477] {strides = array<i32>} : memref<16x128xf32, #tpu.memory_space<vmem>>, vector<1x16xf32>,
    %swap3A_1479 = vector.shape_cast %swap3A_1478 : vector<1x16xf32> to vector<16xf32>
    %swap3A_1480 = vector.shape_cast %add3A_1474 : vector<16xf32> to vector<1x16xf32>
    tpu.vector_store %arg7[%swap3A_1476, %swap3A_1477], %swap3A_1480 {strides = array<i32>} : memref<16x128xf32, #tpu.memory_space<vmem>>, vector<1x16xf32>,
    %get3A_1481 = arith.constant 5 : i32
    %get3A_1482 = arith.index_cast %get3A_1481 : i32 to index
    %get3A_1483 = arith.constant 112 : index
    %get3A_1484 = tpu.vector_load %arg5[%get3A_1482, %get3A_1483] {strides = array<i32>} : memref<8x128xf32, #tpu.memory_space<vmem>>, vector<1x16xf32>,
    %get3A_1485 = vector.shape_cast %get3A_1484 : vector<1x16xf32> to vector<16xf32>
    %get3A_1486 = arith.constant 0 : i32
    %get3A_1487 = arith.index_cast %get3A_1486 : i32 to index
    %get3A_1488 = arith.constant 112 : index
    %get3A_1489 = tpu.vector_load %arg6[%get3A_1487, %get3A_1488] {strides = array<i32>} : memref<2x128xf32, #tpu.memory_space<vmem>>, vector<1x16xf32>,
    %get3A_1490 = vector.shape_cast %get3A_1489 : vector<1x16xf32> to vector<16xf32>
    %add3A_1491 = arith.addf %get3A_1485, %get3A_1490 : vector<16xf32>
    %swap3A_1492 = arith.constant 10 : i32
    %swap3A_1493 = arith.index_cast %swap3A_1492 : i32 to index
    %swap3A_1494 = arith.constant 112 : index
    %swap3A_1495 = tpu.vector_load %arg7[%swap3A_1493, %swap3A_1494] {strides = array<i32>} : memref<16x128xf32, #tpu.memory_space<vmem>>, vector<1x16xf32>,
    %swap3A_1496 = vector.shape_cast %swap3A_1495 : vector<1x16xf32> to vector<16xf32>
    %swap3A_1497 = vector.shape_cast %add3A_1491 : vector<16xf32> to vector<1x16xf32>
    tpu.vector_store %arg7[%swap3A_1493, %swap3A_1494], %swap3A_1497 {strides = array<i32>} : memref<16x128xf32, #tpu.memory_space<vmem>>, vector<1x16xf32>,
    %get3A_1498 = arith.constant 5 : i32
    %get3A_1499 = arith.index_cast %get3A_1498 : i32 to index
    %get3A_1500 = arith.constant 0 : index
    %get3A_1501 = tpu.vector_load %arg5[%get3A_1499, %get3A_1500] {strides = array<i32>} : memref<8x128xf32, #tpu.memory_space<vmem>>, vector<1x16xf32>,
    %get3A_1502 = vector.shape_cast %get3A_1501 : vector<1x16xf32> to vector<16xf32>
    %get3A_1503 = arith.constant 1 : i32
    %get3A_1504 = arith.index_cast %get3A_1503 : i32 to index
    %get3A_1505 = arith.constant 0 : index
    %get3A_1506 = tpu.vector_load %arg6[%get3A_1504, %get3A_1505] {strides = array<i32>} : memref<2x128xf32, #tpu.memory_space<vmem>>, vector<1x16xf32>,
    %get3A_1507 = vector.shape_cast %get3A_1506 : vector<1x16xf32> to vector<16xf32>
    %add3A_1508 = arith.addf %get3A_1502, %get3A_1507 : vector<16xf32>
    %swap3A_1509 = arith.constant 11 : i32
    %swap3A_1510 = arith.index_cast %swap3A_1509 : i32 to index
    %swap3A_1511 = arith.constant 0 : index
    %swap3A_1512 = tpu.vector_load %arg7[%swap3A_1510, %swap3A_1511] {strides = array<i32>} : memref<16x128xf32, #tpu.memory_space<vmem>>, vector<1x16xf32>,
    %swap3A_1513 = vector.shape_cast %swap3A_1512 : vector<1x16xf32> to vector<16xf32>
    %swap3A_1514 = vector.shape_cast %add3A_1508 : vector<16xf32> to vector<1x16xf32>
    tpu.vector_store %arg7[%swap3A_1510, %swap3A_1511], %swap3A_1514 {strides = array<i32>} : memref<16x128xf32, #tpu.memory_space<vmem>>, vector<1x16xf32>,
    %get3A_1515 = arith.constant 5 : i32
    %get3A_1516 = arith.index_cast %get3A_1515 : i32 to index
    %get3A_1517 = arith.constant 16 : index
    %get3A_1518 = tpu.vector_load %arg5[%get3A_1516, %get3A_1517] {strides = array<i32>} : memref<8x128xf32, #tpu.memory_space<vmem>>, vector<1x16xf32>,
    %get3A_1519 = vector.shape_cast %get3A_1518 : vector<1x16xf32> to vector<16xf32>
    %get3A_1520 = arith.constant 1 : i32
    %get3A_1521 = arith.index_cast %get3A_1520 : i32 to index
    %get3A_1522 = arith.constant 16 : index
    %get3A_1523 = tpu.vector_load %arg6[%get3A_1521, %get3A_1522] {strides = array<i32>} : memref<2x128xf32, #tpu.memory_space<vmem>>, vector<1x16xf32>,
    %get3A_1524 = vector.shape_cast %get3A_1523 : vector<1x16xf32> to vector<16xf32>
    %add3A_1525 = arith.addf %get3A_1519, %get3A_1524 : vector<16xf32>
    %swap3A_1526 = arith.constant 11 : i32
    %swap3A_1527 = arith.index_cast %swap3A_1526 : i32 to index
    %swap3A_1528 = arith.constant 16 : index
    %swap3A_1529 = tpu.vector_load %arg7[%swap3A_1527, %swap3A_1528] {strides = array<i32>} : memref<16x128xf32, #tpu.memory_space<vmem>>, vector<1x16xf32>,
    %swap3A_1530 = vector.shape_cast %swap3A_1529 : vector<1x16xf32> to vector<16xf32>
    %swap3A_1531 = vector.shape_cast %add3A_1525 : vector<16xf32> to vector<1x16xf32>
    tpu.vector_store %arg7[%swap3A_1527, %swap3A_1528], %swap3A_1531 {strides = array<i32>} : memref<16x128xf32, #tpu.memory_space<vmem>>, vector<1x16xf32>,
    %get3A_1532 = arith.constant 5 : i32
    %get3A_1533 = arith.index_cast %get3A_1532 : i32 to index
    %get3A_1534 = arith.constant 32 : index
    %get3A_1535 = tpu.vector_load %arg5[%get3A_1533, %get3A_1534] {strides = array<i32>} : memref<8x128xf32, #tpu.memory_space<vmem>>, vector<1x16xf32>,
    %get3A_1536 = vector.shape_cast %get3A_1535 : vector<1x16xf32> to vector<16xf32>
    %get3A_1537 = arith.constant 1 : i32
    %get3A_1538 = arith.index_cast %get3A_1537 : i32 to index
    %get3A_1539 = arith.constant 32 : index
    %get3A_1540 = tpu.vector_load %arg6[%get3A_1538, %get3A_1539] {strides = array<i32>} : memref<2x128xf32, #tpu.memory_space<vmem>>, vector<1x16xf32>,
    %get3A_1541 = vector.shape_cast %get3A_1540 : vector<1x16xf32> to vector<16xf32>
    %add3A_1542 = arith.addf %get3A_1536, %get3A_1541 : vector<16xf32>
    %swap3A_1543 = arith.constant 11 : i32
    %swap3A_1544 = arith.index_cast %swap3A_1543 : i32 to index
    %swap3A_1545 = arith.constant 32 : index
    %swap3A_1546 = tpu.vector_load %arg7[%swap3A_1544, %swap3A_1545] {strides = array<i32>} : memref<16x128xf32, #tpu.memory_space<vmem>>, vector<1x16xf32>,
    %swap3A_1547 = vector.shape_cast %swap3A_1546 : vector<1x16xf32> to vector<16xf32>
    %swap3A_1548 = vector.shape_cast %add3A_1542 : vector<16xf32> to vector<1x16xf32>
    tpu.vector_store %arg7[%swap3A_1544, %swap3A_1545], %swap3A_1548 {strides = array<i32>} : memref<16x128xf32, #tpu.memory_space<vmem>>, vector<1x16xf32>,
    %get3A_1549 = arith.constant 5 : i32
    %get3A_1550 = arith.index_cast %get3A_1549 : i32 to index
    %get3A_1551 = arith.constant 48 : index
    %get3A_1552 = tpu.vector_load %arg5[%get3A_1550, %get3A_1551] {strides = array<i32>} : memref<8x128xf32, #tpu.memory_space<vmem>>, vector<1x16xf32>,
    %get3A_1553 = vector.shape_cast %get3A_1552 : vector<1x16xf32> to vector<16xf32>
    %get3A_1554 = arith.constant 1 : i32
    %get3A_1555 = arith.index_cast %get3A_1554 : i32 to index
    %get3A_1556 = arith.constant 48 : index
    %get3A_1557 = tpu.vector_load %arg6[%get3A_1555, %get3A_1556] {strides = array<i32>} : memref<2x128xf32, #tpu.memory_space<vmem>>, vector<1x16xf32>,
    %get3A_1558 = vector.shape_cast %get3A_1557 : vector<1x16xf32> to vector<16xf32>
    %add3A_1559 = arith.addf %get3A_1553, %get3A_1558 : vector<16xf32>
    %swap3A_1560 = arith.constant 11 : i32
    %swap3A_1561 = arith.index_cast %swap3A_1560 : i32 to index
    %swap3A_1562 = arith.constant 48 : index
    %swap3A_1563 = tpu.vector_load %arg7[%swap3A_1561, %swap3A_1562] {strides = array<i32>} : memref<16x128xf32, #tpu.memory_space<vmem>>, vector<1x16xf32>,
    %swap3A_1564 = vector.shape_cast %swap3A_1563 : vector<1x16xf32> to vector<16xf32>
    %swap3A_1565 = vector.shape_cast %add3A_1559 : vector<16xf32> to vector<1x16xf32>
    tpu.vector_store %arg7[%swap3A_1561, %swap3A_1562], %swap3A_1565 {strides = array<i32>} : memref<16x128xf32, #tpu.memory_space<vmem>>, vector<1x16xf32>,
    %get3A_1566 = arith.constant 5 : i32
    %get3A_1567 = arith.index_cast %get3A_1566 : i32 to index
    %get3A_1568 = arith.constant 64 : index
    %get3A_1569 = tpu.vector_load %arg5[%get3A_1567, %get3A_1568] {strides = array<i32>} : memref<8x128xf32, #tpu.memory_space<vmem>>, vector<1x16xf32>,
    %get3A_1570 = vector.shape_cast %get3A_1569 : vector<1x16xf32> to vector<16xf32>
    %get3A_1571 = arith.constant 1 : i32
    %get3A_1572 = arith.index_cast %get3A_1571 : i32 to index
    %get3A_1573 = arith.constant 64 : index
    %get3A_1574 = tpu.vector_load %arg6[%get3A_1572, %get3A_1573] {strides = array<i32>} : memref<2x128xf32, #tpu.memory_space<vmem>>, vector<1x16xf32>,
    %get3A_1575 = vector.shape_cast %get3A_1574 : vector<1x16xf32> to vector<16xf32>
    %add3A_1576 = arith.addf %get3A_1570, %get3A_1575 : vector<16xf32>
    %swap3A_1577 = arith.constant 11 : i32
    %swap3A_1578 = arith.index_cast %swap3A_1577 : i32 to index
    %swap3A_1579 = arith.constant 64 : index
    %swap3A_1580 = tpu.vector_load %arg7[%swap3A_1578, %swap3A_1579] {strides = array<i32>} : memref<16x128xf32, #tpu.memory_space<vmem>>, vector<1x16xf32>,
    %swap3A_1581 = vector.shape_cast %swap3A_1580 : vector<1x16xf32> to vector<16xf32>
    %swap3A_1582 = vector.shape_cast %add3A_1576 : vector<16xf32> to vector<1x16xf32>
    tpu.vector_store %arg7[%swap3A_1578, %swap3A_1579], %swap3A_1582 {strides = array<i32>} : memref<16x128xf32, #tpu.memory_space<vmem>>, vector<1x16xf32>,
    %get3A_1583 = arith.constant 5 : i32
    %get3A_1584 = arith.index_cast %get3A_1583 : i32 to index
    %get3A_1585 = arith.constant 80 : index
    %get3A_1586 = tpu.vector_load %arg5[%get3A_1584, %get3A_1585] {strides = array<i32>} : memref<8x128xf32, #tpu.memory_space<vmem>>, vector<1x16xf32>,
    %get3A_1587 = vector.shape_cast %get3A_1586 : vector<1x16xf32> to vector<16xf32>
    %get3A_1588 = arith.constant 1 : i32
    %get3A_1589 = arith.index_cast %get3A_1588 : i32 to index
    %get3A_1590 = arith.constant 80 : index
    %get3A_1591 = tpu.vector_load %arg6[%get3A_1589, %get3A_1590] {strides = array<i32>} : memref<2x128xf32, #tpu.memory_space<vmem>>, vector<1x16xf32>,
    %get3A_1592 = vector.shape_cast %get3A_1591 : vector<1x16xf32> to vector<16xf32>
    %add3A_1593 = arith.addf %get3A_1587, %get3A_1592 : vector<16xf32>
    %swap3A_1594 = arith.constant 11 : i32
    %swap3A_1595 = arith.index_cast %swap3A_1594 : i32 to index
    %swap3A_1596 = arith.constant 80 : index
    %swap3A_1597 = tpu.vector_load %arg7[%swap3A_1595, %swap3A_1596] {strides = array<i32>} : memref<16x128xf32, #tpu.memory_space<vmem>>, vector<1x16xf32>,
    %swap3A_1598 = vector.shape_cast %swap3A_1597 : vector<1x16xf32> to vector<16xf32>
    %swap3A_1599 = vector.shape_cast %add3A_1593 : vector<16xf32> to vector<1x16xf32>
    tpu.vector_store %arg7[%swap3A_1595, %swap3A_1596], %swap3A_1599 {strides = array<i32>} : memref<16x128xf32, #tpu.memory_space<vmem>>, vector<1x16xf32>,
    %get3A_1600 = arith.constant 5 : i32
    %get3A_1601 = arith.index_cast %get3A_1600 : i32 to index
    %get3A_1602 = arith.constant 96 : index
    %get3A_1603 = tpu.vector_load %arg5[%get3A_1601, %get3A_1602] {strides = array<i32>} : memref<8x128xf32, #tpu.memory_space<vmem>>, vector<1x16xf32>,
    %get3A_1604 = vector.shape_cast %get3A_1603 : vector<1x16xf32> to vector<16xf32>
    %get3A_1605 = arith.constant 1 : i32
    %get3A_1606 = arith.index_cast %get3A_1605 : i32 to index
    %get3A_1607 = arith.constant 96 : index
    %get3A_1608 = tpu.vector_load %arg6[%get3A_1606, %get3A_1607] {strides = array<i32>} : memref<2x128xf32, #tpu.memory_space<vmem>>, vector<1x16xf32>,
    %get3A_1609 = vector.shape_cast %get3A_1608 : vector<1x16xf32> to vector<16xf32>
    %add3A_1610 = arith.addf %get3A_1604, %get3A_1609 : vector<16xf32>
    %swap3A_1611 = arith.constant 11 : i32
    %swap3A_1612 = arith.index_cast %swap3A_1611 : i32 to index
    %swap3A_1613 = arith.constant 96 : index
    %swap3A_1614 = tpu.vector_load %arg7[%swap3A_1612, %swap3A_1613] {strides = array<i32>} : memref<16x128xf32, #tpu.memory_space<vmem>>, vector<1x16xf32>,
    %swap3A_1615 = vector.shape_cast %swap3A_1614 : vector<1x16xf32> to vector<16xf32>
    %swap3A_1616 = vector.shape_cast %add3A_1610 : vector<16xf32> to vector<1x16xf32>
    tpu.vector_store %arg7[%swap3A_1612, %swap3A_1613], %swap3A_1616 {strides = array<i32>} : memref<16x128xf32, #tpu.memory_space<vmem>>, vector<1x16xf32>,
    %get3A_1617 = arith.constant 5 : i32
    %get3A_1618 = arith.index_cast %get3A_1617 : i32 to index
    %get3A_1619 = arith.constant 112 : index
    %get3A_1620 = tpu.vector_load %arg5[%get3A_1618, %get3A_1619] {strides = array<i32>} : memref<8x128xf32, #tpu.memory_space<vmem>>, vector<1x16xf32>,
    %get3A_1621 = vector.shape_cast %get3A_1620 : vector<1x16xf32> to vector<16xf32>
    %get3A_1622 = arith.constant 1 : i32
    %get3A_1623 = arith.index_cast %get3A_1622 : i32 to index
    %get3A_1624 = arith.constant 112 : index
    %get3A_1625 = tpu.vector_load %arg6[%get3A_1623, %get3A_1624] {strides = array<i32>} : memref<2x128xf32, #tpu.memory_space<vmem>>, vector<1x16xf32>,
    %get3A_1626 = vector.shape_cast %get3A_1625 : vector<1x16xf32> to vector<16xf32>
    %add3A_1627 = arith.addf %get3A_1621, %get3A_1626 : vector<16xf32>
    %swap3A_1628 = arith.constant 11 : i32
    %swap3A_1629 = arith.index_cast %swap3A_1628 : i32 to index
    %swap3A_1630 = arith.constant 112 : index
    %swap3A_1631 = tpu.vector_load %arg7[%swap3A_1629, %swap3A_1630] {strides = array<i32>} : memref<16x128xf32, #tpu.memory_space<vmem>>, vector<1x16xf32>,
    %swap3A_1632 = vector.shape_cast %swap3A_1631 : vector<1x16xf32> to vector<16xf32>
    %swap3A_1633 = vector.shape_cast %add3A_1627 : vector<16xf32> to vector<1x16xf32>
    tpu.vector_store %arg7[%swap3A_1629, %swap3A_1630], %swap3A_1633 {strides = array<i32>} : memref<16x128xf32, #tpu.memory_space<vmem>>, vector<1x16xf32>,
    %get3A_1634 = arith.constant 6 : i32
    %get3A_1635 = arith.index_cast %get3A_1634 : i32 to index
    %get3A_1636 = arith.constant 0 : index
    %get3A_1637 = tpu.vector_load %arg5[%get3A_1635, %get3A_1636] {strides = array<i32>} : memref<8x128xf32, #tpu.memory_space<vmem>>, vector<1x16xf32>,
    %get3A_1638 = vector.shape_cast %get3A_1637 : vector<1x16xf32> to vector<16xf32>
    %get3A_1639 = arith.constant 0 : i32
    %get3A_1640 = arith.index_cast %get3A_1639 : i32 to index
    %get3A_1641 = arith.constant 0 : index
    %get3A_1642 = tpu.vector_load %arg6[%get3A_1640, %get3A_1641] {strides = array<i32>} : memref<2x128xf32, #tpu.memory_space<vmem>>, vector<1x16xf32>,
    %get3A_1643 = vector.shape_cast %get3A_1642 : vector<1x16xf32> to vector<16xf32>
    %add3A_1644 = arith.addf %get3A_1638, %get3A_1643 : vector<16xf32>
    %swap3A_1645 = arith.constant 12 : i32
    %swap3A_1646 = arith.index_cast %swap3A_1645 : i32 to index
    %swap3A_1647 = arith.constant 0 : index
    %swap3A_1648 = tpu.vector_load %arg7[%swap3A_1646, %swap3A_1647] {strides = array<i32>} : memref<16x128xf32, #tpu.memory_space<vmem>>, vector<1x16xf32>,
    %swap3A_1649 = vector.shape_cast %swap3A_1648 : vector<1x16xf32> to vector<16xf32>
    %swap3A_1650 = vector.shape_cast %add3A_1644 : vector<16xf32> to vector<1x16xf32>
    tpu.vector_store %arg7[%swap3A_1646, %swap3A_1647], %swap3A_1650 {strides = array<i32>} : memref<16x128xf32, #tpu.memory_space<vmem>>, vector<1x16xf32>,
    %get3A_1651 = arith.constant 6 : i32
    %get3A_1652 = arith.index_cast %get3A_1651 : i32 to index
    %get3A_1653 = arith.constant 16 : index
    %get3A_1654 = tpu.vector_load %arg5[%get3A_1652, %get3A_1653] {strides = array<i32>} : memref<8x128xf32, #tpu.memory_space<vmem>>, vector<1x16xf32>,
    %get3A_1655 = vector.shape_cast %get3A_1654 : vector<1x16xf32> to vector<16xf32>
    %get3A_1656 = arith.constant 0 : i32
    %get3A_1657 = arith.index_cast %get3A_1656 : i32 to index
    %get3A_1658 = arith.constant 16 : index
    %get3A_1659 = tpu.vector_load %arg6[%get3A_1657, %get3A_1658] {strides = array<i32>} : memref<2x128xf32, #tpu.memory_space<vmem>>, vector<1x16xf32>,
    %get3A_1660 = vector.shape_cast %get3A_1659 : vector<1x16xf32> to vector<16xf32>
    %add3A_1661 = arith.addf %get3A_1655, %get3A_1660 : vector<16xf32>
    %swap3A_1662 = arith.constant 12 : i32
    %swap3A_1663 = arith.index_cast %swap3A_1662 : i32 to index
    %swap3A_1664 = arith.constant 16 : index
    %swap3A_1665 = tpu.vector_load %arg7[%swap3A_1663, %swap3A_1664] {strides = array<i32>} : memref<16x128xf32, #tpu.memory_space<vmem>>, vector<1x16xf32>,
    %swap3A_1666 = vector.shape_cast %swap3A_1665 : vector<1x16xf32> to vector<16xf32>
    %swap3A_1667 = vector.shape_cast %add3A_1661 : vector<16xf32> to vector<1x16xf32>
    tpu.vector_store %arg7[%swap3A_1663, %swap3A_1664], %swap3A_1667 {strides = array<i32>} : memref<16x128xf32, #tpu.memory_space<vmem>>, vector<1x16xf32>,
    %get3A_1668 = arith.constant 6 : i32
    %get3A_1669 = arith.index_cast %get3A_1668 : i32 to index
    %get3A_1670 = arith.constant 32 : index
    %get3A_1671 = tpu.vector_load %arg5[%get3A_1669, %get3A_1670] {strides = array<i32>} : memref<8x128xf32, #tpu.memory_space<vmem>>, vector<1x16xf32>,
    %get3A_1672 = vector.shape_cast %get3A_1671 : vector<1x16xf32> to vector<16xf32>
    %get3A_1673 = arith.constant 0 : i32
    %get3A_1674 = arith.index_cast %get3A_1673 : i32 to index
    %get3A_1675 = arith.constant 32 : index
    %get3A_1676 = tpu.vector_load %arg6[%get3A_1674, %get3A_1675] {strides = array<i32>} : memref<2x128xf32, #tpu.memory_space<vmem>>, vector<1x16xf32>,
    %get3A_1677 = vector.shape_cast %get3A_1676 : vector<1x16xf32> to vector<16xf32>
    %add3A_1678 = arith.addf %get3A_1672, %get3A_1677 : vector<16xf32>
    %swap3A_1679 = arith.constant 12 : i32
    %swap3A_1680 = arith.index_cast %swap3A_1679 : i32 to index
    %swap3A_1681 = arith.constant 32 : index
    %swap3A_1682 = tpu.vector_load %arg7[%swap3A_1680, %swap3A_1681] {strides = array<i32>} : memref<16x128xf32, #tpu.memory_space<vmem>>, vector<1x16xf32>,
    %swap3A_1683 = vector.shape_cast %swap3A_1682 : vector<1x16xf32> to vector<16xf32>
    %swap3A_1684 = vector.shape_cast %add3A_1678 : vector<16xf32> to vector<1x16xf32>
    tpu.vector_store %arg7[%swap3A_1680, %swap3A_1681], %swap3A_1684 {strides = array<i32>} : memref<16x128xf32, #tpu.memory_space<vmem>>, vector<1x16xf32>,
    %get3A_1685 = arith.constant 6 : i32
    %get3A_1686 = arith.index_cast %get3A_1685 : i32 to index
    %get3A_1687 = arith.constant 48 : index
    %get3A_1688 = tpu.vector_load %arg5[%get3A_1686, %get3A_1687] {strides = array<i32>} : memref<8x128xf32, #tpu.memory_space<vmem>>, vector<1x16xf32>,
    %get3A_1689 = vector.shape_cast %get3A_1688 : vector<1x16xf32> to vector<16xf32>
    %get3A_1690 = arith.constant 0 : i32
    %get3A_1691 = arith.index_cast %get3A_1690 : i32 to index
    %get3A_1692 = arith.constant 48 : index
    %get3A_1693 = tpu.vector_load %arg6[%get3A_1691, %get3A_1692] {strides = array<i32>} : memref<2x128xf32, #tpu.memory_space<vmem>>, vector<1x16xf32>,
    %get3A_1694 = vector.shape_cast %get3A_1693 : vector<1x16xf32> to vector<16xf32>
    %add3A_1695 = arith.addf %get3A_1689, %get3A_1694 : vector<16xf32>
    %swap3A_1696 = arith.constant 12 : i32
    %swap3A_1697 = arith.index_cast %swap3A_1696 : i32 to index
    %swap3A_1698 = arith.constant 48 : index
    %swap3A_1699 = tpu.vector_load %arg7[%swap3A_1697, %swap3A_1698] {strides = array<i32>} : memref<16x128xf32, #tpu.memory_space<vmem>>, vector<1x16xf32>,
    %swap3A_1700 = vector.shape_cast %swap3A_1699 : vector<1x16xf32> to vector<16xf32>
    %swap3A_1701 = vector.shape_cast %add3A_1695 : vector<16xf32> to vector<1x16xf32>
    tpu.vector_store %arg7[%swap3A_1697, %swap3A_1698], %swap3A_1701 {strides = array<i32>} : memref<16x128xf32, #tpu.memory_space<vmem>>, vector<1x16xf32>,
    %get3A_1702 = arith.constant 6 : i32
    %get3A_1703 = arith.index_cast %get3A_1702 : i32 to index
    %get3A_1704 = arith.constant 64 : index
    %get3A_1705 = tpu.vector_load %arg5[%get3A_1703, %get3A_1704] {strides = array<i32>} : memref<8x128xf32, #tpu.memory_space<vmem>>, vector<1x16xf32>,
    %get3A_1706 = vector.shape_cast %get3A_1705 : vector<1x16xf32> to vector<16xf32>
    %get3A_1707 = arith.constant 0 : i32
    %get3A_1708 = arith.index_cast %get3A_1707 : i32 to index
    %get3A_1709 = arith.constant 64 : index
    %get3A_1710 = tpu.vector_load %arg6[%get3A_1708, %get3A_1709] {strides = array<i32>} : memref<2x128xf32, #tpu.memory_space<vmem>>, vector<1x16xf32>,
    %get3A_1711 = vector.shape_cast %get3A_1710 : vector<1x16xf32> to vector<16xf32>
    %add3A_1712 = arith.addf %get3A_1706, %get3A_1711 : vector<16xf32>
    %swap3A_1713 = arith.constant 12 : i32
    %swap3A_1714 = arith.index_cast %swap3A_1713 : i32 to index
    %swap3A_1715 = arith.constant 64 : index
    %swap3A_1716 = tpu.vector_load %arg7[%swap3A_1714, %swap3A_1715] {strides = array<i32>} : memref<16x128xf32, #tpu.memory_space<vmem>>, vector<1x16xf32>,
    %swap3A_1717 = vector.shape_cast %swap3A_1716 : vector<1x16xf32> to vector<16xf32>
    %swap3A_1718 = vector.shape_cast %add3A_1712 : vector<16xf32> to vector<1x16xf32>
    tpu.vector_store %arg7[%swap3A_1714, %swap3A_1715], %swap3A_1718 {strides = array<i32>} : memref<16x128xf32, #tpu.memory_space<vmem>>, vector<1x16xf32>,
    %get3A_1719 = arith.constant 6 : i32
    %get3A_1720 = arith.index_cast %get3A_1719 : i32 to index
    %get3A_1721 = arith.constant 80 : index
    %get3A_1722 = tpu.vector_load %arg5[%get3A_1720, %get3A_1721] {strides = array<i32>} : memref<8x128xf32, #tpu.memory_space<vmem>>, vector<1x16xf32>,
    %get3A_1723 = vector.shape_cast %get3A_1722 : vector<1x16xf32> to vector<16xf32>
    %get3A_1724 = arith.constant 0 : i32
    %get3A_1725 = arith.index_cast %get3A_1724 : i32 to index
    %get3A_1726 = arith.constant 80 : index
    %get3A_1727 = tpu.vector_load %arg6[%get3A_1725, %get3A_1726] {strides = array<i32>} : memref<2x128xf32, #tpu.memory_space<vmem>>, vector<1x16xf32>,
    %get3A_1728 = vector.shape_cast %get3A_1727 : vector<1x16xf32> to vector<16xf32>
    %add3A_1729 = arith.addf %get3A_1723, %get3A_1728 : vector<16xf32>
    %swap3A_1730 = arith.constant 12 : i32
    %swap3A_1731 = arith.index_cast %swap3A_1730 : i32 to index
    %swap3A_1732 = arith.constant 80 : index
    %swap3A_1733 = tpu.vector_load %arg7[%swap3A_1731, %swap3A_1732] {strides = array<i32>} : memref<16x128xf32, #tpu.memory_space<vmem>>, vector<1x16xf32>,
    %swap3A_1734 = vector.shape_cast %swap3A_1733 : vector<1x16xf32> to vector<16xf32>
    %swap3A_1735 = vector.shape_cast %add3A_1729 : vector<16xf32> to vector<1x16xf32>
    tpu.vector_store %arg7[%swap3A_1731, %swap3A_1732], %swap3A_1735 {strides = array<i32>} : memref<16x128xf32, #tpu.memory_space<vmem>>, vector<1x16xf32>,
    %get3A_1736 = arith.constant 6 : i32
    %get3A_1737 = arith.index_cast %get3A_1736 : i32 to index
    %get3A_1738 = arith.constant 96 : index
    %get3A_1739 = tpu.vector_load %arg5[%get3A_1737, %get3A_1738] {strides = array<i32>} : memref<8x128xf32, #tpu.memory_space<vmem>>, vector<1x16xf32>,
    %get3A_1740 = vector.shape_cast %get3A_1739 : vector<1x16xf32> to vector<16xf32>
    %get3A_1741 = arith.constant 0 : i32
    %get3A_1742 = arith.index_cast %get3A_1741 : i32 to index
    %get3A_1743 = arith.constant 96 : index
    %get3A_1744 = tpu.vector_load %arg6[%get3A_1742, %get3A_1743] {strides = array<i32>} : memref<2x128xf32, #tpu.memory_space<vmem>>, vector<1x16xf32>,
    %get3A_1745 = vector.shape_cast %get3A_1744 : vector<1x16xf32> to vector<16xf32>
    %add3A_1746 = arith.addf %get3A_1740, %get3A_1745 : vector<16xf32>
    %swap3A_1747 = arith.constant 12 : i32
    %swap3A_1748 = arith.index_cast %swap3A_1747 : i32 to index
    %swap3A_1749 = arith.constant 96 : index
    %swap3A_1750 = tpu.vector_load %arg7[%swap3A_1748, %swap3A_1749] {strides = array<i32>} : memref<16x128xf32, #tpu.memory_space<vmem>>, vector<1x16xf32>,
    %swap3A_1751 = vector.shape_cast %swap3A_1750 : vector<1x16xf32> to vector<16xf32>
    %swap3A_1752 = vector.shape_cast %add3A_1746 : vector<16xf32> to vector<1x16xf32>
    tpu.vector_store %arg7[%swap3A_1748, %swap3A_1749], %swap3A_1752 {strides = array<i32>} : memref<16x128xf32, #tpu.memory_space<vmem>>, vector<1x16xf32>,
    %get3A_1753 = arith.constant 6 : i32
    %get3A_1754 = arith.index_cast %get3A_1753 : i32 to index
    %get3A_1755 = arith.constant 112 : index
    %get3A_1756 = tpu.vector_load %arg5[%get3A_1754, %get3A_1755] {strides = array<i32>} : memref<8x128xf32, #tpu.memory_space<vmem>>, vector<1x16xf32>,
    %get3A_1757 = vector.shape_cast %get3A_1756 : vector<1x16xf32> to vector<16xf32>
    %get3A_1758 = arith.constant 0 : i32
    %get3A_1759 = arith.index_cast %get3A_1758 : i32 to index
    %get3A_1760 = arith.constant 112 : index
    %get3A_1761 = tpu.vector_load %arg6[%get3A_1759, %get3A_1760] {strides = array<i32>} : memref<2x128xf32, #tpu.memory_space<vmem>>, vector<1x16xf32>,
    %get3A_1762 = vector.shape_cast %get3A_1761 : vector<1x16xf32> to vector<16xf32>
    %add3A_1763 = arith.addf %get3A_1757, %get3A_1762 : vector<16xf32>
    %swap3A_1764 = arith.constant 12 : i32
    %swap3A_1765 = arith.index_cast %swap3A_1764 : i32 to index
    %swap3A_1766 = arith.constant 112 : index
    %swap3A_1767 = tpu.vector_load %arg7[%swap3A_1765, %swap3A_1766] {strides = array<i32>} : memref<16x128xf32, #tpu.memory_space<vmem>>, vector<1x16xf32>,
    %swap3A_1768 = vector.shape_cast %swap3A_1767 : vector<1x16xf32> to vector<16xf32>
    %swap3A_1769 = vector.shape_cast %add3A_1763 : vector<16xf32> to vector<1x16xf32>
    tpu.vector_store %arg7[%swap3A_1765, %swap3A_1766], %swap3A_1769 {strides = array<i32>} : memref<16x128xf32, #tpu.memory_space<vmem>>, vector<1x16xf32>,
    %get3A_1770 = arith.constant 6 : i32
    %get3A_1771 = arith.index_cast %get3A_1770 : i32 to index
    %get3A_1772 = arith.constant 0 : index
    %get3A_1773 = tpu.vector_load %arg5[%get3A_1771, %get3A_1772] {strides = array<i32>} : memref<8x128xf32, #tpu.memory_space<vmem>>, vector<1x16xf32>,
    %get3A_1774 = vector.shape_cast %get3A_1773 : vector<1x16xf32> to vector<16xf32>
    %get3A_1775 = arith.constant 1 : i32
    %get3A_1776 = arith.index_cast %get3A_1775 : i32 to index
    %get3A_1777 = arith.constant 0 : index
    %get3A_1778 = tpu.vector_load %arg6[%get3A_1776, %get3A_1777] {strides = array<i32>} : memref<2x128xf32, #tpu.memory_space<vmem>>, vector<1x16xf32>,
    %get3A_1779 = vector.shape_cast %get3A_1778 : vector<1x16xf32> to vector<16xf32>
    %add3A_1780 = arith.addf %get3A_1774, %get3A_1779 : vector<16xf32>
    %swap3A_1781 = arith.constant 13 : i32
    %swap3A_1782 = arith.index_cast %swap3A_1781 : i32 to index
    %swap3A_1783 = arith.constant 0 : index
    %swap3A_1784 = tpu.vector_load %arg7[%swap3A_1782, %swap3A_1783] {strides = array<i32>} : memref<16x128xf32, #tpu.memory_space<vmem>>, vector<1x16xf32>,
    %swap3A_1785 = vector.shape_cast %swap3A_1784 : vector<1x16xf32> to vector<16xf32>
    %swap3A_1786 = vector.shape_cast %add3A_1780 : vector<16xf32> to vector<1x16xf32>
    tpu.vector_store %arg7[%swap3A_1782, %swap3A_1783], %swap3A_1786 {strides = array<i32>} : memref<16x128xf32, #tpu.memory_space<vmem>>, vector<1x16xf32>,
    %get3A_1787 = arith.constant 6 : i32
    %get3A_1788 = arith.index_cast %get3A_1787 : i32 to index
    %get3A_1789 = arith.constant 16 : index
    %get3A_1790 = tpu.vector_load %arg5[%get3A_1788, %get3A_1789] {strides = array<i32>} : memref<8x128xf32, #tpu.memory_space<vmem>>, vector<1x16xf32>,
    %get3A_1791 = vector.shape_cast %get3A_1790 : vector<1x16xf32> to vector<16xf32>
    %get3A_1792 = arith.constant 1 : i32
    %get3A_1793 = arith.index_cast %get3A_1792 : i32 to index
    %get3A_1794 = arith.constant 16 : index
    %get3A_1795 = tpu.vector_load %arg6[%get3A_1793, %get3A_1794] {strides = array<i32>} : memref<2x128xf32, #tpu.memory_space<vmem>>, vector<1x16xf32>,
    %get3A_1796 = vector.shape_cast %get3A_1795 : vector<1x16xf32> to vector<16xf32>
    %add3A_1797 = arith.addf %get3A_1791, %get3A_1796 : vector<16xf32>
    %swap3A_1798 = arith.constant 13 : i32
    %swap3A_1799 = arith.index_cast %swap3A_1798 : i32 to index
    %swap3A_1800 = arith.constant 16 : index
    %swap3A_1801 = tpu.vector_load %arg7[%swap3A_1799, %swap3A_1800] {strides = array<i32>} : memref<16x128xf32, #tpu.memory_space<vmem>>, vector<1x16xf32>,
    %swap3A_1802 = vector.shape_cast %swap3A_1801 : vector<1x16xf32> to vector<16xf32>
    %swap3A_1803 = vector.shape_cast %add3A_1797 : vector<16xf32> to vector<1x16xf32>
    tpu.vector_store %arg7[%swap3A_1799, %swap3A_1800], %swap3A_1803 {strides = array<i32>} : memref<16x128xf32, #tpu.memory_space<vmem>>, vector<1x16xf32>,
    %get3A_1804 = arith.constant 6 : i32
    %get3A_1805 = arith.index_cast %get3A_1804 : i32 to index
    %get3A_1806 = arith.constant 32 : index
    %get3A_1807 = tpu.vector_load %arg5[%get3A_1805, %get3A_1806] {strides = array<i32>} : memref<8x128xf32, #tpu.memory_space<vmem>>, vector<1x16xf32>,
    %get3A_1808 = vector.shape_cast %get3A_1807 : vector<1x16xf32> to vector<16xf32>
    %get3A_1809 = arith.constant 1 : i32
    %get3A_1810 = arith.index_cast %get3A_1809 : i32 to index
    %get3A_1811 = arith.constant 32 : index
    %get3A_1812 = tpu.vector_load %arg6[%get3A_1810, %get3A_1811] {strides = array<i32>} : memref<2x128xf32, #tpu.memory_space<vmem>>, vector<1x16xf32>,
    %get3A_1813 = vector.shape_cast %get3A_1812 : vector<1x16xf32> to vector<16xf32>
    %add3A_1814 = arith.addf %get3A_1808, %get3A_1813 : vector<16xf32>
    %swap3A_1815 = arith.constant 13 : i32
    %swap3A_1816 = arith.index_cast %swap3A_1815 : i32 to index
    %swap3A_1817 = arith.constant 32 : index
    %swap3A_1818 = tpu.vector_load %arg7[%swap3A_1816, %swap3A_1817] {strides = array<i32>} : memref<16x128xf32, #tpu.memory_space<vmem>>, vector<1x16xf32>,
    %swap3A_1819 = vector.shape_cast %swap3A_1818 : vector<1x16xf32> to vector<16xf32>
    %swap3A_1820 = vector.shape_cast %add3A_1814 : vector<16xf32> to vector<1x16xf32>
    tpu.vector_store %arg7[%swap3A_1816, %swap3A_1817], %swap3A_1820 {strides = array<i32>} : memref<16x128xf32, #tpu.memory_space<vmem>>, vector<1x16xf32>,
    %get3A_1821 = arith.constant 6 : i32
    %get3A_1822 = arith.index_cast %get3A_1821 : i32 to index
    %get3A_1823 = arith.constant 48 : index
    %get3A_1824 = tpu.vector_load %arg5[%get3A_1822, %get3A_1823] {strides = array<i32>} : memref<8x128xf32, #tpu.memory_space<vmem>>, vector<1x16xf32>,
    %get3A_1825 = vector.shape_cast %get3A_1824 : vector<1x16xf32> to vector<16xf32>
    %get3A_1826 = arith.constant 1 : i32
    %get3A_1827 = arith.index_cast %get3A_1826 : i32 to index
    %get3A_1828 = arith.constant 48 : index
    %get3A_1829 = tpu.vector_load %arg6[%get3A_1827, %get3A_1828] {strides = array<i32>} : memref<2x128xf32, #tpu.memory_space<vmem>>, vector<1x16xf32>,
    %get3A_1830 = vector.shape_cast %get3A_1829 : vector<1x16xf32> to vector<16xf32>
    %add3A_1831 = arith.addf %get3A_1825, %get3A_1830 : vector<16xf32>
    %swap3A_1832 = arith.constant 13 : i32
    %swap3A_1833 = arith.index_cast %swap3A_1832 : i32 to index
    %swap3A_1834 = arith.constant 48 : index
    %swap3A_1835 = tpu.vector_load %arg7[%swap3A_1833, %swap3A_1834] {strides = array<i32>} : memref<16x128xf32, #tpu.memory_space<vmem>>, vector<1x16xf32>,
    %swap3A_1836 = vector.shape_cast %swap3A_1835 : vector<1x16xf32> to vector<16xf32>
    %swap3A_1837 = vector.shape_cast %add3A_1831 : vector<16xf32> to vector<1x16xf32>
    tpu.vector_store %arg7[%swap3A_1833, %swap3A_1834], %swap3A_1837 {strides = array<i32>} : memref<16x128xf32, #tpu.memory_space<vmem>>, vector<1x16xf32>,
    %get3A_1838 = arith.constant 6 : i32
    %get3A_1839 = arith.index_cast %get3A_1838 : i32 to index
    %get3A_1840 = arith.constant 64 : index
    %get3A_1841 = tpu.vector_load %arg5[%get3A_1839, %get3A_1840] {strides = array<i32>} : memref<8x128xf32, #tpu.memory_space<vmem>>, vector<1x16xf32>,
    %get3A_1842 = vector.shape_cast %get3A_1841 : vector<1x16xf32> to vector<16xf32>
    %get3A_1843 = arith.constant 1 : i32
    %get3A_1844 = arith.index_cast %get3A_1843 : i32 to index
    %get3A_1845 = arith.constant 64 : index
    %get3A_1846 = tpu.vector_load %arg6[%get3A_1844, %get3A_1845] {strides = array<i32>} : memref<2x128xf32, #tpu.memory_space<vmem>>, vector<1x16xf32>,
    %get3A_1847 = vector.shape_cast %get3A_1846 : vector<1x16xf32> to vector<16xf32>
    %add3A_1848 = arith.addf %get3A_1842, %get3A_1847 : vector<16xf32>
    %swap3A_1849 = arith.constant 13 : i32
    %swap3A_1850 = arith.index_cast %swap3A_1849 : i32 to index
    %swap3A_1851 = arith.constant 64 : index
    %swap3A_1852 = tpu.vector_load %arg7[%swap3A_1850, %swap3A_1851] {strides = array<i32>} : memref<16x128xf32, #tpu.memory_space<vmem>>, vector<1x16xf32>,
    %swap3A_1853 = vector.shape_cast %swap3A_1852 : vector<1x16xf32> to vector<16xf32>
    %swap3A_1854 = vector.shape_cast %add3A_1848 : vector<16xf32> to vector<1x16xf32>
    tpu.vector_store %arg7[%swap3A_1850, %swap3A_1851], %swap3A_1854 {strides = array<i32>} : memref<16x128xf32, #tpu.memory_space<vmem>>, vector<1x16xf32>,
    %get3A_1855 = arith.constant 6 : i32
    %get3A_1856 = arith.index_cast %get3A_1855 : i32 to index
    %get3A_1857 = arith.constant 80 : index
    %get3A_1858 = tpu.vector_load %arg5[%get3A_1856, %get3A_1857] {strides = array<i32>} : memref<8x128xf32, #tpu.memory_space<vmem>>, vector<1x16xf32>,
    %get3A_1859 = vector.shape_cast %get3A_1858 : vector<1x16xf32> to vector<16xf32>
    %get3A_1860 = arith.constant 1 : i32
    %get3A_1861 = arith.index_cast %get3A_1860 : i32 to index
    %get3A_1862 = arith.constant 80 : index
    %get3A_1863 = tpu.vector_load %arg6[%get3A_1861, %get3A_1862] {strides = array<i32>} : memref<2x128xf32, #tpu.memory_space<vmem>>, vector<1x16xf32>,
    %get3A_1864 = vector.shape_cast %get3A_1863 : vector<1x16xf32> to vector<16xf32>
    %add3A_1865 = arith.addf %get3A_1859, %get3A_1864 : vector<16xf32>
    %swap3A_1866 = arith.constant 13 : i32
    %swap3A_1867 = arith.index_cast %swap3A_1866 : i32 to index
    %swap3A_1868 = arith.constant 80 : index
    %swap3A_1869 = tpu.vector_load %arg7[%swap3A_1867, %swap3A_1868] {strides = array<i32>} : memref<16x128xf32, #tpu.memory_space<vmem>>, vector<1x16xf32>,
    %swap3A_1870 = vector.shape_cast %swap3A_1869 : vector<1x16xf32> to vector<16xf32>
    %swap3A_1871 = vector.shape_cast %add3A_1865 : vector<16xf32> to vector<1x16xf32>
    tpu.vector_store %arg7[%swap3A_1867, %swap3A_1868], %swap3A_1871 {strides = array<i32>} : memref<16x128xf32, #tpu.memory_space<vmem>>, vector<1x16xf32>,
    %get3A_1872 = arith.constant 6 : i32
    %get3A_1873 = arith.index_cast %get3A_1872 : i32 to index
    %get3A_1874 = arith.constant 96 : index
    %get3A_1875 = tpu.vector_load %arg5[%get3A_1873, %get3A_1874] {strides = array<i32>} : memref<8x128xf32, #tpu.memory_space<vmem>>, vector<1x16xf32>,
    %get3A_1876 = vector.shape_cast %get3A_1875 : vector<1x16xf32> to vector<16xf32>
    %get3A_1877 = arith.constant 1 : i32
    %get3A_1878 = arith.index_cast %get3A_1877 : i32 to index
    %get3A_1879 = arith.constant 96 : index
    %get3A_1880 = tpu.vector_load %arg6[%get3A_1878, %get3A_1879] {strides = array<i32>} : memref<2x128xf32, #tpu.memory_space<vmem>>, vector<1x16xf32>,
    %get3A_1881 = vector.shape_cast %get3A_1880 : vector<1x16xf32> to vector<16xf32>
    %add3A_1882 = arith.addf %get3A_1876, %get3A_1881 : vector<16xf32>
    %swap3A_1883 = arith.constant 13 : i32
    %swap3A_1884 = arith.index_cast %swap3A_1883 : i32 to index
    %swap3A_1885 = arith.constant 96 : index
    %swap3A_1886 = tpu.vector_load %arg7[%swap3A_1884, %swap3A_1885] {strides = array<i32>} : memref<16x128xf32, #tpu.memory_space<vmem>>, vector<1x16xf32>,
    %swap3A_1887 = vector.shape_cast %swap3A_1886 : vector<1x16xf32> to vector<16xf32>
    %swap3A_1888 = vector.shape_cast %add3A_1882 : vector<16xf32> to vector<1x16xf32>
    tpu.vector_store %arg7[%swap3A_1884, %swap3A_1885], %swap3A_1888 {strides = array<i32>} : memref<16x128xf32, #tpu.memory_space<vmem>>, vector<1x16xf32>,
    %get3A_1889 = arith.constant 6 : i32
    %get3A_1890 = arith.index_cast %get3A_1889 : i32 to index
    %get3A_1891 = arith.constant 112 : index
    %get3A_1892 = tpu.vector_load %arg5[%get3A_1890, %get3A_1891] {strides = array<i32>} : memref<8x128xf32, #tpu.memory_space<vmem>>, vector<1x16xf32>,
    %get3A_1893 = vector.shape_cast %get3A_1892 : vector<1x16xf32> to vector<16xf32>
    %get3A_1894 = arith.constant 1 : i32
    %get3A_1895 = arith.index_cast %get3A_1894 : i32 to index
    %get3A_1896 = arith.constant 112 : index
    %get3A_1897 = tpu.vector_load %arg6[%get3A_1895, %get3A_1896] {strides = array<i32>} : memref<2x128xf32, #tpu.memory_space<vmem>>, vector<1x16xf32>,
    %get3A_1898 = vector.shape_cast %get3A_1897 : vector<1x16xf32> to vector<16xf32>
    %add3A_1899 = arith.addf %get3A_1893, %get3A_1898 : vector<16xf32>
    %swap3A_1900 = arith.constant 13 : i32
    %swap3A_1901 = arith.index_cast %swap3A_1900 : i32 to index
    %swap3A_1902 = arith.constant 112 : index
    %swap3A_1903 = tpu.vector_load %arg7[%swap3A_1901, %swap3A_1902] {strides = array<i32>} : memref<16x128xf32, #tpu.memory_space<vmem>>, vector<1x16xf32>,
    %swap3A_1904 = vector.shape_cast %swap3A_1903 : vector<1x16xf32> to vector<16xf32>
    %swap3A_1905 = vector.shape_cast %add3A_1899 : vector<16xf32> to vector<1x16xf32>
    tpu.vector_store %arg7[%swap3A_1901, %swap3A_1902], %swap3A_1905 {strides = array<i32>} : memref<16x128xf32, #tpu.memory_space<vmem>>, vector<1x16xf32>,
    %get3A_1906 = arith.constant 7 : i32
    %get3A_1907 = arith.index_cast %get3A_1906 : i32 to index
    %get3A_1908 = arith.constant 0 : index
    %get3A_1909 = tpu.vector_load %arg5[%get3A_1907, %get3A_1908] {strides = array<i32>} : memref<8x128xf32, #tpu.memory_space<vmem>>, vector<1x16xf32>,
    %get3A_1910 = vector.shape_cast %get3A_1909 : vector<1x16xf32> to vector<16xf32>
    %get3A_1911 = arith.constant 0 : i32
    %get3A_1912 = arith.index_cast %get3A_1911 : i32 to index
    %get3A_1913 = arith.constant 0 : index
    %get3A_1914 = tpu.vector_load %arg6[%get3A_1912, %get3A_1913] {strides = array<i32>} : memref<2x128xf32, #tpu.memory_space<vmem>>, vector<1x16xf32>,
    %get3A_1915 = vector.shape_cast %get3A_1914 : vector<1x16xf32> to vector<16xf32>
    %add3A_1916 = arith.addf %get3A_1910, %get3A_1915 : vector<16xf32>
    %swap3A_1917 = arith.constant 14 : i32
    %swap3A_1918 = arith.index_cast %swap3A_1917 : i32 to index
    %swap3A_1919 = arith.constant 0 : index
    %swap3A_1920 = tpu.vector_load %arg7[%swap3A_1918, %swap3A_1919] {strides = array<i32>} : memref<16x128xf32, #tpu.memory_space<vmem>>, vector<1x16xf32>,
    %swap3A_1921 = vector.shape_cast %swap3A_1920 : vector<1x16xf32> to vector<16xf32>
    %swap3A_1922 = vector.shape_cast %add3A_1916 : vector<16xf32> to vector<1x16xf32>
    tpu.vector_store %arg7[%swap3A_1918, %swap3A_1919], %swap3A_1922 {strides = array<i32>} : memref<16x128xf32, #tpu.memory_space<vmem>>, vector<1x16xf32>,
    %get3A_1923 = arith.constant 7 : i32
    %get3A_1924 = arith.index_cast %get3A_1923 : i32 to index
    %get3A_1925 = arith.constant 16 : index
    %get3A_1926 = tpu.vector_load %arg5[%get3A_1924, %get3A_1925] {strides = array<i32>} : memref<8x128xf32, #tpu.memory_space<vmem>>, vector<1x16xf32>,
    %get3A_1927 = vector.shape_cast %get3A_1926 : vector<1x16xf32> to vector<16xf32>
    %get3A_1928 = arith.constant 0 : i32
    %get3A_1929 = arith.index_cast %get3A_1928 : i32 to index
    %get3A_1930 = arith.constant 16 : index
    %get3A_1931 = tpu.vector_load %arg6[%get3A_1929, %get3A_1930] {strides = array<i32>} : memref<2x128xf32, #tpu.memory_space<vmem>>, vector<1x16xf32>,
    %get3A_1932 = vector.shape_cast %get3A_1931 : vector<1x16xf32> to vector<16xf32>
    %add3A_1933 = arith.addf %get3A_1927, %get3A_1932 : vector<16xf32>
    %swap3A_1934 = arith.constant 14 : i32
    %swap3A_1935 = arith.index_cast %swap3A_1934 : i32 to index
    %swap3A_1936 = arith.constant 16 : index
    %swap3A_1937 = tpu.vector_load %arg7[%swap3A_1935, %swap3A_1936] {strides = array<i32>} : memref<16x128xf32, #tpu.memory_space<vmem>>, vector<1x16xf32>,
    %swap3A_1938 = vector.shape_cast %swap3A_1937 : vector<1x16xf32> to vector<16xf32>
    %swap3A_1939 = vector.shape_cast %add3A_1933 : vector<16xf32> to vector<1x16xf32>
    tpu.vector_store %arg7[%swap3A_1935, %swap3A_1936], %swap3A_1939 {strides = array<i32>} : memref<16x128xf32, #tpu.memory_space<vmem>>, vector<1x16xf32>,
    %get3A_1940 = arith.constant 7 : i32
    %get3A_1941 = arith.index_cast %get3A_1940 : i32 to index
    %get3A_1942 = arith.constant 32 : index
    %get3A_1943 = tpu.vector_load %arg5[%get3A_1941, %get3A_1942] {strides = array<i32>} : memref<8x128xf32, #tpu.memory_space<vmem>>, vector<1x16xf32>,
    %get3A_1944 = vector.shape_cast %get3A_1943 : vector<1x16xf32> to vector<16xf32>
    %get3A_1945 = arith.constant 0 : i32
    %get3A_1946 = arith.index_cast %get3A_1945 : i32 to index
    %get3A_1947 = arith.constant 32 : index
    %get3A_1948 = tpu.vector_load %arg6[%get3A_1946, %get3A_1947] {strides = array<i32>} : memref<2x128xf32, #tpu.memory_space<vmem>>, vector<1x16xf32>,
    %get3A_1949 = vector.shape_cast %get3A_1948 : vector<1x16xf32> to vector<16xf32>
    %add3A_1950 = arith.addf %get3A_1944, %get3A_1949 : vector<16xf32>
    %swap3A_1951 = arith.constant 14 : i32
    %swap3A_1952 = arith.index_cast %swap3A_1951 : i32 to index
    %swap3A_1953 = arith.constant 32 : index
    %swap3A_1954 = tpu.vector_load %arg7[%swap3A_1952, %swap3A_1953] {strides = array<i32>} : memref<16x128xf32, #tpu.memory_space<vmem>>, vector<1x16xf32>,
    %swap3A_1955 = vector.shape_cast %swap3A_1954 : vector<1x16xf32> to vector<16xf32>
    %swap3A_1956 = vector.shape_cast %add3A_1950 : vector<16xf32> to vector<1x16xf32>
    tpu.vector_store %arg7[%swap3A_1952, %swap3A_1953], %swap3A_1956 {strides = array<i32>} : memref<16x128xf32, #tpu.memory_space<vmem>>, vector<1x16xf32>,
    %get3A_1957 = arith.constant 7 : i32
    %get3A_1958 = arith.index_cast %get3A_1957 : i32 to index
    %get3A_1959 = arith.constant 48 : index
    %get3A_1960 = tpu.vector_load %arg5[%get3A_1958, %get3A_1959] {strides = array<i32>} : memref<8x128xf32, #tpu.memory_space<vmem>>, vector<1x16xf32>,
    %get3A_1961 = vector.shape_cast %get3A_1960 : vector<1x16xf32> to vector<16xf32>
    %get3A_1962 = arith.constant 0 : i32
    %get3A_1963 = arith.index_cast %get3A_1962 : i32 to index
    %get3A_1964 = arith.constant 48 : index
    %get3A_1965 = tpu.vector_load %arg6[%get3A_1963, %get3A_1964] {strides = array<i32>} : memref<2x128xf32, #tpu.memory_space<vmem>>, vector<1x16xf32>,
    %get3A_1966 = vector.shape_cast %get3A_1965 : vector<1x16xf32> to vector<16xf32>
    %add3A_1967 = arith.addf %get3A_1961, %get3A_1966 : vector<16xf32>
    %swap3A_1968 = arith.constant 14 : i32
    %swap3A_1969 = arith.index_cast %swap3A_1968 : i32 to index
    %swap3A_1970 = arith.constant 48 : index
    %swap3A_1971 = tpu.vector_load %arg7[%swap3A_1969, %swap3A_1970] {strides = array<i32>} : memref<16x128xf32, #tpu.memory_space<vmem>>, vector<1x16xf32>,
    %swap3A_1972 = vector.shape_cast %swap3A_1971 : vector<1x16xf32> to vector<16xf32>
    %swap3A_1973 = vector.shape_cast %add3A_1967 : vector<16xf32> to vector<1x16xf32>
    tpu.vector_store %arg7[%swap3A_1969, %swap3A_1970], %swap3A_1973 {strides = array<i32>} : memref<16x128xf32, #tpu.memory_space<vmem>>, vector<1x16xf32>,
    %get3A_1974 = arith.constant 7 : i32
    %get3A_1975 = arith.index_cast %get3A_1974 : i32 to index
    %get3A_1976 = arith.constant 64 : index
    %get3A_1977 = tpu.vector_load %arg5[%get3A_1975, %get3A_1976] {strides = array<i32>} : memref<8x128xf32, #tpu.memory_space<vmem>>, vector<1x16xf32>,
    %get3A_1978 = vector.shape_cast %get3A_1977 : vector<1x16xf32> to vector<16xf32>
    %get3A_1979 = arith.constant 0 : i32
    %get3A_1980 = arith.index_cast %get3A_1979 : i32 to index
    %get3A_1981 = arith.constant 64 : index
    %get3A_1982 = tpu.vector_load %arg6[%get3A_1980, %get3A_1981] {strides = array<i32>} : memref<2x128xf32, #tpu.memory_space<vmem>>, vector<1x16xf32>,
    %get3A_1983 = vector.shape_cast %get3A_1982 : vector<1x16xf32> to vector<16xf32>
    %add3A_1984 = arith.addf %get3A_1978, %get3A_1983 : vector<16xf32>
    %swap3A_1985 = arith.constant 14 : i32
    %swap3A_1986 = arith.index_cast %swap3A_1985 : i32 to index
    %swap3A_1987 = arith.constant 64 : index
    %swap3A_1988 = tpu.vector_load %arg7[%swap3A_1986, %swap3A_1987] {strides = array<i32>} : memref<16x128xf32, #tpu.memory_space<vmem>>, vector<1x16xf32>,
    %swap3A_1989 = vector.shape_cast %swap3A_1988 : vector<1x16xf32> to vector<16xf32>
    %swap3A_1990 = vector.shape_cast %add3A_1984 : vector<16xf32> to vector<1x16xf32>
    tpu.vector_store %arg7[%swap3A_1986, %swap3A_1987], %swap3A_1990 {strides = array<i32>} : memref<16x128xf32, #tpu.memory_space<vmem>>, vector<1x16xf32>,
    %get3A_1991 = arith.constant 7 : i32
    %get3A_1992 = arith.index_cast %get3A_1991 : i32 to index
    %get3A_1993 = arith.constant 80 : index
    %get3A_1994 = tpu.vector_load %arg5[%get3A_1992, %get3A_1993] {strides = array<i32>} : memref<8x128xf32, #tpu.memory_space<vmem>>, vector<1x16xf32>,
    %get3A_1995 = vector.shape_cast %get3A_1994 : vector<1x16xf32> to vector<16xf32>
    %get3A_1996 = arith.constant 0 : i32
    %get3A_1997 = arith.index_cast %get3A_1996 : i32 to index
    %get3A_1998 = arith.constant 80 : index
    %get3A_1999 = tpu.vector_load %arg6[%get3A_1997, %get3A_1998] {strides = array<i32>} : memref<2x128xf32, #tpu.memory_space<vmem>>, vector<1x16xf32>,
    %get3A_2000 = vector.shape_cast %get3A_1999 : vector<1x16xf32> to vector<16xf32>
    %add3A_2001 = arith.addf %get3A_1995, %get3A_2000 : vector<16xf32>
    %swap3A_2002 = arith.constant 14 : i32
    %swap3A_2003 = arith.index_cast %swap3A_2002 : i32 to index
    %swap3A_2004 = arith.constant 80 : index
    %swap3A_2005 = tpu.vector_load %arg7[%swap3A_2003, %swap3A_2004] {strides = array<i32>} : memref<16x128xf32, #tpu.memory_space<vmem>>, vector<1x16xf32>,
    %swap3A_2006 = vector.shape_cast %swap3A_2005 : vector<1x16xf32> to vector<16xf32>
    %swap3A_2007 = vector.shape_cast %add3A_2001 : vector<16xf32> to vector<1x16xf32>
    tpu.vector_store %arg7[%swap3A_2003, %swap3A_2004], %swap3A_2007 {strides = array<i32>} : memref<16x128xf32, #tpu.memory_space<vmem>>, vector<1x16xf32>,
    %get3A_2008 = arith.constant 7 : i32
    %get3A_2009 = arith.index_cast %get3A_2008 : i32 to index
    %get3A_2010 = arith.constant 96 : index
    %get3A_2011 = tpu.vector_load %arg5[%get3A_2009, %get3A_2010] {strides = array<i32>} : memref<8x128xf32, #tpu.memory_space<vmem>>, vector<1x16xf32>,
    %get3A_2012 = vector.shape_cast %get3A_2011 : vector<1x16xf32> to vector<16xf32>
    %get3A_2013 = arith.constant 0 : i32
    %get3A_2014 = arith.index_cast %get3A_2013 : i32 to index
    %get3A_2015 = arith.constant 96 : index
    %get3A_2016 = tpu.vector_load %arg6[%get3A_2014, %get3A_2015] {strides = array<i32>} : memref<2x128xf32, #tpu.memory_space<vmem>>, vector<1x16xf32>,
    %get3A_2017 = vector.shape_cast %get3A_2016 : vector<1x16xf32> to vector<16xf32>
    %add3A_2018 = arith.addf %get3A_2012, %get3A_2017 : vector<16xf32>
    %swap3A_2019 = arith.constant 14 : i32
    %swap3A_2020 = arith.index_cast %swap3A_2019 : i32 to index
    %swap3A_2021 = arith.constant 96 : index
    %swap3A_2022 = tpu.vector_load %arg7[%swap3A_2020, %swap3A_2021] {strides = array<i32>} : memref<16x128xf32, #tpu.memory_space<vmem>>, vector<1x16xf32>,
    %swap3A_2023 = vector.shape_cast %swap3A_2022 : vector<1x16xf32> to vector<16xf32>
    %swap3A_2024 = vector.shape_cast %add3A_2018 : vector<16xf32> to vector<1x16xf32>
    tpu.vector_store %arg7[%swap3A_2020, %swap3A_2021], %swap3A_2024 {strides = array<i32>} : memref<16x128xf32, #tpu.memory_space<vmem>>, vector<1x16xf32>,
    %get3A_2025 = arith.constant 7 : i32
    %get3A_2026 = arith.index_cast %get3A_2025 : i32 to index
    %get3A_2027 = arith.constant 112 : index
    %get3A_2028 = tpu.vector_load %arg5[%get3A_2026, %get3A_2027] {strides = array<i32>} : memref<8x128xf32, #tpu.memory_space<vmem>>, vector<1x16xf32>,
    %get3A_2029 = vector.shape_cast %get3A_2028 : vector<1x16xf32> to vector<16xf32>
    %get3A_2030 = arith.constant 0 : i32
    %get3A_2031 = arith.index_cast %get3A_2030 : i32 to index
    %get3A_2032 = arith.constant 112 : index
    %get3A_2033 = tpu.vector_load %arg6[%get3A_2031, %get3A_2032] {strides = array<i32>} : memref<2x128xf32, #tpu.memory_space<vmem>>, vector<1x16xf32>,
    %get3A_2034 = vector.shape_cast %get3A_2033 : vector<1x16xf32> to vector<16xf32>
    %add3A_2035 = arith.addf %get3A_2029, %get3A_2034 : vector<16xf32>
    %swap3A_2036 = arith.constant 14 : i32
    %swap3A_2037 = arith.index_cast %swap3A_2036 : i32 to index
    %swap3A_2038 = arith.constant 112 : index
    %swap3A_2039 = tpu.vector_load %arg7[%swap3A_2037, %swap3A_2038] {strides = array<i32>} : memref<16x128xf32, #tpu.memory_space<vmem>>, vector<1x16xf32>,
    %swap3A_2040 = vector.shape_cast %swap3A_2039 : vector<1x16xf32> to vector<16xf32>
    %swap3A_2041 = vector.shape_cast %add3A_2035 : vector<16xf32> to vector<1x16xf32>
    tpu.vector_store %arg7[%swap3A_2037, %swap3A_2038], %swap3A_2041 {strides = array<i32>} : memref<16x128xf32, #tpu.memory_space<vmem>>, vector<1x16xf32>,
    %get3A_2042 = arith.constant 7 : i32
    %get3A_2043 = arith.index_cast %get3A_2042 : i32 to index
    %get3A_2044 = arith.constant 0 : index
    %get3A_2045 = tpu.vector_load %arg5[%get3A_2043, %get3A_2044] {strides = array<i32>} : memref<8x128xf32, #tpu.memory_space<vmem>>, vector<1x16xf32>,
    %get3A_2046 = vector.shape_cast %get3A_2045 : vector<1x16xf32> to vector<16xf32>
    %get3A_2047 = arith.constant 1 : i32
    %get3A_2048 = arith.index_cast %get3A_2047 : i32 to index
    %get3A_2049 = arith.constant 0 : index
    %get3A_2050 = tpu.vector_load %arg6[%get3A_2048, %get3A_2049] {strides = array<i32>} : memref<2x128xf32, #tpu.memory_space<vmem>>, vector<1x16xf32>,
    %get3A_2051 = vector.shape_cast %get3A_2050 : vector<1x16xf32> to vector<16xf32>
    %add3A_2052 = arith.addf %get3A_2046, %get3A_2051 : vector<16xf32>
    %swap3A_2053 = arith.constant 15 : i32
    %swap3A_2054 = arith.index_cast %swap3A_2053 : i32 to index
    %swap3A_2055 = arith.constant 0 : index
    %swap3A_2056 = tpu.vector_load %arg7[%swap3A_2054, %swap3A_2055] {strides = array<i32>} : memref<16x128xf32, #tpu.memory_space<vmem>>, vector<1x16xf32>,
    %swap3A_2057 = vector.shape_cast %swap3A_2056 : vector<1x16xf32> to vector<16xf32>
    %swap3A_2058 = vector.shape_cast %add3A_2052 : vector<16xf32> to vector<1x16xf32>
    tpu.vector_store %arg7[%swap3A_2054, %swap3A_2055], %swap3A_2058 {strides = array<i32>} : memref<16x128xf32, #tpu.memory_space<vmem>>, vector<1x16xf32>,
    %get3A_2059 = arith.constant 7 : i32
    %get3A_2060 = arith.index_cast %get3A_2059 : i32 to index
    %get3A_2061 = arith.constant 16 : index
    %get3A_2062 = tpu.vector_load %arg5[%get3A_2060, %get3A_2061] {strides = array<i32>} : memref<8x128xf32, #tpu.memory_space<vmem>>, vector<1x16xf32>,
    %get3A_2063 = vector.shape_cast %get3A_2062 : vector<1x16xf32> to vector<16xf32>
    %get3A_2064 = arith.constant 1 : i32
    %get3A_2065 = arith.index_cast %get3A_2064 : i32 to index
    %get3A_2066 = arith.constant 16 : index
    %get3A_2067 = tpu.vector_load %arg6[%get3A_2065, %get3A_2066] {strides = array<i32>} : memref<2x128xf32, #tpu.memory_space<vmem>>, vector<1x16xf32>,
    %get3A_2068 = vector.shape_cast %get3A_2067 : vector<1x16xf32> to vector<16xf32>
    %add3A_2069 = arith.addf %get3A_2063, %get3A_2068 : vector<16xf32>
    %swap3A_2070 = arith.constant 15 : i32
    %swap3A_2071 = arith.index_cast %swap3A_2070 : i32 to index
    %swap3A_2072 = arith.constant 16 : index
    %swap3A_2073 = tpu.vector_load %arg7[%swap3A_2071, %swap3A_2072] {strides = array<i32>} : memref<16x128xf32, #tpu.memory_space<vmem>>, vector<1x16xf32>,
    %swap3A_2074 = vector.shape_cast %swap3A_2073 : vector<1x16xf32> to vector<16xf32>
    %swap3A_2075 = vector.shape_cast %add3A_2069 : vector<16xf32> to vector<1x16xf32>
    tpu.vector_store %arg7[%swap3A_2071, %swap3A_2072], %swap3A_2075 {strides = array<i32>} : memref<16x128xf32, #tpu.memory_space<vmem>>, vector<1x16xf32>,
    %get3A_2076 = arith.constant 7 : i32
    %get3A_2077 = arith.index_cast %get3A_2076 : i32 to index
    %get3A_2078 = arith.constant 32 : index
    %get3A_2079 = tpu.vector_load %arg5[%get3A_2077, %get3A_2078] {strides = array<i32>} : memref<8x128xf32, #tpu.memory_space<vmem>>, vector<1x16xf32>,
    %get3A_2080 = vector.shape_cast %get3A_2079 : vector<1x16xf32> to vector<16xf32>
    %get3A_2081 = arith.constant 1 : i32
    %get3A_2082 = arith.index_cast %get3A_2081 : i32 to index
    %get3A_2083 = arith.constant 32 : index
    %get3A_2084 = tpu.vector_load %arg6[%get3A_2082, %get3A_2083] {strides = array<i32>} : memref<2x128xf32, #tpu.memory_space<vmem>>, vector<1x16xf32>,
    %get3A_2085 = vector.shape_cast %get3A_2084 : vector<1x16xf32> to vector<16xf32>
    %add3A_2086 = arith.addf %get3A_2080, %get3A_2085 : vector<16xf32>
    %swap3A_2087 = arith.constant 15 : i32
    %swap3A_2088 = arith.index_cast %swap3A_2087 : i32 to index
    %swap3A_2089 = arith.constant 32 : index
    %swap3A_2090 = tpu.vector_load %arg7[%swap3A_2088, %swap3A_2089] {strides = array<i32>} : memref<16x128xf32, #tpu.memory_space<vmem>>, vector<1x16xf32>,
    %swap3A_2091 = vector.shape_cast %swap3A_2090 : vector<1x16xf32> to vector<16xf32>
    %swap3A_2092 = vector.shape_cast %add3A_2086 : vector<16xf32> to vector<1x16xf32>
    tpu.vector_store %arg7[%swap3A_2088, %swap3A_2089], %swap3A_2092 {strides = array<i32>} : memref<16x128xf32, #tpu.memory_space<vmem>>, vector<1x16xf32>,
    %get3A_2093 = arith.constant 7 : i32
    %get3A_2094 = arith.index_cast %get3A_2093 : i32 to index
    %get3A_2095 = arith.constant 48 : index
    %get3A_2096 = tpu.vector_load %arg5[%get3A_2094, %get3A_2095] {strides = array<i32>} : memref<8x128xf32, #tpu.memory_space<vmem>>, vector<1x16xf32>,
    %get3A_2097 = vector.shape_cast %get3A_2096 : vector<1x16xf32> to vector<16xf32>
    %get3A_2098 = arith.constant 1 : i32
    %get3A_2099 = arith.index_cast %get3A_2098 : i32 to index
    %get3A_2100 = arith.constant 48 : index
    %get3A_2101 = tpu.vector_load %arg6[%get3A_2099, %get3A_2100] {strides = array<i32>} : memref<2x128xf32, #tpu.memory_space<vmem>>, vector<1x16xf32>,
    %get3A_2102 = vector.shape_cast %get3A_2101 : vector<1x16xf32> to vector<16xf32>
    %add3A_2103 = arith.addf %get3A_2097, %get3A_2102 : vector<16xf32>
    %swap3A_2104 = arith.constant 15 : i32
    %swap3A_2105 = arith.index_cast %swap3A_2104 : i32 to index
    %swap3A_2106 = arith.constant 48 : index
    %swap3A_2107 = tpu.vector_load %arg7[%swap3A_2105, %swap3A_2106] {strides = array<i32>} : memref<16x128xf32, #tpu.memory_space<vmem>>, vector<1x16xf32>,
    %swap3A_2108 = vector.shape_cast %swap3A_2107 : vector<1x16xf32> to vector<16xf32>
    %swap3A_2109 = vector.shape_cast %add3A_2103 : vector<16xf32> to vector<1x16xf32>
    tpu.vector_store %arg7[%swap3A_2105, %swap3A_2106], %swap3A_2109 {strides = array<i32>} : memref<16x128xf32, #tpu.memory_space<vmem>>, vector<1x16xf32>,
    %get3A_2110 = arith.constant 7 : i32
    %get3A_2111 = arith.index_cast %get3A_2110 : i32 to index
    %get3A_2112 = arith.constant 64 : index
    %get3A_2113 = tpu.vector_load %arg5[%get3A_2111, %get3A_2112] {strides = array<i32>} : memref<8x128xf32, #tpu.memory_space<vmem>>, vector<1x16xf32>,
    %get3A_2114 = vector.shape_cast %get3A_2113 : vector<1x16xf32> to vector<16xf32>
    %get3A_2115 = arith.constant 1 : i32
    %get3A_2116 = arith.index_cast %get3A_2115 : i32 to index
    %get3A_2117 = arith.constant 64 : index
    %get3A_2118 = tpu.vector_load %arg6[%get3A_2116, %get3A_2117] {strides = array<i32>} : memref<2x128xf32, #tpu.memory_space<vmem>>, vector<1x16xf32>,
    %get3A_2119 = vector.shape_cast %get3A_2118 : vector<1x16xf32> to vector<16xf32>
    %add3A_2120 = arith.addf %get3A_2114, %get3A_2119 : vector<16xf32>
    %swap3A_2121 = arith.constant 15 : i32
    %swap3A_2122 = arith.index_cast %swap3A_2121 : i32 to index
    %swap3A_2123 = arith.constant 64 : index
    %swap3A_2124 = tpu.vector_load %arg7[%swap3A_2122, %swap3A_2123] {strides = array<i32>} : memref<16x128xf32, #tpu.memory_space<vmem>>, vector<1x16xf32>,
    %swap3A_2125 = vector.shape_cast %swap3A_2124 : vector<1x16xf32> to vector<16xf32>
    %swap3A_2126 = vector.shape_cast %add3A_2120 : vector<16xf32> to vector<1x16xf32>
    tpu.vector_store %arg7[%swap3A_2122, %swap3A_2123], %swap3A_2126 {strides = array<i32>} : memref<16x128xf32, #tpu.memory_space<vmem>>, vector<1x16xf32>,
    %get3A_2127 = arith.constant 7 : i32
    %get3A_2128 = arith.index_cast %get3A_2127 : i32 to index
    %get3A_2129 = arith.constant 80 : index
    %get3A_2130 = tpu.vector_load %arg5[%get3A_2128, %get3A_2129] {strides = array<i32>} : memref<8x128xf32, #tpu.memory_space<vmem>>, vector<1x16xf32>,
    %get3A_2131 = vector.shape_cast %get3A_2130 : vector<1x16xf32> to vector<16xf32>
    %get3A_2132 = arith.constant 1 : i32
    %get3A_2133 = arith.index_cast %get3A_2132 : i32 to index
    %get3A_2134 = arith.constant 80 : index
    %get3A_2135 = tpu.vector_load %arg6[%get3A_2133, %get3A_2134] {strides = array<i32>} : memref<2x128xf32, #tpu.memory_space<vmem>>, vector<1x16xf32>,
    %get3A_2136 = vector.shape_cast %get3A_2135 : vector<1x16xf32> to vector<16xf32>
    %add3A_2137 = arith.addf %get3A_2131, %get3A_2136 : vector<16xf32>
    %swap3A_2138 = arith.constant 15 : i32
    %swap3A_2139 = arith.index_cast %swap3A_2138 : i32 to index
    %swap3A_2140 = arith.constant 80 : index
    %swap3A_2141 = tpu.vector_load %arg7[%swap3A_2139, %swap3A_2140] {strides = array<i32>} : memref<16x128xf32, #tpu.memory_space<vmem>>, vector<1x16xf32>,
    %swap3A_2142 = vector.shape_cast %swap3A_2141 : vector<1x16xf32> to vector<16xf32>
    %swap3A_2143 = vector.shape_cast %add3A_2137 : vector<16xf32> to vector<1x16xf32>
    tpu.vector_store %arg7[%swap3A_2139, %swap3A_2140], %swap3A_2143 {strides = array<i32>} : memref<16x128xf32, #tpu.memory_space<vmem>>, vector<1x16xf32>,
    %get3A_2144 = arith.constant 7 : i32
    %get3A_2145 = arith.index_cast %get3A_2144 : i32 to index
    %get3A_2146 = arith.constant 96 : index
    %get3A_2147 = tpu.vector_load %arg5[%get3A_2145, %get3A_2146] {strides = array<i32>} : memref<8x128xf32, #tpu.memory_space<vmem>>, vector<1x16xf32>,
    %get3A_2148 = vector.shape_cast %get3A_2147 : vector<1x16xf32> to vector<16xf32>
    %get3A_2149 = arith.constant 1 : i32
    %get3A_2150 = arith.index_cast %get3A_2149 : i32 to index
    %get3A_2151 = arith.constant 96 : index
    %get3A_2152 = tpu.vector_load %arg6[%get3A_2150, %get3A_2151] {strides = array<i32>} : memref<2x128xf32, #tpu.memory_space<vmem>>, vector<1x16xf32>,
    %get3A_2153 = vector.shape_cast %get3A_2152 : vector<1x16xf32> to vector<16xf32>
    %add3A_2154 = arith.addf %get3A_2148, %get3A_2153 : vector<16xf32>
    %swap3A_2155 = arith.constant 15 : i32
    %swap3A_2156 = arith.index_cast %swap3A_2155 : i32 to index
    %swap3A_2157 = arith.constant 96 : index
    %swap3A_2158 = tpu.vector_load %arg7[%swap3A_2156, %swap3A_2157] {strides = array<i32>} : memref<16x128xf32, #tpu.memory_space<vmem>>, vector<1x16xf32>,
    %swap3A_2159 = vector.shape_cast %swap3A_2158 : vector<1x16xf32> to vector<16xf32>
    %swap3A_2160 = vector.shape_cast %add3A_2154 : vector<16xf32> to vector<1x16xf32>
    tpu.vector_store %arg7[%swap3A_2156, %swap3A_2157], %swap3A_2160 {strides = array<i32>} : memref<16x128xf32, #tpu.memory_space<vmem>>, vector<1x16xf32>,
    %get3A_2161 = arith.constant 7 : i32
    %get3A_2162 = arith.index_cast %get3A_2161 : i32 to index
    %get3A_2163 = arith.constant 112 : index
    %get3A_2164 = tpu.vector_load %arg5[%get3A_2162, %get3A_2163] {strides = array<i32>} : memref<8x128xf32, #tpu.memory_space<vmem>>, vector<1x16xf32>,
    %get3A_2165 = vector.shape_cast %get3A_2164 : vector<1x16xf32> to vector<16xf32>
    %get3A_2166 = arith.constant 1 : i32
    %get3A_2167 = arith.index_cast %get3A_2166 : i32 to index
    %get3A_2168 = arith.constant 112 : index
    %get3A_2169 = tpu.vector_load %arg6[%get3A_2167, %get3A_2168] {strides = array<i32>} : memref<2x128xf32, #tpu.memory_space<vmem>>, vector<1x16xf32>,
    %get3A_2170 = vector.shape_cast %get3A_2169 : vector<1x16xf32> to vector<16xf32>
    %add3A_2171 = arith.addf %get3A_2165, %get3A_2170 : vector<16xf32>
    %swap3A_2172 = arith.constant 15 : i32
    %swap3A_2173 = arith.index_cast %swap3A_2172 : i32 to index
    %swap3A_2174 = arith.constant 112 : index
    %swap3A_2175 = tpu.vector_load %arg7[%swap3A_2173, %swap3A_2174] {strides = array<i32>} : memref<16x128xf32, #tpu.memory_space<vmem>>, vector<1x16xf32>,
    %swap3A_2176 = vector.shape_cast %swap3A_2175 : vector<1x16xf32> to vector<16xf32>
    %swap3A_2177 = vector.shape_cast %add3A_2171 : vector<16xf32> to vector<1x16xf32>
    tpu.vector_store %arg7[%swap3A_2173, %swap3A_2174], %swap3A_2177 {strides = array<i32>} : memref<16x128xf32, #tpu.memory_space<vmem>>, vector<1x16xf32>,
    %mul3A_2178 = arith.constant 2 : i32
    %mul3A_2179 = arith.muli %mul3A_2178, %min3A_3 : i32
    "tpu.region"() ({
      %run_scoped3A = tpu.sem_alloc : memref<!tpu.dma_semaphore, #tpu.memory_space<semaphore_mem>>
      %dma_start3A = arith.constant 0 : i32
      %dma_start3A_2180 = tpu.memref_slice %arg4[%mul3A_2179, %dma_start3A] : memref<400x128xf32, #tpu.memory_space<hbm>> -> memref<16x128xf32, #tpu.memory_space<hbm>>
      %dma_start3A_2181 = arith.constant 0 : i32
      %dma_start3A_2182 = tpu.memref_slice %arg4[%mul3A_2179, %dma_start3A_2181] : memref<400x128xf32, #tpu.memory_space<hbm>> -> memref<16x128xf32, #tpu.memory_space<hbm>>
      tpu.enqueue_dma source(%arg7 : memref<16x128xf32, #tpu.memory_space<vmem>>) target(%dma_start3A_2182 : memref<16x128xf32, #tpu.memory_space<hbm>>) target_semaphore(%run_scoped3A : memref<!tpu.dma_semaphore, #tpu.memory_space<semaphore_mem>>)
      %dma_wait3A = arith.constant 0 : i32
      %dma_wait3A_2183 = tpu.memref_slice %arg4[%mul3A_2179, %dma_wait3A] : memref<400x128xf32, #tpu.memory_space<hbm>> -> memref<16x128xf32, #tpu.memory_space<hbm>>
      %dma_wait3A_2184 = arith.constant 0 : i32
      %dma_wait3A_2185 = tpu.memref_slice %arg4[%mul3A_2179, %dma_wait3A_2184] : memref<400x128xf32, #tpu.memory_space<hbm>> -> memref<16x128xf32, #tpu.memory_space<hbm>>
      tpu.wait_dma2 semaphore(%run_scoped3A : memref<!tpu.dma_semaphore, #tpu.memory_space<semaphore_mem>>) src(%arg7 : memref<16x128xf32, #tpu.memory_space<vmem>>) dst(%dma_wait3A_2185 : memref<16x128xf32, #tpu.memory_space<hbm>>)
      tpu.yield
    }) : () -> ()
    return
  }
}

#map = affine_map<(d0, d1) -> (0)>
#map1 = affine_map<(d0, d1) -> (0, 0)>
module attributes {stable_mosaic.version = 14 : i64} {
  func.func @_embed(%arg0: i32, %arg1: i32, %arg2: memref<819200xi32, #tpu.memory_space<hbm>>, %arg3: memref<819200xi32, #tpu.memory_space<hbm>>, %arg4: memref<100000x128xf32, #tpu.memory_space<hbm>>, %arg5: memref<400x128xf32, #tpu.memory_space<hbm>>, %arg6: memref<819200x128xf32, #tpu.memory_space<hbm>>, %arg7: memref<128xi32, #tpu.memory_space<vmem>>, %arg8: memref<128xi32, #tpu.memory_space<vmem>>, %arg9: memref<128xi32, #tpu.memory_space<vmem>>, %arg10: memref<128x128xf32, #tpu.memory_space<vmem>>, %arg11: memref<128x128xf32, #tpu.memory_space<vmem>>, %arg12: memref<!tpu.dma_semaphore, #tpu.memory_space<semaphore_mem>>, %arg13: memref<!tpu.dma_semaphore, #tpu.memory_space<semaphore_mem>>) attributes {dimension_semantics = [#tpu.dimension_semantics<core_parallel>, #tpu.dimension_semantics<subcore_parallel>], iteration_bounds = array<i64: 2, 16>, scalar_prefetch = 0 : i64, scratch_operands = 7 : i64, tpu.core_type = #tpu.core_type<sc_vector_subcore>, window_params = [{transform_indices = #map}, {transform_indices = #map}, {transform_indices = #map1}, {transform_indices = #map1}, {transform_indices = #map1}]} {
    %mul3A = arith.constant 2 : i32
    %mul3A_0 = arith.muli %arg1, %mul3A : i32
    %add3A = arith.addi %mul3A_0, %arg0 : i32
    %mul3A_1 = arith.constant 25600 : i32
    %mul3A_2 = arith.muli %add3A, %mul3A_1 : i32
    %iota3A = tpu.iota {dimensions = array<i32: 0>} : vector<16xi32>
    %scan3A = arith.constant 0 : i32
    %scan3A_3 = arith.constant 0 : i32
    %scan3A_4 = arith.constant 200 : i32
    %scan3A_5 = arith.addi %scan3A_3, %scan3A_4 : i32
    %scan3A_6 = arith.constant 1 : i32
    scf.for %scan3A_8 = %scan3A_3 to %scan3A_5 step %scan3A_6  : i32 {
      %mul3A_9 = arith.constant 128 : i32
      %mul3A_10 = arith.muli %scan3A_8, %mul3A_9 : i32
      %add3A_11 = arith.addi %mul3A_2, %mul3A_10 : i32
      "tpu.region"() ({
        %run_scoped3A = tpu.sem_alloc : memref<!tpu.dma_semaphore, #tpu.memory_space<semaphore_mem>>
        %dma_start3A_169 = tpu.memref_slice %arg2[%add3A_11] : memref<819200xi32, #tpu.memory_space<hbm>> -> memref<128xi32, #tpu.memory_space<hbm>>
        %dma_start3A_170 = tpu.memref_slice %arg2[%add3A_11] : memref<819200xi32, #tpu.memory_space<hbm>> -> memref<128xi32, #tpu.memory_space<hbm>>
        tpu.enqueue_dma source(%dma_start3A_170 : memref<128xi32, #tpu.memory_space<hbm>>) target(%arg7 : memref<128xi32, #tpu.memory_space<vmem>>) target_semaphore(%run_scoped3A : memref<!tpu.dma_semaphore, #tpu.memory_space<semaphore_mem>>)
        %dma_wait3A_171 = tpu.memref_slice %arg2[%add3A_11] : memref<819200xi32, #tpu.memory_space<hbm>> -> memref<128xi32, #tpu.memory_space<hbm>>
        %dma_wait3A_172 = tpu.memref_slice %arg2[%add3A_11] : memref<819200xi32, #tpu.memory_space<hbm>> -> memref<128xi32, #tpu.memory_space<hbm>>
        tpu.wait_dma2 semaphore(%run_scoped3A : memref<!tpu.dma_semaphore, #tpu.memory_space<semaphore_mem>>) src(%dma_wait3A_172 : memref<128xi32, #tpu.memory_space<hbm>>) dst(%arg7 : memref<128xi32, #tpu.memory_space<vmem>>)
        tpu.yield
      }) : () -> ()
      "tpu.region"() ({
        %run_scoped3A = tpu.sem_alloc : memref<!tpu.dma_semaphore, #tpu.memory_space<semaphore_mem>>
        %dma_start3A_169 = tpu.memref_slice %arg3[%add3A_11] : memref<819200xi32, #tpu.memory_space<hbm>> -> memref<128xi32, #tpu.memory_space<hbm>>
        %dma_start3A_170 = tpu.memref_slice %arg3[%add3A_11] : memref<819200xi32, #tpu.memory_space<hbm>> -> memref<128xi32, #tpu.memory_space<hbm>>
        tpu.enqueue_dma source(%dma_start3A_170 : memref<128xi32, #tpu.memory_space<hbm>>) target(%arg8 : memref<128xi32, #tpu.memory_space<vmem>>) target_semaphore(%run_scoped3A : memref<!tpu.dma_semaphore, #tpu.memory_space<semaphore_mem>>)
        %dma_wait3A_171 = tpu.memref_slice %arg3[%add3A_11] : memref<819200xi32, #tpu.memory_space<hbm>> -> memref<128xi32, #tpu.memory_space<hbm>>
        %dma_wait3A_172 = tpu.memref_slice %arg3[%add3A_11] : memref<819200xi32, #tpu.memory_space<hbm>> -> memref<128xi32, #tpu.memory_space<hbm>>
        tpu.wait_dma2 semaphore(%run_scoped3A : memref<!tpu.dma_semaphore, #tpu.memory_space<semaphore_mem>>) src(%dma_wait3A_172 : memref<128xi32, #tpu.memory_space<hbm>>) dst(%arg8 : memref<128xi32, #tpu.memory_space<vmem>>)
        tpu.yield
      }) : () -> ()
      %dma_start3A = arith.constant 0 : i32
      %dma_start3A_12 = arith.constant 0 : i32
      %dma_start3A_13 = tpu.memref_slice %arg4[%dma_start3A, %dma_start3A_12] : memref<100000x128xf32, #tpu.memory_space<hbm>> -> memref<100000x128xf32, #tpu.memory_space<hbm>>
      tpu.enqueue_indirect_dma source(%dma_start3A_13 : memref<100000x128xf32, #tpu.memory_space<hbm>>) target(%arg10 : memref<128x128xf32, #tpu.memory_space<vmem>>) offsets(%arg7 : memref<128xi32, #tpu.memory_space<vmem>>) semaphore(%arg12 : memref<!tpu.dma_semaphore, #tpu.memory_space<semaphore_mem>>)
      %add3A_14 = arith.constant 0 : i32
      %add3A_15 = arith.addi %add3A_11, %add3A_14 : i32
      %add3A_16 = vector.broadcast %add3A_15 : i32 to vector<16xi32>
      %add3A_17 = arith.addi %iota3A, %add3A_16 : vector<16xi32>
      %rem3A = arith.constant 200 : i32
      %rem3A_18 = vector.broadcast %rem3A : i32 to vector<16xi32>
      %rem3A_19 = arith.remsi %add3A_17, %rem3A_18 : vector<16xi32>
      %mul3A_20 = arith.constant 2 : i32
      %mul3A_21 = vector.broadcast %mul3A_20 : i32 to vector<16xi32>
      %mul3A_22 = arith.muli %rem3A_19, %mul3A_21 : vector<16xi32>
      %get3A = arith.constant 0 : index
      %get3A_23 = tpu.vector_load %arg8[%get3A] {strides = array<i32>} : memref<128xi32, #tpu.memory_space<vmem>>, vector<16xi32>,
      %get3A_24 = vector.shape_cast %get3A_23 : vector<16xi32> to vector<16xi32>
      %add3A_25 = arith.addi %mul3A_22, %get3A_24 : vector<16xi32>
      %swap3A = arith.constant 0 : index
      %swap3A_26 = tpu.vector_load %arg9[%swap3A] {strides = array<i32>} : memref<128xi32, #tpu.memory_space<vmem>>, vector<16xi32>,
      %swap3A_27 = vector.shape_cast %swap3A_26 : vector<16xi32> to vector<16xi32>
      %swap3A_28 = vector.shape_cast %add3A_25 : vector<16xi32> to vector<16xi32>
      tpu.vector_store %arg9[%swap3A], %swap3A_28 {strides = array<i32>} : memref<128xi32, #tpu.memory_space<vmem>>, vector<16xi32>,
      %add3A_29 = arith.constant 16 : i32
      %add3A_30 = arith.addi %add3A_11, %add3A_29 : i32
      %add3A_31 = vector.broadcast %add3A_30 : i32 to vector<16xi32>
      %add3A_32 = arith.addi %iota3A, %add3A_31 : vector<16xi32>
      %rem3A_33 = arith.constant 200 : i32
      %rem3A_34 = vector.broadcast %rem3A_33 : i32 to vector<16xi32>
      %rem3A_35 = arith.remsi %add3A_32, %rem3A_34 : vector<16xi32>
      %mul3A_36 = arith.constant 2 : i32
      %mul3A_37 = vector.broadcast %mul3A_36 : i32 to vector<16xi32>
      %mul3A_38 = arith.muli %rem3A_35, %mul3A_37 : vector<16xi32>
      %get3A_39 = arith.constant 16 : index
      %get3A_40 = tpu.vector_load %arg8[%get3A_39] {strides = array<i32>} : memref<128xi32, #tpu.memory_space<vmem>>, vector<16xi32>,
      %get3A_41 = vector.shape_cast %get3A_40 : vector<16xi32> to vector<16xi32>
      %add3A_42 = arith.addi %mul3A_38, %get3A_41 : vector<16xi32>
      %swap3A_43 = arith.constant 16 : index
      %swap3A_44 = tpu.vector_load %arg9[%swap3A_43] {strides = array<i32>} : memref<128xi32, #tpu.memory_space<vmem>>, vector<16xi32>,
      %swap3A_45 = vector.shape_cast %swap3A_44 : vector<16xi32> to vector<16xi32>
      %swap3A_46 = vector.shape_cast %add3A_42 : vector<16xi32> to vector<16xi32>
      tpu.vector_store %arg9[%swap3A_43], %swap3A_46 {strides = array<i32>} : memref<128xi32, #tpu.memory_space<vmem>>, vector<16xi32>,
      %add3A_47 = arith.constant 32 : i32
      %add3A_48 = arith.addi %add3A_11, %add3A_47 : i32
      %add3A_49 = vector.broadcast %add3A_48 : i32 to vector<16xi32>
      %add3A_50 = arith.addi %iota3A, %add3A_49 : vector<16xi32>
      %rem3A_51 = arith.constant 200 : i32
      %rem3A_52 = vector.broadcast %rem3A_51 : i32 to vector<16xi32>
      %rem3A_53 = arith.remsi %add3A_50, %rem3A_52 : vector<16xi32>
      %mul3A_54 = arith.constant 2 : i32
      %mul3A_55 = vector.broadcast %mul3A_54 : i32 to vector<16xi32>
      %mul3A_56 = arith.muli %rem3A_53, %mul3A_55 : vector<16xi32>
      %get3A_57 = arith.constant 32 : index
      %get3A_58 = tpu.vector_load %arg8[%get3A_57] {strides = array<i32>} : memref<128xi32, #tpu.memory_space<vmem>>, vector<16xi32>,
      %get3A_59 = vector.shape_cast %get3A_58 : vector<16xi32> to vector<16xi32>
      %add3A_60 = arith.addi %mul3A_56, %get3A_59 : vector<16xi32>
      %swap3A_61 = arith.constant 32 : index
      %swap3A_62 = tpu.vector_load %arg9[%swap3A_61] {strides = array<i32>} : memref<128xi32, #tpu.memory_space<vmem>>, vector<16xi32>,
      %swap3A_63 = vector.shape_cast %swap3A_62 : vector<16xi32> to vector<16xi32>
      %swap3A_64 = vector.shape_cast %add3A_60 : vector<16xi32> to vector<16xi32>
      tpu.vector_store %arg9[%swap3A_61], %swap3A_64 {strides = array<i32>} : memref<128xi32, #tpu.memory_space<vmem>>, vector<16xi32>,
      %add3A_65 = arith.constant 48 : i32
      %add3A_66 = arith.addi %add3A_11, %add3A_65 : i32
      %add3A_67 = vector.broadcast %add3A_66 : i32 to vector<16xi32>
      %add3A_68 = arith.addi %iota3A, %add3A_67 : vector<16xi32>
      %rem3A_69 = arith.constant 200 : i32
      %rem3A_70 = vector.broadcast %rem3A_69 : i32 to vector<16xi32>
      %rem3A_71 = arith.remsi %add3A_68, %rem3A_70 : vector<16xi32>
      %mul3A_72 = arith.constant 2 : i32
      %mul3A_73 = vector.broadcast %mul3A_72 : i32 to vector<16xi32>
      %mul3A_74 = arith.muli %rem3A_71, %mul3A_73 : vector<16xi32>
      %get3A_75 = arith.constant 48 : index
      %get3A_76 = tpu.vector_load %arg8[%get3A_75] {strides = array<i32>} : memref<128xi32, #tpu.memory_space<vmem>>, vector<16xi32>,
      %get3A_77 = vector.shape_cast %get3A_76 : vector<16xi32> to vector<16xi32>
      %add3A_78 = arith.addi %mul3A_74, %get3A_77 : vector<16xi32>
      %swap3A_79 = arith.constant 48 : index
      %swap3A_80 = tpu.vector_load %arg9[%swap3A_79] {strides = array<i32>} : memref<128xi32, #tpu.memory_space<vmem>>, vector<16xi32>,
      %swap3A_81 = vector.shape_cast %swap3A_80 : vector<16xi32> to vector<16xi32>
      %swap3A_82 = vector.shape_cast %add3A_78 : vector<16xi32> to vector<16xi32>
      tpu.vector_store %arg9[%swap3A_79], %swap3A_82 {strides = array<i32>} : memref<128xi32, #tpu.memory_space<vmem>>, vector<16xi32>,
      %add3A_83 = arith.constant 64 : i32
      %add3A_84 = arith.addi %add3A_11, %add3A_83 : i32
      %add3A_85 = vector.broadcast %add3A_84 : i32 to vector<16xi32>
      %add3A_86 = arith.addi %iota3A, %add3A_85 : vector<16xi32>
      %rem3A_87 = arith.constant 200 : i32
      %rem3A_88 = vector.broadcast %rem3A_87 : i32 to vector<16xi32>
      %rem3A_89 = arith.remsi %add3A_86, %rem3A_88 : vector<16xi32>
      %mul3A_90 = arith.constant 2 : i32
      %mul3A_91 = vector.broadcast %mul3A_90 : i32 to vector<16xi32>
      %mul3A_92 = arith.muli %rem3A_89, %mul3A_91 : vector<16xi32>
      %get3A_93 = arith.constant 64 : index
      %get3A_94 = tpu.vector_load %arg8[%get3A_93] {strides = array<i32>} : memref<128xi32, #tpu.memory_space<vmem>>, vector<16xi32>,
      %get3A_95 = vector.shape_cast %get3A_94 : vector<16xi32> to vector<16xi32>
      %add3A_96 = arith.addi %mul3A_92, %get3A_95 : vector<16xi32>
      %swap3A_97 = arith.constant 64 : index
      %swap3A_98 = tpu.vector_load %arg9[%swap3A_97] {strides = array<i32>} : memref<128xi32, #tpu.memory_space<vmem>>, vector<16xi32>,
      %swap3A_99 = vector.shape_cast %swap3A_98 : vector<16xi32> to vector<16xi32>
      %swap3A_100 = vector.shape_cast %add3A_96 : vector<16xi32> to vector<16xi32>
      tpu.vector_store %arg9[%swap3A_97], %swap3A_100 {strides = array<i32>} : memref<128xi32, #tpu.memory_space<vmem>>, vector<16xi32>,
      %add3A_101 = arith.constant 80 : i32
      %add3A_102 = arith.addi %add3A_11, %add3A_101 : i32
      %add3A_103 = vector.broadcast %add3A_102 : i32 to vector<16xi32>
      %add3A_104 = arith.addi %iota3A, %add3A_103 : vector<16xi32>
      %rem3A_105 = arith.constant 200 : i32
      %rem3A_106 = vector.broadcast %rem3A_105 : i32 to vector<16xi32>
      %rem3A_107 = arith.remsi %add3A_104, %rem3A_106 : vector<16xi32>
      %mul3A_108 = arith.constant 2 : i32
      %mul3A_109 = vector.broadcast %mul3A_108 : i32 to vector<16xi32>
      %mul3A_110 = arith.muli %rem3A_107, %mul3A_109 : vector<16xi32>
      %get3A_111 = arith.constant 80 : index
      %get3A_112 = tpu.vector_load %arg8[%get3A_111] {strides = array<i32>} : memref<128xi32, #tpu.memory_space<vmem>>, vector<16xi32>,
      %get3A_113 = vector.shape_cast %get3A_112 : vector<16xi32> to vector<16xi32>
      %add3A_114 = arith.addi %mul3A_110, %get3A_113 : vector<16xi32>
      %swap3A_115 = arith.constant 80 : index
      %swap3A_116 = tpu.vector_load %arg9[%swap3A_115] {strides = array<i32>} : memref<128xi32, #tpu.memory_space<vmem>>, vector<16xi32>,
      %swap3A_117 = vector.shape_cast %swap3A_116 : vector<16xi32> to vector<16xi32>
      %swap3A_118 = vector.shape_cast %add3A_114 : vector<16xi32> to vector<16xi32>
      tpu.vector_store %arg9[%swap3A_115], %swap3A_118 {strides = array<i32>} : memref<128xi32, #tpu.memory_space<vmem>>, vector<16xi32>,
      %add3A_119 = arith.constant 96 : i32
      %add3A_120 = arith.addi %add3A_11, %add3A_119 : i32
      %add3A_121 = vector.broadcast %add3A_120 : i32 to vector<16xi32>
      %add3A_122 = arith.addi %iota3A, %add3A_121 : vector<16xi32>
      %rem3A_123 = arith.constant 200 : i32
      %rem3A_124 = vector.broadcast %rem3A_123 : i32 to vector<16xi32>
      %rem3A_125 = arith.remsi %add3A_122, %rem3A_124 : vector<16xi32>
      %mul3A_126 = arith.constant 2 : i32
      %mul3A_127 = vector.broadcast %mul3A_126 : i32 to vector<16xi32>
      %mul3A_128 = arith.muli %rem3A_125, %mul3A_127 : vector<16xi32>
      %get3A_129 = arith.constant 96 : index
      %get3A_130 = tpu.vector_load %arg8[%get3A_129] {strides = array<i32>} : memref<128xi32, #tpu.memory_space<vmem>>, vector<16xi32>,
      %get3A_131 = vector.shape_cast %get3A_130 : vector<16xi32> to vector<16xi32>
      %add3A_132 = arith.addi %mul3A_128, %get3A_131 : vector<16xi32>
      %swap3A_133 = arith.constant 96 : index
      %swap3A_134 = tpu.vector_load %arg9[%swap3A_133] {strides = array<i32>} : memref<128xi32, #tpu.memory_space<vmem>>, vector<16xi32>,
      %swap3A_135 = vector.shape_cast %swap3A_134 : vector<16xi32> to vector<16xi32>
      %swap3A_136 = vector.shape_cast %add3A_132 : vector<16xi32> to vector<16xi32>
      tpu.vector_store %arg9[%swap3A_133], %swap3A_136 {strides = array<i32>} : memref<128xi32, #tpu.memory_space<vmem>>, vector<16xi32>,
      %add3A_137 = arith.constant 112 : i32
      %add3A_138 = arith.addi %add3A_11, %add3A_137 : i32
      %add3A_139 = vector.broadcast %add3A_138 : i32 to vector<16xi32>
      %add3A_140 = arith.addi %iota3A, %add3A_139 : vector<16xi32>
      %rem3A_141 = arith.constant 200 : i32
      %rem3A_142 = vector.broadcast %rem3A_141 : i32 to vector<16xi32>
      %rem3A_143 = arith.remsi %add3A_140, %rem3A_142 : vector<16xi32>
      %mul3A_144 = arith.constant 2 : i32
      %mul3A_145 = vector.broadcast %mul3A_144 : i32 to vector<16xi32>
      %mul3A_146 = arith.muli %rem3A_143, %mul3A_145 : vector<16xi32>
      %get3A_147 = arith.constant 112 : index
      %get3A_148 = tpu.vector_load %arg8[%get3A_147] {strides = array<i32>} : memref<128xi32, #tpu.memory_space<vmem>>, vector<16xi32>,
      %get3A_149 = vector.shape_cast %get3A_148 : vector<16xi32> to vector<16xi32>
      %add3A_150 = arith.addi %mul3A_146, %get3A_149 : vector<16xi32>
      %swap3A_151 = arith.constant 112 : index
      %swap3A_152 = tpu.vector_load %arg9[%swap3A_151] {strides = array<i32>} : memref<128xi32, #tpu.memory_space<vmem>>, vector<16xi32>,
      %swap3A_153 = vector.shape_cast %swap3A_152 : vector<16xi32> to vector<16xi32>
      %swap3A_154 = vector.shape_cast %add3A_150 : vector<16xi32> to vector<16xi32>
      tpu.vector_store %arg9[%swap3A_151], %swap3A_154 {strides = array<i32>} : memref<128xi32, #tpu.memory_space<vmem>>, vector<16xi32>,
      %dma_start3A_155 = arith.constant 0 : i32
      %dma_start3A_156 = arith.constant 0 : i32
      %dma_start3A_157 = tpu.memref_slice %arg5[%dma_start3A_155, %dma_start3A_156] : memref<400x128xf32, #tpu.memory_space<hbm>> -> memref<400x128xf32, #tpu.memory_space<hbm>>
      tpu.enqueue_indirect_dma source(%dma_start3A_157 : memref<400x128xf32, #tpu.memory_space<hbm>>) target(%arg11 : memref<128x128xf32, #tpu.memory_space<vmem>>) offsets(%arg9 : memref<128xi32, #tpu.memory_space<vmem>>) semaphore(%arg13 : memref<!tpu.dma_semaphore, #tpu.memory_space<semaphore_mem>>)
      %dma_wait3A = arith.constant 0 : i32
      %dma_wait3A_158 = arith.constant 0 : i32
      %dma_wait3A_159 = tpu.memref_slice %arg4[%dma_wait3A, %dma_wait3A_158] : memref<100000x128xf32, #tpu.memory_space<hbm>> -> memref<100000x128xf32, #tpu.memory_space<hbm>>
      tpu.wait_indirect_dma semaphore(%arg12 : memref<!tpu.dma_semaphore, #tpu.memory_space<semaphore_mem>>) src(%dma_wait3A_159 : memref<100000x128xf32, #tpu.memory_space<hbm>>) dst(%arg10 : memref<128x128xf32, #tpu.memory_space<vmem>>)
      %dma_wait3A_160 = arith.constant 0 : i32
      %dma_wait3A_161 = arith.constant 0 : i32
      %dma_wait3A_162 = tpu.memref_slice %arg5[%dma_wait3A_160, %dma_wait3A_161] : memref<400x128xf32, #tpu.memory_space<hbm>> -> memref<400x128xf32, #tpu.memory_space<hbm>>
      tpu.wait_indirect_dma semaphore(%arg13 : memref<!tpu.dma_semaphore, #tpu.memory_space<semaphore_mem>>) src(%dma_wait3A_162 : memref<400x128xf32, #tpu.memory_space<hbm>>) dst(%arg11 : memref<128x128xf32, #tpu.memory_space<vmem>>)
      %scan3A_163 = arith.constant 0 : i32
      %scan3A_164 = arith.constant 0 : i32
      %scan3A_165 = arith.constant 128 : i32
      %scan3A_166 = arith.addi %scan3A_164, %scan3A_165 : i32
      %scan3A_167 = arith.constant 1 : i32
      scf.for %scan3A_169 = %scan3A_164 to %scan3A_166 step %scan3A_167  : i32 {
        %get3A_170 = arith.index_cast %scan3A_169 : i32 to index
        %get3A_171 = arith.constant 0 : index
        %get3A_172 = tpu.vector_load %arg11[%get3A_170, %get3A_171] {strides = array<i32>} : memref<128x128xf32, #tpu.memory_space<vmem>>, vector<1x16xf32>,
        %get3A_173 = vector.shape_cast %get3A_172 : vector<1x16xf32> to vector<16xf32>
        %swap3A_174 = arith.index_cast %scan3A_169 : i32 to index
        %swap3A_175 = arith.constant 0 : index
        %swap3A_176 = tpu.vector_load %arg10[%swap3A_174, %swap3A_175] {strides = array<i32>} : memref<128x128xf32, #tpu.memory_space<vmem>>, vector<1x16xf32>,
        %swap3A_177 = vector.shape_cast %swap3A_176 : vector<1x16xf32> to vector<16xf32>
        %swap3A_178 = vector.shape_cast %get3A_173 : vector<16xf32> to vector<1x16xf32>
        tpu.vector_store %arg10[%swap3A_174, %swap3A_175], %swap3A_178 {add = true, strides = array<i32>} : memref<128x128xf32, #tpu.memory_space<vmem>>, vector<1x16xf32>,
        %get3A_179 = arith.index_cast %scan3A_169 : i32 to index
        %get3A_180 = arith.constant 16 : index
        %get3A_181 = tpu.vector_load %arg11[%get3A_179, %get3A_180] {strides = array<i32>} : memref<128x128xf32, #tpu.memory_space<vmem>>, vector<1x16xf32>,
        %get3A_182 = vector.shape_cast %get3A_181 : vector<1x16xf32> to vector<16xf32>
        %swap3A_183 = arith.index_cast %scan3A_169 : i32 to index
        %swap3A_184 = arith.constant 16 : index
        %swap3A_185 = tpu.vector_load %arg10[%swap3A_183, %swap3A_184] {strides = array<i32>} : memref<128x128xf32, #tpu.memory_space<vmem>>, vector<1x16xf32>,
        %swap3A_186 = vector.shape_cast %swap3A_185 : vector<1x16xf32> to vector<16xf32>
        %swap3A_187 = vector.shape_cast %get3A_182 : vector<16xf32> to vector<1x16xf32>
        tpu.vector_store %arg10[%swap3A_183, %swap3A_184], %swap3A_187 {add = true, strides = array<i32>} : memref<128x128xf32, #tpu.memory_space<vmem>>, vector<1x16xf32>,
        %get3A_188 = arith.index_cast %scan3A_169 : i32 to index
        %get3A_189 = arith.constant 32 : index
        %get3A_190 = tpu.vector_load %arg11[%get3A_188, %get3A_189] {strides = array<i32>} : memref<128x128xf32, #tpu.memory_space<vmem>>, vector<1x16xf32>,
        %get3A_191 = vector.shape_cast %get3A_190 : vector<1x16xf32> to vector<16xf32>
        %swap3A_192 = arith.index_cast %scan3A_169 : i32 to index
        %swap3A_193 = arith.constant 32 : index
        %swap3A_194 = tpu.vector_load %arg10[%swap3A_192, %swap3A_193] {strides = array<i32>} : memref<128x128xf32, #tpu.memory_space<vmem>>, vector<1x16xf32>,
        %swap3A_195 = vector.shape_cast %swap3A_194 : vector<1x16xf32> to vector<16xf32>
        %swap3A_196 = vector.shape_cast %get3A_191 : vector<16xf32> to vector<1x16xf32>
        tpu.vector_store %arg10[%swap3A_192, %swap3A_193], %swap3A_196 {add = true, strides = array<i32>} : memref<128x128xf32, #tpu.memory_space<vmem>>, vector<1x16xf32>,
        %get3A_197 = arith.index_cast %scan3A_169 : i32 to index
        %get3A_198 = arith.constant 48 : index
        %get3A_199 = tpu.vector_load %arg11[%get3A_197, %get3A_198] {strides = array<i32>} : memref<128x128xf32, #tpu.memory_space<vmem>>, vector<1x16xf32>,
        %get3A_200 = vector.shape_cast %get3A_199 : vector<1x16xf32> to vector<16xf32>
        %swap3A_201 = arith.index_cast %scan3A_169 : i32 to index
        %swap3A_202 = arith.constant 48 : index
        %swap3A_203 = tpu.vector_load %arg10[%swap3A_201, %swap3A_202] {strides = array<i32>} : memref<128x128xf32, #tpu.memory_space<vmem>>, vector<1x16xf32>,
        %swap3A_204 = vector.shape_cast %swap3A_203 : vector<1x16xf32> to vector<16xf32>
        %swap3A_205 = vector.shape_cast %get3A_200 : vector<16xf32> to vector<1x16xf32>
        tpu.vector_store %arg10[%swap3A_201, %swap3A_202], %swap3A_205 {add = true, strides = array<i32>} : memref<128x128xf32, #tpu.memory_space<vmem>>, vector<1x16xf32>,
        %get3A_206 = arith.index_cast %scan3A_169 : i32 to index
        %get3A_207 = arith.constant 64 : index
        %get3A_208 = tpu.vector_load %arg11[%get3A_206, %get3A_207] {strides = array<i32>} : memref<128x128xf32, #tpu.memory_space<vmem>>, vector<1x16xf32>,
        %get3A_209 = vector.shape_cast %get3A_208 : vector<1x16xf32> to vector<16xf32>
        %swap3A_210 = arith.index_cast %scan3A_169 : i32 to index
        %swap3A_211 = arith.constant 64 : index
        %swap3A_212 = tpu.vector_load %arg10[%swap3A_210, %swap3A_211] {strides = array<i32>} : memref<128x128xf32, #tpu.memory_space<vmem>>, vector<1x16xf32>,
        %swap3A_213 = vector.shape_cast %swap3A_212 : vector<1x16xf32> to vector<16xf32>
        %swap3A_214 = vector.shape_cast %get3A_209 : vector<16xf32> to vector<1x16xf32>
        tpu.vector_store %arg10[%swap3A_210, %swap3A_211], %swap3A_214 {add = true, strides = array<i32>} : memref<128x128xf32, #tpu.memory_space<vmem>>, vector<1x16xf32>,
        %get3A_215 = arith.index_cast %scan3A_169 : i32 to index
        %get3A_216 = arith.constant 80 : index
        %get3A_217 = tpu.vector_load %arg11[%get3A_215, %get3A_216] {strides = array<i32>} : memref<128x128xf32, #tpu.memory_space<vmem>>, vector<1x16xf32>,
        %get3A_218 = vector.shape_cast %get3A_217 : vector<1x16xf32> to vector<16xf32>
        %swap3A_219 = arith.index_cast %scan3A_169 : i32 to index
        %swap3A_220 = arith.constant 80 : index
        %swap3A_221 = tpu.vector_load %arg10[%swap3A_219, %swap3A_220] {strides = array<i32>} : memref<128x128xf32, #tpu.memory_space<vmem>>, vector<1x16xf32>,
        %swap3A_222 = vector.shape_cast %swap3A_221 : vector<1x16xf32> to vector<16xf32>
        %swap3A_223 = vector.shape_cast %get3A_218 : vector<16xf32> to vector<1x16xf32>
        tpu.vector_store %arg10[%swap3A_219, %swap3A_220], %swap3A_223 {add = true, strides = array<i32>} : memref<128x128xf32, #tpu.memory_space<vmem>>, vector<1x16xf32>,
        %get3A_224 = arith.index_cast %scan3A_169 : i32 to index
        %get3A_225 = arith.constant 96 : index
        %get3A_226 = tpu.vector_load %arg11[%get3A_224, %get3A_225] {strides = array<i32>} : memref<128x128xf32, #tpu.memory_space<vmem>>, vector<1x16xf32>,
        %get3A_227 = vector.shape_cast %get3A_226 : vector<1x16xf32> to vector<16xf32>
        %swap3A_228 = arith.index_cast %scan3A_169 : i32 to index
        %swap3A_229 = arith.constant 96 : index
        %swap3A_230 = tpu.vector_load %arg10[%swap3A_228, %swap3A_229] {strides = array<i32>} : memref<128x128xf32, #tpu.memory_space<vmem>>, vector<1x16xf32>,
        %swap3A_231 = vector.shape_cast %swap3A_230 : vector<1x16xf32> to vector<16xf32>
        %swap3A_232 = vector.shape_cast %get3A_227 : vector<16xf32> to vector<1x16xf32>
        tpu.vector_store %arg10[%swap3A_228, %swap3A_229], %swap3A_232 {add = true, strides = array<i32>} : memref<128x128xf32, #tpu.memory_space<vmem>>, vector<1x16xf32>,
        %get3A_233 = arith.index_cast %scan3A_169 : i32 to index
        %get3A_234 = arith.constant 112 : index
        %get3A_235 = tpu.vector_load %arg11[%get3A_233, %get3A_234] {strides = array<i32>} : memref<128x128xf32, #tpu.memory_space<vmem>>, vector<1x16xf32>,
        %get3A_236 = vector.shape_cast %get3A_235 : vector<1x16xf32> to vector<16xf32>
        %swap3A_237 = arith.index_cast %scan3A_169 : i32 to index
        %swap3A_238 = arith.constant 112 : index
        %swap3A_239 = tpu.vector_load %arg10[%swap3A_237, %swap3A_238] {strides = array<i32>} : memref<128x128xf32, #tpu.memory_space<vmem>>, vector<1x16xf32>,
        %swap3A_240 = vector.shape_cast %swap3A_239 : vector<1x16xf32> to vector<16xf32>
        %swap3A_241 = vector.shape_cast %get3A_236 : vector<16xf32> to vector<1x16xf32>
        tpu.vector_store %arg10[%swap3A_237, %swap3A_238], %swap3A_241 {add = true, strides = array<i32>} : memref<128x128xf32, #tpu.memory_space<vmem>>, vector<1x16xf32>,
      }
      %scan3A_168 = arith.constant 128 : i32
      "tpu.region"() ({
        %run_scoped3A = tpu.sem_alloc : memref<!tpu.dma_semaphore, #tpu.memory_space<semaphore_mem>>
        %dma_start3A_169 = arith.constant 0 : i32
        %dma_start3A_170 = tpu.memref_slice %arg6[%add3A_11, %dma_start3A_169] : memref<819200x128xf32, #tpu.memory_space<hbm>> -> memref<128x128xf32, #tpu.memory_space<hbm>>
        %dma_start3A_171 = arith.constant 0 : i32
        %dma_start3A_172 = tpu.memref_slice %arg6[%add3A_11, %dma_start3A_171] : memref<819200x128xf32, #tpu.memory_space<hbm>> -> memref<128x128xf32, #tpu.memory_space<hbm>>
        tpu.enqueue_dma source(%arg10 : memref<128x128xf32, #tpu.memory_space<vmem>>) target(%dma_start3A_172 : memref<128x128xf32, #tpu.memory_space<hbm>>) target_semaphore(%run_scoped3A : memref<!tpu.dma_semaphore, #tpu.memory_space<semaphore_mem>>)
        %dma_wait3A_173 = arith.constant 0 : i32
        %dma_wait3A_174 = tpu.memref_slice %arg6[%add3A_11, %dma_wait3A_173] : memref<819200x128xf32, #tpu.memory_space<hbm>> -> memref<128x128xf32, #tpu.memory_space<hbm>>
        %dma_wait3A_175 = arith.constant 0 : i32
        %dma_wait3A_176 = tpu.memref_slice %arg6[%add3A_11, %dma_wait3A_175] : memref<819200x128xf32, #tpu.memory_space<hbm>> -> memref<128x128xf32, #tpu.memory_space<hbm>>
        tpu.wait_dma2 semaphore(%run_scoped3A : memref<!tpu.dma_semaphore, #tpu.memory_space<semaphore_mem>>) src(%arg10 : memref<128x128xf32, #tpu.memory_space<vmem>>) dst(%dma_wait3A_176 : memref<128x128xf32, #tpu.memory_space<hbm>>)
        tpu.yield
      }) : () -> ()
    }
    %scan3A_7 = arith.constant 200 : i32
    return
  }
}

</mosaic_0001>

<sc_bundles>
// kernel: kernel.4.cloned.1.call-start
scs
__scs_entry_jumppad:
0x0: {  	(pc) =	sbr.rel $0x88, $3  }
0x1: {  	(tag) =	ssettag $0x0;
	lr =	simm.s32 $0x1  }
0x2: {  	[smem:$0x3F9C] =	sst lr;
	_ =	strace $0xD0000000  }
0x3: {  	_ = 	snop  }
0x4: {  	_ = 	snop  }
0x5: {  	_ = 	snop  }
0x6: {  	_ = 	snop  }
0x7: {  	_ = 	snop  }
__scs_overlays_trampoline_lowered:
0x8: {  	[smem:$0x3FAB] =	sst s0  }
0x9: {  	[smem:$0x3FAC] =	sst s1  }
0xa: {  	[smem:$0x3FAD] =	sst s2  }
0xb: {  	[smem:$0x3FAE] =	sst s3  }
0xc: {  	[smem:$0x3FAF] =	sst s4  }
0xd: {  	[smem:$0x3FB0] =	sst s5  }
0xe: {  	[smem:$0x3FB1] =	sst s6  }
0xf: {  	[smem:$0x3FB2] =	sst s7  }
0x10: {  	[smem:$0x3FB3] =	sst s8  }
0x11: {  	[smem:$0x3FB4] =	sst s9;
	s0 =	simm.s32 @!p0 $0x0  }
0x12: {  	s1 =	sld [smem:$0x3F9A];
	s0 =	simm.s32 @p0 $0x1  }
0x13: {  	[smem:$0x3FB5] =	sst s0;
	s0 =	simm.s32 @!p1 $0x0  }
0x14: {  	s2 =	sld [smem:$0x3F99];
	s0 =	simm.s32 @p1 $0x1  }
0x15: {  	[smem:$0x3FB6] =	sst s0;
	s0 =	simm.s32 @!p2 $0x0  }
0x16: {  	s3 =	sld [smem:$0x3FDB];
	s0 =	simm.s32 @p2 $0x1  }
0x17: {  	s4 =	simm.s32 $0x1BF5;
	[smem:$0x3FB8] =	sst s0  }
0x18: {  	s0 =	sld [smem:$0x3F9B];
	_ =	swait.ge [sflag:s4], $0x0  }
0x19: {  	s7 =	sld [smem:$0x3F9C]  }
0x1a: {  	s8 =	sadd.s32 $0xFFFFE003, lr  }
0x1b: {  	s9 =	sadd.s32 $0xFFFFFEF7, lr;
	s5 =	simm.s32 $0xFFFFFFFF;
	p2 =	slt.u32 s8, $0xFFFFF086  }
0x1c: {  	p1 =	slt.u32 s9, $0xF7A;
	s5 =	simm.s32 @!p2 $0x0  }
0x1d: {  	s5 =	simm.s32 @p1 $0x1;
	p0 =	seq.s32 s7, s2  }
0x1e: {  	s7 =	smul.u32 @!p0 $0xF7A, s2;
	p2 =	seq.s32 @!p0 s5, $0x0  }
0x1f: {  	s9 =	smul.u32 $0xF7A, s1;
	s8 =	simm.s32 @!p0 $0x1BF5;
	p2 =	por !p2, p0  }
0x20: {  	[sflag:s8] =	ssyncset.s32 @!p0 $0xFFFFF086;
	s6 =	sadd.s32 @!p0 s3, s7;
	s7 =	simm.s32 @!p0 $0x108  }
0x21: {  	s3 =	sadd.s32 s3, s9;
	s6 =	sadd.s32 @!p0 $0x88, s6;
	s7 =	simm.s32 @p2 $0x1082  }
0x22: {  	[simem:s7], [sflag:s8] =	dma.local @!p0 [hbm:s6], $0xF7A  }
0x23: {  	s9 =	sor.u32 $0xD0000000, s2;
	s6 =	simm.s32 $0x108;
	_ =	swait.ge @!p0 [sflag:s8], $0x0  }
0x24: {  	s3 =	sadd.s32 $0x88, s3;
	s6 =	simm.s32 @!p1 $0x1082;
	[sflag:s4] =	ssyncset.s32 $0xFFFFF086  }
0x25: {  	[simem:s6], [sflag:s4] =	dma.local [hbm:s3], $0xF7A  }
0x26: {  	[smem:$0x3F9C] =	sst s1;
	(tag) =	ssettag s2;
	_ =	strace s9  }
0x27: {  	s1 =	sld [smem:$0x3FAC]  }
0x28: {  	s2 =	sld [smem:$0x3FAD]  }
0x29: {  	s4 =	sld [smem:$0x3FAF]  }
0x2a: {  	p0 =	seq.s32 s5, $0x0;
	s5 =	sld [smem:$0x3FB0]  }
0x2b: {  	s6 =	sld [smem:$0x3FB1]  }
0x2c: {  	s7 =	sld [smem:$0x3FB2]  }
0x2d: {  	s3 =	simm.s32 $0x108;
	s8 =	sld [smem:$0x3FB3]  }
0x2e: {  	s3 =	simm.s32 @!p0 $0x1082;
	s9 =	sld [smem:$0x3FB4]  }
0x2f: {  	lr =	sadd.s32 s0, s3;
	s0 =	sld [smem:$0x3FAB]  }
0x30: {  	s3 =	sld [smem:$0x3FAE]  }
0x31: {  	[smem:$0x3FB7] =	sst s10  }
0x32: {  	s10 =	sld [smem:$0x3FB5];
	_ =	sdelay $0x3  }
0x33: {  	p0 =	seq.s32 s10, $0x1;
	s10 =	sld [smem:$0x3FB7];
	_ =	sdelay $0x3  }
0x34: {  	[smem:$0x3FB7] =	sst s10  }
0x35: {  	s10 =	sld [smem:$0x3FB6];
	_ =	sdelay $0x3  }
0x36: {  	p1 =	seq.s32 s10, $0x1;
	s10 =	sld [smem:$0x3FB7];
	_ =	sdelay $0x3  }
0x37: {  	[smem:$0x3FB7] =	sst s10  }
0x38: {  	s10 =	sld [smem:$0x3FB8]  }
0x39: {  	_ = 	snop;
	(pc) =	sbr.ind lr, $3  }
0x3a: {  	_ = 	snop  }
0x3b: {  	_ = 	snop  }
0x3c: {  	p2 =	seq.s32 s10, $0x1;
	s10 =	sld [smem:$0x3FB7]  }
0x3d: {  	_ =	shalt  }
0x3e: {  	_ =	shalt  }
0x3f: {  	_ =	shalt  }
0x40: {  	_ =	shalt  }
0x41: {  	_ =	shalt  }
0x42: {  	_ =	shalt  }
0x43: {  	_ =	shalt  }
0x44: {  	_ =	shalt  }
0x45: {  	_ =	shalt  }
0x46: {  	_ =	shalt  }
0x47: {  	_ =	shalt  }
0x48: {  	_ =	shalt  }
0x49: {  	_ =	shalt  }
0x4a: {  	_ =	shalt  }
0x4b: {  	_ =	shalt  }
0x4c: {  	_ =	shalt  }
0x4d: {  	_ =	shalt  }
0x4e: {  	_ =	shalt  }
0x4f: {  	_ =	shalt  }
0x50: {  	_ =	shalt  }
0x51: {  	_ =	shalt  }
0x52: {  	_ =	shalt  }
0x53: {  	_ =	shalt  }
0x54: {  	_ =	shalt  }
0x55: {  	_ =	shalt  }
0x56: {  	_ =	shalt  }
0x57: {  	_ =	shalt  }
0x58: {  	_ =	shalt  }
0x59: {  	_ =	shalt  }
0x5a: {  	_ =	shalt  }
0x5b: {  	_ =	shalt  }
0x5c: {  	_ =	shalt  }
0x5d: {  	_ =	shalt  }
0x5e: {  	_ =	shalt  }
0x5f: {  	_ =	shalt  }
0x60: {  	_ =	shalt  }
0x61: {  	_ =	shalt  }
0x62: {  	_ =	shalt  }
0x63: {  	_ =	shalt  }
0x64: {  	_ =	shalt  }
0x65: {  	_ =	shalt  }
0x66: {  	_ =	shalt  }
0x67: {  	_ =	shalt  }
0x68: {  	_ =	shalt  }
0x69: {  	_ =	shalt  }
0x6a: {  	_ =	shalt  }
0x6b: {  	_ =	shalt  }
0x6c: {  	_ =	shalt  }
0x6d: {  	_ =	shalt  }
0x6e: {  	_ =	shalt  }
0x6f: {  	_ =	shalt  }
0x70: {  	_ =	shalt  }
0x71: {  	_ =	shalt  }
0x72: {  	_ =	shalt  }
0x73: {  	_ =	shalt  }
0x74: {  	_ =	shalt  }
0x75: {  	_ =	shalt  }
0x76: {  	_ =	shalt  }
0x77: {  	_ =	shalt  }
0x78: {  	_ =	shalt  }
0x79: {  	_ =	shalt  }
0x7a: {  	_ =	shalt  }
0x7b: {  	_ =	shalt  }
0x7c: {  	_ =	shalt  }
0x7d: {  	_ =	shalt  }
0x7e: {  	_ =	shalt  }
0x7f: {  	_ =	shalt  }
0x80: {  	_ =	shalt  }
0x81: {  	_ =	shalt  }
0x82: {  	_ =	shalt  }
0x83: {  	_ =	shalt  }
0x84: {  	_ =	shalt  }
0x85: {  	_ =	shalt  }
0x86: {  	_ =	shalt  }
0x87: {  	_ =	shalt  }
.Lfunc_end0:
.L_simem_size_0:
called_computation_lowered:
.L_overlay_start_0:
0x88: {  	s2 =	sld [smem:$0x3FD9]  }
0x89: {  	s3 =	sld [smem:$0x3FFE];
	_ =	sdelay $0x1  }
0x8a: {  	s1 =	srdreg.scid  }
0x8b: {  	s0 =	sand.u32 $0x1, s1  }
0x8c: {  	s17 =	sshll.u32 s0, $0xA;
	s2 =	sadd.s32 s3, s2  }
0x8d: {  	s2 =	sadd.s32 s2, s17  }
0x8e: {  	[smem:$0x3FC3] =	sst s2  }
0x8f: {  	_ = 	snop  }
0x90: {  	s2 =	sld [smem:$0x3FC5]  }
0x91: {  	s18 =	sld [smem:$0x3FD0];
	(tm) =	ssettm $0x1  }
0x92: {  	s4 =	sld [smem:$0x3FFB];
	_ =	sdelay $0x3  }
0x93: {  	_ =	strace s4  }
0x94: {  	s4 =	sld [smem:$0x3FFC];
	_ =	sdelay $0x3  }
0x95: {  	_ =	strace s4  }
0x96: {  	s4 =	sld [smem:$0x3FFD];
	_ =	sdelay $0x3  }
0x97: {  	_ =	strace s4  }
0x98: {  	_ =	strace $0x8FFFFFFF  }
0x99: {  	s19 =	sld [smem:$0x3FDB];
	_ =	sdelay $0x1  }
0x9a: {  	s5 =	simm.s32 $_scs_section_size  }
0x9b: {  	s6 =	simm.s32 $_size__tile_overlayer_lowered;
	s7 =	simm.s32 $_tile_overlayer_lowered  }
0x9c: {  	s22 =	simm.s32 $0x1BFF;
	s21 =	sshll.u32 s7, $0x1;
	s4 =	sadd.s32 s5, s19  }
0x9d: {  	s8 =	simm.s32 $0x0;
	s20 =	sshll.u32 s6, $0x1;
	s6 =	sadd.s32 s21, s4  }
0x9e: {  	[timem:s8], [sflag:s22] =	dma.local [hbm:s6], s20  }
0x9f: {  	_ =	swait.ge [sflag:s22], s20  }
0xa0: {  	s5 =	ssub.s32 $0x0, s20;
	[sflag:s22] =	ssyncset.done $0x0  }
0xa1: {  	[sflag:s22] =	ssyncadd.s32 s5;
	_ =	sdelay $0x1  }
0xa2: {  	s23 =	simm.s32 $0x1B8B  }
0xa3: {  	_ =	swait.ge [sflag:s23], $0x1  }
0xa4: {  	[sflag:s23] =	ssyncset.done $0x0  }
0xa5: {  	s25 =	simm.s32 $0x1B8E;
	s24 =	sld [smem:$0x3FFE];
	[sflag:s23] =	ssyncadd.s32 $0xFFFFFFFF  }
0xa6: {  	s26 =	simm.s32 $execute0_lowered;
	[smem:$0x3FD2] =	sst s25  }
0xa7: {  	s6 =	sshll.u32 s26, $0x1;
	_ =	strace $0x80000046;
	[dreg:$0x1] =	wrdreg $0xFFFFFFFF  }
0xa8: {  	s28 =	simm.s32 $_size_execute0_lowered;
	s4 =	sadd.s32 s4, s6;
	[dreg:$0x0] =	wrdreg $0x0  }
0xa9: {  	s6 =	sshll.u32 s28, $0x1;
	[dreg:$0x2] =	wrdreg s4  }
0xaa: {  	[dreg:$0x3] =	wrdreg s6  }
0xab: {  	[dreg:$0x4] =	wrdreg $0xC0  }
0xac: {  	_ =	task [dreg:s8], $0x5FFFF  }
0xad: {  	[dreg:$0x1] =	wrdreg $0xFFFFFFFF  }
0xae: {  	[dreg:$0x0] =	wrdreg $0x60  }
0xaf: {  	[dreg:$0x2] =	wrdreg s18  }
0xb0: {  	[dreg:$0x3] =	wrdreg s2  }
0xb1: {  	[dreg:$0x4] =	wrdreg s24  }
0xb2: {  	[dreg:$0x5] =	wrdreg $0x9  }
0xb3: {  	_ =	task.clear_ibuf [dreg:s8], $0x6FFFF;
	_ =	strace $0x90000046  }
0xb4: {  	s29 =	simm.s32 $0x9;
	_ =	strace $0x80000048  }
0xb5: {  	_ =	swait.ge [sflag:s29], $0x1  }
0xb6: {  	[sflag:s29] =	ssyncadd.s32 $0xFFFFFFFF  }
0xb7: {  	_ =	strace $0x90000048  }
0xb8: {  	_ =	sfence  }
0xb9: {  	s30 =	sld [smem:$0x0];
	_ =	sdelay $0x2  }
0xba: {  	s31 =	sshll.u32 s1, $0xD;
	s1 =	sshrl.u32 s1, $0x2  }
0xbb: {  	s3 =	sand.u32 $0x4000, s31;
	s1 =	sadd.s32 s1, s30  }
0xbc: {  	s0 =	sor.u32 s3, s0;
	s1 =	sshll.u32 s1, $0x11  }
0xbd: {  	s0 =	sor.u32 s1, s0  }
0xbe: {  	s0 =	sadd.s32 $0x8F2B, s0  }
0xbf: {  	[sflag:s0] =	ssyncadd.remote.s32 $0x1  }
0xc0: {  	_ =	sfence.sel $0xFFFF  }
0xc1: {  	[dreg:$0x0] =	wrdreg $0xFFFFFFFF;
	(pc) =	sbr.abs _section_cstart, $3  }
0xc2: {  	[dreg:$0x1] =	wrdreg $0xFFFFFFFF  }
0xc3: {  	_ =	task.clear_ibuf [dreg:s8], $0x2FFFF;
	_ =	strace $0x9FFFFFFF  }
0xc4: {  	(tm) =	ssettm $0x7FFFFFFF  }
0xc5: {  	_ =	shalt  }
tec
execute0_lowered:
.L_overlay_start_1:
0x0: {  	(tag) =	ssettag $0x1  }
0x1: {  	s4 =	rddreg [dreg:$0x0]  }
0x2: {  	s1 =	srdreg.scid;
	s2 =	rddreg [dreg:$0x1]  }
0x3: {  	s0 =	stileid.u32;
	s6 =	rddreg [dreg:$0x2]  }
0x4: {  	s3 =	simm.s32 $0x0;
	s5 =	sand.u32 $0x1, s1;
	s1 =	rddreg [dreg:$0x3]  }
0x5: {  	s7 =	sshll.u32 s0, $0x4;
	[smem:$0x7FF] =	sst s3;
	s8 =	sshll.u32 s5, $0x3  }
0x6: {  	s5 =	ssub.s32 $0x2, s5;
	_ =	strace $0x80000047;
	s7 =	sor.u32 s8, s7  }
0x7: {  	s9 =	sshrl.u32 s5, $0x1;
	s8 =	simm.s32 $0x400;
	s7 =	smin.u32 s7, $0xC0  }
0x8: {  	s30 =	ssub.s32 s5, s9;
	s9 =	simm.s32 $0x500;
	s29 =	sshll.u32 s7, $0x5  }
0x9: {  	s31 =	sshll.u32 s7, $0x4;
	s7 =	simm.s32 $0x1;
	s6 =	sadd.s32 s29, s6  }
0xa: {  	s4 =	sadd.s32 s4, s31;
	s5 =	sadd.s32 $0xA00, s6;
	s6 =	smax.u32 s30, $0x1  }
.LBB2_1:
0xb: {  	[tilespmem:s3], [sflag:$0x1] =	stream.linear.gather [hbm4b:s4+s3], $0x400, $0x38;
	[tilespmem:$0xD00] =	vst v63  }
0xc: {  	_ =	swait.ge [sflag:s7], $0x400  }
0xd: {  	[sflag:s7] =	ssyncset.done $0x0  }
0xe: {  	[sflag:s7] =	ssyncadd.s32 $0xFFFFFC00  }
0xf: {  	[tilespmem:s8], [sflag:$0x1] =	stream.linear.gather [hbm4b:s2+s3], $0x100, $0x38;
	[tilespmem:$0xD00] =	vst v63  }
0x10: {  	_ =	swait.ge [sflag:s7], $0x100  }
0x11: {  	[sflag:s7] =	ssyncset.done $0x0  }
0x12: {  	[sflag:s7] =	ssyncadd.s32 $0xFFFFFF00  }
0x13: {  	v3 =	vld [tilespmem:$0x0]  }
0x14: {  	v0 =	vld [tilespmem:$0x400]  }
0x15: {  	v4 =	vld [tilespmem:$0x10]  }
0x16: {  	v1 =	vld [tilespmem:$0x410]  }
0x17: {  	v6 =	vld [tilespmem:$0x20]  }
0x18: {  	v2 =	vld [tilespmem:$0x420]  }
0x19: {  	v8 =	vld [tilespmem:$0x30]  }
0x1a: {  	v5 =	vld [tilespmem:$0x430]  }
0x1b: {  	v10 =	vld [tilespmem:$0x40]  }
0x1c: {  	v7 =	vld [tilespmem:$0x440]  }
0x1d: {  	v12 =	vld [tilespmem:$0x50]  }
0x1e: {  	v9 =	vld [tilespmem:$0x450]  }
0x1f: {  	v14 =	vld [tilespmem:$0x60]  }
0x20: {  	v11 =	vld [tilespmem:$0x460]  }
0x21: {  	v16 =	vld [tilespmem:$0x70]  }
0x22: {  	v13 =	vld [tilespmem:$0x470]  }
0x23: {  	v18 =	vld [tilespmem:$0x0]  }
0x24: {  	v15 =	vld [tilespmem:$0x480]  }
0x25: {  	v20 =	vld [tilespmem:$0x10]  }
0x26: {  	v17 =	vld [tilespmem:$0x490]  }
0x27: {  	v22 =	vld [tilespmem:$0x20]  }
0x28: {  	v19 =	vld [tilespmem:$0x4A0]  }
0x29: {  	v24 =	vld [tilespmem:$0x30]  }
0x2a: {  	v21 =	vld [tilespmem:$0x4B0]  }
0x2b: {  	v26 =	vld [tilespmem:$0x40]  }
0x2c: {  	v23 =	vld [tilespmem:$0x4C0]  }
0x2d: {  	v28 =	vld [tilespmem:$0x50]  }
0x2e: {  	v25 =	vld [tilespmem:$0x4D0]  }
0x2f: {  	v58 =	vld [tilespmem:$0x60]  }
0x30: {  	v27 =	vld [tilespmem:$0x4E0]  }
0x31: {  	v59 =	vld [tilespmem:$0x70]  }
0x32: {  	v29 =	vld [tilespmem:$0x4F0]  }
0x33: {  	v50 =	vld [tilespmem:$0x80]  }
0x34: {  	v30 =	vld [tilespmem:$0x400]  }
0x35: {  	v47 =	vld [tilespmem:$0x90]  }
0x36: {  	v31 =	vld [tilespmem:$0x410]  }
0x37: {  	v38 =	vld [tilespmem:$0xA0]  }
0x38: {  	v32 =	vld [tilespmem:$0x420]  }
0x39: {  	v39 =	vld [tilespmem:$0xB0]  }
0x3a: {  	v33 =	vld [tilespmem:$0x430]  }
0x3b: {  	v36 =	vld [tilespmem:$0xC0]  }
0x3c: {  	v34 =	vld [tilespmem:$0x440]  }
0x3d: {  	v40 =	vld [tilespmem:$0xD0]  }
0x3e: {  	v35 =	vld [tilespmem:$0x450]  }
0x3f: {  	v42 =	vld [tilespmem:$0xE0]  }
0x40: {  	v37 =	vld [tilespmem:$0x460]  }
0x41: {  	v43 =	vld [tilespmem:$0xF0]  }
0x42: {  	v41 =	vld [tilespmem:$0x470]  }
0x43: {  	v46 =	vld [tilespmem:$0x80]  }
0x44: {  	v44 =	vld [tilespmem:$0x480]  }
0x45: {  	v49 =	vld [tilespmem:$0x90]  }
0x46: {  	v45 =	vld [tilespmem:$0x490]  }
0x47: {  	v52 =	vld [tilespmem:$0xA0]  }
0x48: {  	v48 =	vld [tilespmem:$0x4A0]  }
0x49: {  	v63 =	vld [tilespmem:$0x100];
	_ =	sdelay $0x4  }
0x4a: {  	[tilespmem:$0x1FAE0] =	vst v63;
	v63 =	vld [tilespmem:$0x400];
	_ =	sdelay $0x4  }
0x4b: {  	[tilespmem:$0x1FAF0] =	vst v63;
	v63 =	vld [tilespmem:$0x110];
	_ =	sdelay $0x4  }
0x4c: {  	[tilespmem:$0x1FB00] =	vst v63;
	v63 =	vld [tilespmem:$0x410];
	_ =	sdelay $0x4  }
0x4d: {  	[tilespmem:$0x1FB10] =	vst v63;
	v63 =	vld [tilespmem:$0x120];
	_ =	sdelay $0x4  }
0x4e: {  	[tilespmem:$0x1FB20] =	vst v63;
	v63 =	vld [tilespmem:$0x420];
	_ =	sdelay $0x4  }
0x4f: {  	[tilespmem:$0x1FB30] =	vst v63;
	v63 =	vld [tilespmem:$0x130];
	_ =	sdelay $0x4  }
0x50: {  	[tilespmem:$0x1FB40] =	vst v63;
	v63 =	vld [tilespmem:$0x430];
	_ =	sdelay $0x4  }
0x51: {  	[tilespmem:$0x1FB50] =	vst v63;
	v63 =	vld [tilespmem:$0x140];
	_ =	sdelay $0x4  }
0x52: {  	[tilespmem:$0x1FB60] =	vst v63;
	v63 =	vld [tilespmem:$0x440];
	_ =	sdelay $0x4  }
0x53: {  	[tilespmem:$0x1FB70] =	vst v63;
	v63 =	vld [tilespmem:$0x150];
	_ =	sdelay $0x4  }
0x54: {  	[tilespmem:$0x1FB80] =	vst v63;
	v63 =	vld [tilespmem:$0x450];
	_ =	sdelay $0x4  }
0x55: {  	[tilespmem:$0x1FB90] =	vst v63;
	v63 =	vld [tilespmem:$0x160];
	_ =	sdelay $0x4  }
0x56: {  	[tilespmem:$0x1FBA0] =	vst v63;
	v63 =	vld [tilespmem:$0x460];
	_ =	sdelay $0x4  }
0x57: {  	[tilespmem:$0x1FBB0] =	vst v63;
	v63 =	vld [tilespmem:$0x170];
	_ =	sdelay $0x4  }
0x58: {  	[tilespmem:$0x1FBC0] =	vst v63;
	v63 =	vld [tilespmem:$0x470];
	_ =	sdelay $0x4  }
0x59: {  	[tilespmem:$0x1FBD0] =	vst v63;
	v63 =	vld [tilespmem:$0x100];
	_ =	sdelay $0x4  }
0x5a: {  	[tilespmem:$0x1FBE0] =	vst v63;
	v63 =	vld [tilespmem:$0x480];
	_ =	sdelay $0x4  }
0x5b: {  	[tilespmem:$0x1FBF0] =	vst v63;
	v63 =	vld [tilespmem:$0x110];
	_ =	sdelay $0x4  }
0x5c: {  	[tilespmem:$0x1FC00] =	vst v63;
	v63 =	vld [tilespmem:$0x490];
	_ =	sdelay $0x4  }
0x5d: {  	[tilespmem:$0x1FC10] =	vst v63;
	v63 =	vld [tilespmem:$0x120];
	_ =	sdelay $0x4  }
0x5e: {  	[tilespmem:$0x1FC20] =	vst v63;
	v63 =	vld [tilespmem:$0x4A0];
	_ =	sdelay $0x4  }
0x5f: {  	[tilespmem:$0x1FC30] =	vst v63;
	v63 =	vld [tilespmem:$0x130];
	_ =	sdelay $0x4  }
0x60: {  	[tilespmem:$0x1FC40] =	vst v63;
	v63 =	vld [tilespmem:$0x4B0];
	_ =	sdelay $0x4  }
0x61: {  	[tilespmem:$0x1FC50] =	vst v63;
	v63 =	vld [tilespmem:$0x140];
	_ =	sdelay $0x4  }
0x62: {  	[tilespmem:$0x1FC60] =	vst v63;
	v63 =	vld [tilespmem:$0x4C0];
	_ =	sdelay $0x4  }
0x63: {  	[tilespmem:$0x1FC70] =	vst v63;
	v63 =	vld [tilespmem:$0x150];
	_ =	sdelay $0x4  }
0x64: {  	[tilespmem:$0x1FC80] =	vst v63;
	v63 =	vld [tilespmem:$0x4D0];
	_ =	sdelay $0x4  }
0x65: {  	[tilespmem:$0x1FC90] =	vst v63;
	v63 =	vld [tilespmem:$0x160];
	_ =	sdelay $0x2  }
0x66: {  	v54 =	vld [tilespmem:$0xB0]  }
0x67: {  	v51 =	vld [tilespmem:$0x4B0]  }
0x68: {  	[tilespmem:$0x1FCA0] =	vst v63;
	v63 =	vld [tilespmem:$0x4E0]  }
0x69: {  	v56 =	vld [tilespmem:$0xC0]  }
0x6a: {  	v53 =	vld [tilespmem:$0x4C0]  }
0x6b: {  	v57 =	vld [tilespmem:$0xD0]  }
0x6c: {  	v61 =	vld [tilespmem:$0xF0]  }
0x6d: {  	[tilespmem:$0x1FCB0] =	vst v63;
	v63 =	vld [tilespmem:$0x170]  }
0x6e: {  	v55 =	vld [tilespmem:$0x4D0]  }
0x6f: {  	v62 =	vld [tilespmem:$0xE0]  }
0x70: {  	v60 =	vld [tilespmem:$0x4E0]  }
0x71: {  	[tilespmem:$0x1FAD0] =	vst v61;
	v61 =	vld [tilespmem:$0x4F0]  }
0x72: {  	[tilespmem:$0x1FCC0] =	vst v63;
	v63 =	vld [tilespmem:$0x4F0]  }
0x73: {  	v1 =	vadd.f32 v1, v4;
	v4 =	vld [tilespmem:$0x430]  }
0x74: {  	v5 =	vadd.f32 v5, v8;
	v8 =	vld [tilespmem:$0x440]  }
0x75: {  	v7 =	vadd.f32 v7, v10;
	v10 =	vld [tilespmem:$0x250]  }
0x76: {  	v9 =	vadd.f32 v9, v12;
	v12 =	vld [tilespmem:$0x450]  }
0x77: {  	[tilespmem:$0x1FCD0] =	vst v63;
	v63 =	vld [tilespmem:$0x180]  }
0x78: {  	v11 =	vadd.f32 v11, v14;
	v14 =	vld [tilespmem:$0x260]  }
0x79: {  	v13 =	vadd.f32 v13, v16;
	v16 =	vld [tilespmem:$0x460]  }
0x7a: {  	v15 =	vadd.f32 v15, v18;
	v18 =	vld [tilespmem:$0x270]  }
0x7b: {  	v17 =	vadd.f32 v17, v20;
	v20 =	vld [tilespmem:$0x470]  }
0x7c: {  	[tilespmem:$0x1FCE0] =	vst v63;
	v63 =	vld [tilespmem:$0x400]  }
0x7d: {  	v19 =	vadd.f32 v19, v22;
	v22 =	vld [tilespmem:$0x200]  }
0x7e: {  	v21 =	vadd.f32 v21, v24;
	v24 =	vld [tilespmem:$0x480]  }
0x7f: {  	v23 =	vadd.f32 v23, v26;
	v26 =	vld [tilespmem:$0x210]  }
0x80: {  	v25 =	vadd.f32 v25, v28;
	v28 =	vadd.f32 v27, v58;
	v58 =	vld [tilespmem:$0x490]  }
0x81: {  	[tilespmem:$0x1FCF0] =	vst v63;
	v63 =	vld [tilespmem:$0x190]  }
0x82: {  	v29 =	vadd.f32 v29, v59;
	v59 =	vld [tilespmem:$0x220]  }
0x83: {  	v30 =	vadd.f32 v30, v50;
	v50 =	vld [tilespmem:$0x4A0]  }
0x84: {  	v31 =	vadd.f32 v31, v47;
	v47 =	vld [tilespmem:$0x230]  }
0x85: {  	v32 =	vadd.f32 v32, v38;
	v38 =	vld [tilespmem:$0x4B0]  }
0x86: {  	[tilespmem:$0x1FD00] =	vst v63;
	v63 =	vld [tilespmem:$0x410]  }
0x87: {  	v33 =	vadd.f32 v33, v39;
	v39 =	vld [tilespmem:$0x240]  }
0x88: {  	v27 =	vld [tilespmem:$0x250]  }
0x89: {  	v0 =	vadd.f32 v0, v3;
	v44 =	vadd.f32 v44, v46;
	v3 =	vld [tilespmem:$0x290]  }
0x8a: {  	v46 =	vadd.f32 v45, v49;
	v49 =	vadd.f32 v51, v54;
	v54 =	vld [tilespmem:$0x1FAD0]  }
0x8b: {  	[tilespmem:$0x1FD10] =	vst v63;
	v63 =	vld [tilespmem:$0x1A0]  }
0x8c: {  	v51 =	vadd.f32 v53, v56;
	v56 =	vld [tilespmem:$0x1FAE0]  }
0x8d: {  	[tilespmem:$0x500] =	vst v0;
	v0 =	vadd.f32 v2, v6;
	v6 =	vld [tilespmem:$0x240]  }
0x8e: {  	[tilespmem:$0x600] =	vst v30;
	v30 =	vld [tilespmem:$0x4C0]  }
0x8f: {  	[tilespmem:$0x5A0] =	vst v19;
	v19 =	vld [tilespmem:$0x260]  }
0x90: {  	[tilespmem:$0x1FD20] =	vst v63;
	v63 =	vld [tilespmem:$0x420]  }
0x91: {  	[tilespmem:$0x540] =	vst v7;
	v7 =	vld [tilespmem:$0x270]  }
0x92: {  	[tilespmem:$0x510] =	vst v1;
	v1 =	vld [tilespmem:$0x280]  }
0x93: {  	v2 =	vld [tilespmem:$0x400]  }
0x94: {  	[tilespmem:$0x530] =	vst v5;
	v5 =	vld [tilespmem:$0x2A0]  }
0x95: {  	[tilespmem:$0x1FD30] =	vst v63;
	v63 =	vld [tilespmem:$0x1B0]  }
0x96: {  	[tilespmem:$0x520] =	vst v0;
	v0 =	vld [tilespmem:$0x4F0]  }
0x97: {  	[tilespmem:$0x1FFB0] =	vst v18;
	v18 =	vld [tilespmem:$0x4D0]  }
0x98: {  	[tilespmem:$0x1FF70] =	vst v10;
	v10 =	vld [tilespmem:$0x4E0]  }
0x99: {  	v48 =	vadd.f32 v48, v52;
	v52 =	vadd.f32 v55, v57;
	v57 =	vld [tilespmem:$0x1FAF0]  }
0x9a: {  	[tilespmem:$0x1FD40] =	vst v63;
	v63 =	vld [tilespmem:$0x430]  }
0x9b: {  	[tilespmem:$0x1FF40] =	vst v4;
	v4 =	vld [tilespmem:$0x410]  }
0x9c: {  	[tilespmem:$0x1FF60] =	vst v8;
	v8 =	vld [tilespmem:$0x2B0]  }
0x9d: {  	[tilespmem:$0x1FF50] =	vst v6;
	v6 =	vld [tilespmem:$0x420]  }
0x9e: {  	[tilespmem:$0x550] =	vst v9;
	v1 =	vadd.f32 v2, v1;
	v2 =	vld [tilespmem:$0x4A0];
	v9 =	vadd.f32 v57, v56  }
0x9f: {  	[tilespmem:$0x1FD50] =	vst v63;
	v63 =	vld [tilespmem:$0x1C0]  }
0xa0: {  	[tilespmem:$0x700] =	vst v9;
	v9 =	vld [tilespmem:$0x430]  }
0xa1: {  	v0 =	vadd.f32 v0, v7;
	v7 =	vld [tilespmem:$0x320]  }
0xa2: {  	v53 =	vadd.f32 v60, v62;
	[tilespmem:$0x560] =	vst v11;
	v60 =	vld [tilespmem:$0x1FB00]  }
0xa3: {  	[tilespmem:$0x570] =	vst v13;
	v55 =	vadd.f32 v61, v54;
	v10 =	vadd.f32 v10, v19;
	v61 =	vld [tilespmem:$0x1FB10]  }
0xa4: {  	[tilespmem:$0x1FD60] =	vst v63;
	v63 =	vld [tilespmem:$0x440]  }
0xa5: {  	[tilespmem:$0x9E0] =	vst v10;
	v10 =	vadd.f32 v9, v8;
	v8 =	vld [tilespmem:$0x350]  }
0xa6: {  	[tilespmem:$0x590] =	vst v17;
	v9 =	vld [tilespmem:$0x4D0]  }
0xa7: {  	[tilespmem:$0x5B0] =	vst v21;
	v62 =	vld [tilespmem:$0x1FB20]  }
0xa8: {  	[tilespmem:$0x1FFA0] =	vst v16;
	v16 =	vld [tilespmem:$0x1FB30]  }
0xa9: {  	[tilespmem:$0x1FD70] =	vst v63;
	v63 =	vld [tilespmem:$0x1D0]  }
0xaa: {  	[tilespmem:$0x1FF80] =	vst v12;
	v17 =	vld [tilespmem:$0x1FB40]  }
0xab: {  	[tilespmem:$0x1FFC0] =	vst v20;
	v20 =	vld [tilespmem:$0x1FB50]  }
0xac: {  	[tilespmem:$0x1FF90] =	vst v14;
	v21 =	vld [tilespmem:$0x1FB60]  }
0xad: {  	[tilespmem:$0x1FFD0] =	vst v22;
	v22 =	vld [tilespmem:$0x1FB70]  }
0xae: {  	v11 =	vadd.f32 v61, v60;
	[tilespmem:$0x1FD80] =	vst v63;
	v63 =	vld [tilespmem:$0x450]  }
0xaf: {  	[tilespmem:$0xA30] =	vst v10;
	v10 =	vld [tilespmem:$0x360];
	v12 =	vadd.f32 v16, v62  }
0xb0: {  	[tilespmem:$0x710] =	vst v11;
	v11 =	vld [tilespmem:$0x2C0];
	v13 =	vadd.f32 v20, v17  }
0xb1: {  	[tilespmem:$0x720] =	vst v12;
	v12 =	vld [tilespmem:$0x440]  }
0xb2: {  	[tilespmem:$0x730] =	vst v13;
	v13 =	vld [tilespmem:$0x2D0]  }
0xb3: {  	v14 =	vadd.f32 v22, v21;
	[tilespmem:$0x1FD90] =	vst v63;
	v63 =	vld [tilespmem:$0x1E0]  }
0xb4: {  	[tilespmem:$0x5C0] =	vst v23;
	v23 =	vld [tilespmem:$0x1FB80]  }
0xb5: {  	[tilespmem:$0x740] =	vst v14;
	v14 =	vld [tilespmem:$0x450]  }
0xb6: {  	[tilespmem:$0x1FFE0] =	vst v24;
	v24 =	vld [tilespmem:$0x1FB90]  }
0xb7: {  	[tilespmem:$0x5D0] =	vst v25;
	v25 =	vld [tilespmem:$0x1FBA0]  }
0xb8: {  	[tilespmem:$0x1FDA0] =	vst v63;
	v63 =	vld [tilespmem:$0x460]  }
0xb9: {  	[tilespmem:$0x1FFF0] =	vst v26;
	v12 =	vadd.f32 v12, v11;
	v26 =	vld [tilespmem:$0x1FBB0]  }
0xba: {  	v11 =	vld [tilespmem:$0x4E0]  }
0xbb: {  	[tilespmem:$0xA40] =	vst v12;
	v12 =	vld [tilespmem:$0x370]  }
0xbc: {  	[tilespmem:$0x580] =	vst v15;
	v14 =	vadd.f32 v14, v13;
	v13 =	vld [tilespmem:$0x4F0]  }
0xbd: {  	v15 =	vadd.f32 v24, v23;
	[tilespmem:$0x1FDB0] =	vst v63;
	v63 =	vld [tilespmem:$0x1F0]  }
0xbe: {  	[tilespmem:$0xA50] =	vst v14;
	v14 =	vld [tilespmem:$0x380];
	v16 =	vadd.f32 v26, v25  }
0xbf: {  	[tilespmem:$0x750] =	vst v15;
	v15 =	vld [tilespmem:$0x2E0]  }
0xc0: {  	[tilespmem:$0x760] =	vst v16;
	v16 =	vld [tilespmem:$0x460]  }
0xc1: {  	[tilespmem:$0x5E0] =	vst v28;
	v28 =	vld [tilespmem:$0x1FBC0]  }
0xc2: {  	[tilespmem:$0x1FDC0] =	vst v63;
	v63 =	vld [tilespmem:$0x470]  }
0xc3: {  	v18 =	vadd.f32 v18, v27;
	v26 =	vld [tilespmem:$0x490]  }
0xc4: {  	[tilespmem:$0x5F0] =	vst v29;
	v29 =	vld [tilespmem:$0x1FBD0]  }
0xc5: {  	[tilespmem:$0x9D0] =	vst v18;
	v18 =	vadd.f32 v16, v15;
	v15 =	vld [tilespmem:$0x400]  }
0xc6: {  	v16 =	vld [tilespmem:$0x390]  }
0xc7: {  	[tilespmem:$0x1FDD0] =	vst v63;
	v63 =	vld [tilespmem:$0x180]  }
0xc8: {  	[tilespmem:$0x610] =	vst v31;
	v31 =	vld [tilespmem:$0x1FBE0]  }
0xc9: {  	[tilespmem:$0x620] =	vst v32;
	v32 =	vld [tilespmem:$0x1FBF0]  }
0xca: {  	[tilespmem:$0xA60] =	vst v18;
	v18 =	vld [tilespmem:$0x3A0]  }
0xcb: {  	v17 =	vadd.f32 v29, v28;
	v28 =	vld [tilespmem:$0x2A0]  }
0xcc: {  	[tilespmem:$0x1FDE0] =	vst v63;
	v63 =	vld [tilespmem:$0x480]  }
0xcd: {  	[tilespmem:$0x770] =	vst v17;
	v17 =	vld [tilespmem:$0x2F0]  }
0xce: {  	v20 =	vadd.f32 v32, v31;
	v31 =	vld [tilespmem:$0x2B0]  }
0xcf: {  	v32 =	vld [tilespmem:$0x4B0]  }
0xd0: {  	[tilespmem:$0x780] =	vst v20;
	v20 =	vld [tilespmem:$0x470]  }
0xd1: {  	[tilespmem:$0x1FDF0] =	vst v63;
	v63 =	vld [tilespmem:$0x190]  }
0xd2: {  	v29 =	vld [tilespmem:$0x4A0]  }
0xd3: {  	[tilespmem:$0x630] =	vst v33;
	v33 =	vld [tilespmem:$0x1FC00]  }
0xd4: {  	v36 =	vadd.f32 v34, v36;
	v34 =	vld [tilespmem:$0x1FC10]  }
0xd5: {  	v32 =	vadd.f32 v32, v31;
	v20 =	vadd.f32 v20, v17;
	v17 =	vld [tilespmem:$0x410]  }
0xd6: {  	[tilespmem:$0x1FE00] =	vst v63;
	v63 =	vld [tilespmem:$0x490]  }
0xd7: {  	[tilespmem:$0xAB0] =	vst v32;
	v32 =	vld [tilespmem:$0x390]  }
0xd8: {  	v40 =	vadd.f32 v35, v40;
	v35 =	vld [tilespmem:$0x1FC20]  }
0xd9: {  	v21 =	vadd.f32 v34, v33;
	v33 =	vld [tilespmem:$0x2C0]  }
0xda: {  	v34 =	vld [tilespmem:$0x4C0]  }
0xdb: {  	[tilespmem:$0x1FE10] =	vst v63;
	v63 =	vld [tilespmem:$0x1A0]  }
0xdc: {  	[tilespmem:$0x640] =	vst v36;
	v36 =	vld [tilespmem:$0x1FC30]  }
0xdd: {  	[tilespmem:$0x790] =	vst v21;
	v21 =	vld [tilespmem:$0x280]  }
0xde: {  	v42 =	vadd.f32 v37, v42;
	v37 =	vld [tilespmem:$0x1FC40]  }
0xdf: {  	[tilespmem:$0x650] =	vst v40;
	v34 =	vadd.f32 v34, v33;
	v40 =	vld [tilespmem:$0x1FC50]  }
0xe0: {  	[tilespmem:$0x1FE20] =	vst v63;
	v63 =	vld [tilespmem:$0x4A0]  }
0xe1: {  	[tilespmem:$0xAC0] =	vst v34;
	v34 =	vld [tilespmem:$0x490];
	v22 =	vadd.f32 v36, v35  }
0xe2: {  	v35 =	vld [tilespmem:$0x2D0]  }
0xe3: {  	[tilespmem:$0x7A0] =	vst v22;
	v22 =	vld [tilespmem:$0x480]  }
0xe4: {  	v43 =	vadd.f32 v41, v43;
	v23 =	vadd.f32 v40, v37;
	v41 =	vld [tilespmem:$0x1FC60]  }
0xe5: {  	[tilespmem:$0x1FE30] =	vst v63;
	v63 =	vld [tilespmem:$0x1B0]  }
0xe6: {  	[tilespmem:$0x7B0] =	vst v23;
	v23 =	vld [tilespmem:$0x290]  }
0xe7: {  	[tilespmem:$0x660] =	vst v42;
	v42 =	vld [tilespmem:$0x1FC70]  }
0xe8: {  	[tilespmem:$0x670] =	vst v43;
	v43 =	vld [tilespmem:$0x1FC80]  }
0xe9: {  	[tilespmem:$0x680] =	vst v44;
	v44 =	vld [tilespmem:$0x1FC90]  }
0xea: {  	[tilespmem:$0x1FE40] =	vst v63;
	v63 =	vld [tilespmem:$0x4B0]  }
0xeb: {  	v45 =	vld [tilespmem:$0x1FCA0]  }
0xec: {  	[tilespmem:$0x690] =	vst v46;
	v46 =	vld [tilespmem:$0x1FCB0]  }
0xed: {  	[tilespmem:$0x6A0] =	vst v48;
	v48 =	vld [tilespmem:$0x1FCC0]  }
0xee: {  	[tilespmem:$0x6B0] =	vst v49;
	v49 =	vld [tilespmem:$0x1FCD0]  }
0xef: {  	[tilespmem:$0x1FE50] =	vst v63;
	v63 =	vld [tilespmem:$0x1C0]  }
0xf0: {  	[tilespmem:$0x6C0] =	vst v51;
	v51 =	vld [tilespmem:$0x1FCE0]  }
0xf1: {  	[tilespmem:$0x6D0] =	vst v52;
	v52 =	vld [tilespmem:$0x1FCF0]  }
0xf2: {  	[tilespmem:$0x6E0] =	vst v53;
	v53 =	vld [tilespmem:$0x1FD00]  }
0xf3: {  	v54 =	vld [tilespmem:$0x1FD10]  }
0xf4: {  	v25 =	vadd.f32 v44, v43;
	[tilespmem:$0x1FE60] =	vst v63;
	v63 =	vld [tilespmem:$0x4C0]  }
0xf5: {  	v57 =	vld [tilespmem:$0x1FD40]  }
0xf6: {  	[tilespmem:$0x7D0] =	vst v25;
	v25 =	vadd.f32 v49, v48;
	v60 =	vld [tilespmem:$0x1FD50]  }
0xf7: {  	v36 =	vld [tilespmem:$0x1FD80]  }
0xf8: {  	[tilespmem:$0x7F0] =	vst v25;
	v37 =	vld [tilespmem:$0x1FD90]  }
0xf9: {  	v25 =	vadd.f32 v54, v53;
	[tilespmem:$0x1FE70] =	vst v63;
	v63 =	vld [tilespmem:$0x1D0]  }
0xfa: {  	[tilespmem:$0x6F0] =	vst v55;
	v55 =	vld [tilespmem:$0x1FD20]  }
0xfb: {  	[tilespmem:$0x810] =	vst v25;
	v56 =	vld [tilespmem:$0x1FD30];
	v25 =	vadd.f32 v60, v57  }
0xfc: {  	v61 =	vld [tilespmem:$0x1FD60]  }
0xfd: {  	[tilespmem:$0x830] =	vst v25;
	v25 =	vadd.f32 v37, v36;
	v36 =	vld [tilespmem:$0x4D0]  }
0xfe: {  	v24 =	vadd.f32 v42, v41;
	[tilespmem:$0x1FE80] =	vst v63;
	v63 =	vld [tilespmem:$0x4D0]  }
0xff: {  	v62 =	vld [tilespmem:$0x1FD70]  }
0x100: {  	[tilespmem:$0x7C0] =	vst v24;
	v24 =	vadd.f32 v46, v45;
	v40 =	vld [tilespmem:$0x1FDA0]  }
0x101: {  	v37 =	vld [tilespmem:$0x2E0]  }
0x102: {  	[tilespmem:$0x7E0] =	vst v24;
	v41 =	vld [tilespmem:$0x1FDB0];
	v36 =	vadd.f32 v36, v35  }
0x103: {  	v24 =	vadd.f32 v52, v51;
	[tilespmem:$0x1FE90] =	vst v63;
	v63 =	vld [tilespmem:$0x1E0]  }
0x104: {  	[tilespmem:$0xAD0] =	vst v36;
	v36 =	vld [tilespmem:$0x3A0]  }
0x105: {  	[tilespmem:$0x800] =	vst v24;
	v24 =	vadd.f32 v56, v55;
	v42 =	vld [tilespmem:$0x1FDC0]  }
0x106: {  	v43 =	vld [tilespmem:$0x1FDD0]  }
0x107: {  	[tilespmem:$0x820] =	vst v24;
	v44 =	vld [tilespmem:$0x1FDE0]  }
0x108: {  	v24 =	vadd.f32 v62, v61;
	[tilespmem:$0x1FEA0] =	vst v63;
	v63 =	vld [tilespmem:$0x4E0]  }
0x109: {  	v45 =	vld [tilespmem:$0x1FDF0]  }
0x10a: {  	[tilespmem:$0x840] =	vst v24;
	v24 =	vadd.f32 v41, v40;
	v40 =	vld [tilespmem:$0x4E0]  }
0x10b: {  	v41 =	vld [tilespmem:$0x2F0]  }
0x10c: {  	[tilespmem:$0x850] =	vst v25;
	v25 =	vadd.f32 v43, v42;
	v43 =	vld [tilespmem:$0x300]  }
0x10d: {  	[tilespmem:$0x1FEB0] =	vst v63;
	v63 =	vld [tilespmem:$0x1F0]  }
0x10e: {  	[tilespmem:$0x860] =	vst v24;
	v24 =	vadd.f32 v45, v44;
	v44 =	vld [tilespmem:$0x400]  }
0x10f: {  	v42 =	vld [tilespmem:$0x4F0]  }
0x110: {  	v46 =	vld [tilespmem:$0x1FE00]  }
0x111: {  	v45 =	vld [tilespmem:$0x310]  }
0x112: {  	[tilespmem:$0x1FEC0] =	vst v63;
	v63 =	vld [tilespmem:$0x4F0]  }
0x113: {  	v37 =	vadd.f32 v40, v37;
	v48 =	vld [tilespmem:$0x1FE10];
	v40 =	vadd.f32 v44, v43  }
0x114: {  	v44 =	vld [tilespmem:$0x430]  }
0x115: {  	[tilespmem:$0xB00] =	vst v40;
	v40 =	vld [tilespmem:$0x3B0]  }
0x116: {  	v49 =	vld [tilespmem:$0x1FE20]  }
0x117: {  	[tilespmem:$0x1FED0] =	vst v63;
	v63 =	vld [tilespmem:$0x200]  }
0x118: {  	v51 =	vld [tilespmem:$0x1FE30]  }
0x119: {  	[tilespmem:$0x870] =	vst v25;
	v25 =	vadd.f32 v48, v46;
	v46 =	vld [tilespmem:$0x410]  }
0x11a: {  	v48 =	vld [tilespmem:$0x320]  }
0x11b: {  	v52 =	vld [tilespmem:$0x1FE40]  }
0x11c: {  	[tilespmem:$0x1FEE0] =	vst v63;
	v63 =	vld [tilespmem:$0x400]  }
0x11d: {  	[tilespmem:$0x880] =	vst v24;
	v24 =	vadd.f32 v51, v49;
	v49 =	vld [tilespmem:$0x420]  }
0x11e: {  	v51 =	vld [tilespmem:$0x330]  }
0x11f: {  	v53 =	vld [tilespmem:$0x1FE50]  }
0x120: {  	v54 =	vld [tilespmem:$0x1FE60]  }
0x121: {  	[tilespmem:$0x1FEF0] =	vst v63;
	v63 =	vld [tilespmem:$0x210]  }
0x122: {  	v55 =	vld [tilespmem:$0x1FE70]  }
0x123: {  	v56 =	vld [tilespmem:$0x1FE80]  }
0x124: {  	v57 =	vld [tilespmem:$0x1FE90]  }
0x125: {  	v60 =	vld [tilespmem:$0x1FEA0]  }
0x126: {  	[tilespmem:$0x1FF00] =	vst v63;
	v63 =	vld [tilespmem:$0x410]  }
0x127: {  	v61 =	vld [tilespmem:$0x1FEB0]  }
0x128: {  	[tilespmem:$0x890] =	vst v25;
	v25 =	vadd.f32 v53, v52;
	v62 =	vld [tilespmem:$0x1FEC0]  }
0x129: {  	[tilespmem:$0x8A0] =	vst v24;
	v52 =	vld [tilespmem:$0x1FED0]  }
0x12a: {  	v43 =	vadd.f32 v49, v48;
	v48 =	vld [tilespmem:$0x440];
	[tilespmem:$0x8B0] =	vst v25;
	v24 =	vadd.f32 v55, v54  }
0x12b: {  	[tilespmem:$0x1FF10] =	vst v63;
	v63 =	vld [tilespmem:$0x220]  }
0x12c: {  	[tilespmem:$0x8C0] =	vst v24;
	v25 =	vadd.f32 v57, v56;
	v24 =	vadd.f32 v61, v60;
	v61 =	vld [tilespmem:$0x1FF40]  }
0x12d: {  	v53 =	vld [tilespmem:$0x1FEE0]  }
0x12e: {  	[tilespmem:$0x8D0] =	vst v25;
	v25 =	vadd.f32 v52, v62;
	v52 =	vld [tilespmem:$0x430]  }
0x12f: {  	v54 =	vld [tilespmem:$0x1FEF0]  }
0x130: {  	[tilespmem:$0x1FF20] =	vst v63;
	v63 =	vld [tilespmem:$0x420]  }
0x131: {  	v62 =	vld [tilespmem:$0x1FF50]  }
0x132: {  	v55 =	vld [tilespmem:$0x1FF00]  }
0x133: {  	v56 =	vld [tilespmem:$0x1FF10]  }
0x134: {  	[tilespmem:$0x8E0] =	vst v24;
	v24 =	vadd.f32 v54, v53;
	v53 =	vld [tilespmem:$0x340]  }
0x135: {  	[tilespmem:$0x1FF30] =	vst v63;
	v63 =	vld [tilespmem:$0x230]  }
0x136: {  	[tilespmem:$0xA00] =	vst v1;
	v57 =	vld [tilespmem:$0x1FF20]  }
0x137: {  	[tilespmem:$0x9F0] =	vst v0;
	v29 =	vadd.f32 v29, v28;
	v60 =	vld [tilespmem:$0x1FF30]  }
0x138: {  	[tilespmem:$0x8F0] =	vst v25;
	v54 =	vld [tilespmem:$0x440];
	v25 =	vadd.f32 v56, v55  }
0x139: {  	[tilespmem:$0xAA0] =	vst v29;
	v31 =	vadd.f32 v9, v8;
	v55 =	vld [tilespmem:$0x350]  }
0x13a: {  	[tilespmem:$0x910] =	vst v25;
	v25 =	vadd.f32 v61, v63;
	v63 =	vld [tilespmem:$0x1FF60]  }
0x13b: {  	[tilespmem:$0xBD0] =	vst v31;
	v56 =	vld [tilespmem:$0x450]  }
0x13c: {  	v33 =	vadd.f32 v11, v10;
	[tilespmem:$0x900] =	vst v24;
	v24 =	vadd.f32 v60, v57;
	v57 =	vld [tilespmem:$0x1FF70]  }
0x13d: {  	[tilespmem:$0xA70] =	vst v20;
	v60 =	vld [tilespmem:$0x1FF80]  }
0x13e: {  	[tilespmem:$0xBE0] =	vst v33;
	v27 =	vadd.f32 v26, v23;
	v61 =	vld [tilespmem:$0x1FF90]  }
0x13f: {  	v35 =	vadd.f32 v13, v12;
	[tilespmem:$0x920] =	vst v24;
	v24 =	vadd.f32 v63, v62;
	v62 =	vld [tilespmem:$0x1FFA0]  }
0x140: {  	[tilespmem:$0xA90] =	vst v27;
	v49 =	vadd.f32 v56, v55;
	v55 =	vld [tilespmem:$0x3E0]  }
0x141: {  	[tilespmem:$0xBF0] =	vst v35;
	v63 =	vld [tilespmem:$0x1FFB0]  }
0x142: {  	[tilespmem:$0x930] =	vst v25;
	v25 =	vadd.f32 v60, v57;
	v60 =	vld [tilespmem:$0x1FFC0]  }
0x143: {  	[tilespmem:$0xAE0] =	vst v37;
	v37 =	vadd.f32 v15, v14;
	v57 =	vld [tilespmem:$0x360]  }
0x144: {  	[tilespmem:$0x940] =	vst v24;
	v24 =	vadd.f32 v62, v61;
	v61 =	vld [tilespmem:$0x1FFF0]  }
0x145: {  	[tilespmem:$0xC00] =	vst v37;
	v62 =	vadd.f32 v50, v59;
	v50 =	vld [tilespmem:$0x470]  }
0x146: {  	[tilespmem:$0xB20] =	vst v43;
	v59 =	vld [tilespmem:$0x490]  }
0x147: {  	[tilespmem:$0x950] =	vst v25;
	v25 =	vadd.f32 v60, v63;
	v60 =	vld [tilespmem:$0x1FFE0]  }
0x148: {  	[tilespmem:$0xB50] =	vst v49;
	v63 =	vadd.f32 v38, v47;
	v38 =	vld [tilespmem:$0x300]  }
0x149: {  	v47 =	vadd.f32 v30, v39;
	v30 =	vld [tilespmem:$0x480];
	[tilespmem:$0x960] =	vst v24  }
0x14a: {  	v39 =	vadd.f32 v42, v41;
	v41 =	vld [tilespmem:$0x420];
	[tilespmem:$0x9A0] =	vst v62  }
0x14b: {  	v42 =	vadd.f32 v46, v45;
	v46 =	vld [tilespmem:$0x3C0];
	[tilespmem:$0x970] =	vst v25  }
0x14c: {  	v45 =	vadd.f32 v52, v51;
	v51 =	vld [tilespmem:$0x3D0];
	[tilespmem:$0x9B0] =	vst v63  }
0x14d: {  	v24 =	vld [tilespmem:$0x1FFD0];
	[tilespmem:$0x9C0] =	vst v47  }
0x14e: {  	v62 =	vadd.f32 v6, v5;
	v5 =	vld [tilespmem:$0x340];
	[tilespmem:$0xAF0] =	vst v39  }
0x14f: {  	v6 =	vld [tilespmem:$0x4C0];
	[tilespmem:$0xB10] =	vst v42  }
0x150: {  	v63 =	vld [tilespmem:$0x4B0];
	v47 =	vadd.f32 v54, v53;
	[tilespmem:$0xB30] =	vst v45  }
0x151: {  	v53 =	vld [tilespmem:$0x450];
	v39 =	vadd.f32 v17, v16;
	[tilespmem:$0xA20] =	vst v62  }
0x152: {  	v42 =	vld [tilespmem:$0x4B0];
	v25 =	vadd.f32 v58, v61;
	[tilespmem:$0xB40] =	vst v47  }
0x153: {  	v58 =	vld [tilespmem:$0x370];
	v61 =	vadd.f32 v4, v3;
	[tilespmem:$0xC10] =	vst v39  }
0x154: {  	v3 =	vld [tilespmem:$0x330];
	v56 =	vadd.f32 v30, v38;
	[tilespmem:$0x990] =	vst v25  }
0x155: {  	v30 =	vld [tilespmem:$0x480];
	v41 =	vadd.f32 v41, v18;
	[tilespmem:$0xA10] =	vst v61  }
0x156: {  	v38 =	vld [tilespmem:$0x4A0];
	v45 =	vadd.f32 v48, v46;
	[tilespmem:$0xB80] =	vst v56  }
0x157: {  	v24 =	vadd.f32 v60, v24;
	v60 =	vld [tilespmem:$0x460];
	[tilespmem:$0xC20] =	vst v41  }
0x158: {  	v25 =	vld [tilespmem:$0x310];
	v47 =	vadd.f32 v53, v51;
	[tilespmem:$0xC40] =	vst v45  }
0x159: {  	v46 =	vld [tilespmem:$0x4C0];
	[tilespmem:$0x980] =	vst v24;
	v24 =	vadd.f32 v22, v21  }
0x15a: {  	v61 =	vld [tilespmem:$0x470];
	v54 =	vadd.f32 v50, v58;
	[tilespmem:$0xC50] =	vst v47  }
0x15b: {  	v21 =	vld [tilespmem:$0x3B0];
	v62 =	vadd.f32 v63, v3;
	[tilespmem:$0xA80] =	vst v24  }
0x15c: {  	v63 =	vld [tilespmem:$0x380];
	v52 =	vadd.f32 v60, v57;
	[tilespmem:$0xB70] =	vst v54  }
0x15d: {  	v57 =	vld [tilespmem:$0x460];
	v58 =	vadd.f32 v59, v25;
	[tilespmem:$0xBB0] =	vst v62  }
0x15e: {  	v59 =	vld [tilespmem:$0x3F0];
	v60 =	vadd.f32 v2, v7;
	[tilespmem:$0xB60] =	vst v52  }
0x15f: {  	v48 =	vld [tilespmem:$0x3D0];
	v25 =	vadd.f32 v6, v5;
	[tilespmem:$0xB90] =	vst v58  }
0x160: {  	v56 =	vld [tilespmem:$0x3F0];
	[tilespmem:$0xBA0] =	vst v60;
	v43 =	vadd.f32 v44, v21  }
0x161: {  	v50 =	vld [tilespmem:$0x4D0];
	[tilespmem:$0xBC0] =	vst v25;
	v53 =	vadd.f32 v30, v63  }
0x162: {  	v54 =	vld [tilespmem:$0x4E0];
	[tilespmem:$0xC30] =	vst v43;
	v49 =	vadd.f32 v57, v55  }
0x163: {  	v44 =	vld [tilespmem:$0x3C0];
	v51 =	vadd.f32 v61, v59;
	[tilespmem:$0xC80] =	vst v53  }
0x164: {  	v52 =	vld [tilespmem:$0x3E0];
	v55 =	vadd.f32 v34, v32;
	[tilespmem:$0xC60] =	vst v49  }
0x165: {  	v58 =	vld [tilespmem:$0x4F0];
	v57 =	vadd.f32 v38, v36;
	[tilespmem:$0xC70] =	vst v51  }
0x166: {  	v59 =	vadd.f32 v42, v40;
	[tilespmem:$0xC90] =	vst v55  }
0x167: {  	v61 =	vadd.f32 v50, v48;
	[tilespmem:$0xCA0] =	vst v57  }
0x168: {  	v60 =	vadd.f32 v46, v44;
	[tilespmem:$0xCB0] =	vst v59  }
0x169: {  	v62 =	vadd.f32 v54, v52;
	[tilespmem:$0xCD0] =	vst v61  }
0x16a: {  	v63 =	vadd.f32 v58, v56;
	[tilespmem:$0xCC0] =	vst v60  }
0x16b: {  	p0 =	sne.s32 s6, $0x1;
	[tilespmem:$0xCE0] =	vst v62  }
.Ltmp0:
0x16c: {  	[tilespmem:$0xCF0] =	vst v63;
	(pc) =	sbr.rel @p0 .LBB2_1-.Ltmp0, $4  }
0x16d: {  	[hbm4b:s5+s3] =	stream.linear.scatter [tilespmem:s9], [sflag:$0x1], $0x800, $0x38;
	[tilespmem:$0xD00] =	vst v63  }
0x16e: {  	_ =	swait.ge [sflag:s7], $0x800  }
0x16f: {  	[sflag:s7] =	ssyncset.done $0x0  }
0x170: {  	s6 =	sadd.s32 $0xFFFFFFFF, s6;
	[sflag:s7] =	ssyncadd.s32 $0xFFFFF800  }
0x171: {  	_ =	sfence.sel $0x180000  }
0x172: {  	[bflag:$0x0] =	sbarrier.arrive $0xFFFF  }
0x173: {  	p0 =	sne.s32 s0, $0x0;
	_ =	strace $0x90000047  }
0x174: {  	s0 =	sadd.s32 @!p0 $0x100000, s1;
	[bflag:$0x2] =	sbarrier.arrive $0xFFFF  }
0x175: {  	[sflag:s0] =	ssyncadd.tile.s32 @!p0 $0x1;
	_ =	shalt  }
.Lfunc_end2:
_tile_overlayer_lowered:
.L_overlay_start_2:
0x176: {  	(tag) =	ssettag $0x2  }
0x177: {  	s0 =	rddreg [dreg:$0x0];
	s2 =	stileid.u32  }
0x178: {  	s1 =	rddreg [dreg:$0x1];
	p0 =	sne.s32 s2, $0x0  }
0x179: {  	s3 =	rddreg [dreg:$0x2];
	[bflag:$0x3] =	sbarrier.arrive $0xFFFF;
	s2 =	simm.s32 @!p0 $0x1C01  }
0x17a: {  	[timem:s3], [sflag:s2] =	dma.local @!p0 [hbm:s0], s1  }
0x17b: {  	s0 =	simm.s32 @!p0 $0x1  }
0x17c: {  	_ =	swait.ge @!p0 [sflag:s0], s1  }
0x17d: {  	s1 =	ssub.s32 @!p0 $0x0, s1;
	[sflag:s0] =	ssyncset.done @!p0 $0x0  }
0x17e: {  	[sflag:s0] =	ssyncadd.s32 @!p0 s1  }
0x17f: {  	[bflag:$0x3] =	sbarrier.arrive $0xFFFF  }
0x180: {  	_ =	shalt  }

// kernel: kernel.7.cloned.1.call-start
scs
__scs_entry_jumppad:
0x0: {  	(pc) =	sbr.rel $0x88, $3  }
0x1: {  	(tag) =	ssettag $0x0;
	lr =	simm.s32 $0x1  }
0x2: {  	[smem:$0x3F9C] =	sst lr;
	_ =	strace $0xD0000000  }
0x3: {  	_ = 	snop  }
0x4: {  	_ = 	snop  }
0x5: {  	_ = 	snop  }
0x6: {  	_ = 	snop  }
0x7: {  	_ = 	snop  }
__scs_overlays_trampoline_lowered:
0x8: {  	[smem:$0x3FAB] =	sst s0  }
0x9: {  	[smem:$0x3FAC] =	sst s1  }
0xa: {  	[smem:$0x3FAD] =	sst s2  }
0xb: {  	[smem:$0x3FAE] =	sst s3  }
0xc: {  	[smem:$0x3FAF] =	sst s4  }
0xd: {  	[smem:$0x3FB0] =	sst s5  }
0xe: {  	[smem:$0x3FB1] =	sst s6  }
0xf: {  	[smem:$0x3FB2] =	sst s7  }
0x10: {  	[smem:$0x3FB3] =	sst s8  }
0x11: {  	[smem:$0x3FB4] =	sst s9;
	s0 =	simm.s32 @!p0 $0x0  }
0x12: {  	s1 =	sld [smem:$0x3F9A];
	s0 =	simm.s32 @p0 $0x1  }
0x13: {  	[smem:$0x3FB5] =	sst s0;
	s0 =	simm.s32 @!p1 $0x0  }
0x14: {  	s2 =	sld [smem:$0x3F99];
	s0 =	simm.s32 @p1 $0x1  }
0x15: {  	[smem:$0x3FB6] =	sst s0;
	s0 =	simm.s32 @!p2 $0x0  }
0x16: {  	s3 =	sld [smem:$0x3FDB];
	s0 =	simm.s32 @p2 $0x1  }
0x17: {  	s4 =	simm.s32 $0x1BF5;
	[smem:$0x3FB8] =	sst s0  }
0x18: {  	s0 =	sld [smem:$0x3F9B];
	_ =	swait.ge [sflag:s4], $0x0  }
0x19: {  	s7 =	sld [smem:$0x3F9C]  }
0x1a: {  	s8 =	sadd.s32 $0xFFFFE003, lr  }
0x1b: {  	s9 =	sadd.s32 $0xFFFFFEF7, lr;
	s5 =	simm.s32 $0xFFFFFFFF;
	p2 =	slt.u32 s8, $0xFFFFF086  }
0x1c: {  	p1 =	slt.u32 s9, $0xF7A;
	s5 =	simm.s32 @!p2 $0x0  }
0x1d: {  	s5 =	simm.s32 @p1 $0x1;
	p0 =	seq.s32 s7, s2  }
0x1e: {  	s7 =	smul.u32 @!p0 $0xF7A, s2;
	p2 =	seq.s32 @!p0 s5, $0x0  }
0x1f: {  	s9 =	smul.u32 $0xF7A, s1;
	s8 =	simm.s32 @!p0 $0x1BF5;
	p2 =	por !p2, p0  }
0x20: {  	[sflag:s8] =	ssyncset.s32 @!p0 $0xFFFFF086;
	s6 =	sadd.s32 @!p0 s3, s7;
	s7 =	simm.s32 @!p0 $0x108  }
0x21: {  	s3 =	sadd.s32 s3, s9;
	s6 =	sadd.s32 @!p0 $0x88, s6;
	s7 =	simm.s32 @p2 $0x1082  }
0x22: {  	[simem:s7], [sflag:s8] =	dma.local @!p0 [hbm:s6], $0xF7A  }
0x23: {  	s9 =	sor.u32 $0xD0000000, s2;
	s6 =	simm.s32 $0x108;
	_ =	swait.ge @!p0 [sflag:s8], $0x0  }
0x24: {  	s3 =	sadd.s32 $0x88, s3;
	s6 =	simm.s32 @!p1 $0x1082;
	[sflag:s4] =	ssyncset.s32 $0xFFFFF086  }
0x25: {  	[simem:s6], [sflag:s4] =	dma.local [hbm:s3], $0xF7A  }
0x26: {  	[smem:$0x3F9C] =	sst s1;
	(tag) =	ssettag s2;
	_ =	strace s9  }
0x27: {  	s1 =	sld [smem:$0x3FAC]  }
0x28: {  	s2 =	sld [smem:$0x3FAD]  }
0x29: {  	s4 =	sld [smem:$0x3FAF]  }
0x2a: {  	p0 =	seq.s32 s5, $0x0;
	s5 =	sld [smem:$0x3FB0]  }
0x2b: {  	s6 =	sld [smem:$0x3FB1]  }
0x2c: {  	s7 =	sld [smem:$0x3FB2]  }
0x2d: {  	s3 =	simm.s32 $0x108;
	s8 =	sld [smem:$0x3FB3]  }
0x2e: {  	s3 =	simm.s32 @!p0 $0x1082;
	s9 =	sld [smem:$0x3FB4]  }
0x2f: {  	lr =	sadd.s32 s0, s3;
	s0 =	sld [smem:$0x3FAB]  }
0x30: {  	s3 =	sld [smem:$0x3FAE]  }
0x31: {  	[smem:$0x3FB7] =	sst s10  }
0x32: {  	s10 =	sld [smem:$0x3FB5];
	_ =	sdelay $0x3  }
0x33: {  	p0 =	seq.s32 s10, $0x1;
	s10 =	sld [smem:$0x3FB7];
	_ =	sdelay $0x3  }
0x34: {  	[smem:$0x3FB7] =	sst s10  }
0x35: {  	s10 =	sld [smem:$0x3FB6];
	_ =	sdelay $0x3  }
0x36: {  	p1 =	seq.s32 s10, $0x1;
	s10 =	sld [smem:$0x3FB7];
	_ =	sdelay $0x3  }
0x37: {  	[smem:$0x3FB7] =	sst s10  }
0x38: {  	s10 =	sld [smem:$0x3FB8]  }
0x39: {  	_ = 	snop;
	(pc) =	sbr.ind lr, $3  }
0x3a: {  	_ = 	snop  }
0x3b: {  	_ = 	snop  }
0x3c: {  	p2 =	seq.s32 s10, $0x1;
	s10 =	sld [smem:$0x3FB7]  }
0x3d: {  	_ =	shalt  }
0x3e: {  	_ =	shalt  }
0x3f: {  	_ =	shalt  }
0x40: {  	_ =	shalt  }
0x41: {  	_ =	shalt  }
0x42: {  	_ =	shalt  }
0x43: {  	_ =	shalt  }
0x44: {  	_ =	shalt  }
0x45: {  	_ =	shalt  }
0x46: {  	_ =	shalt  }
0x47: {  	_ =	shalt  }
0x48: {  	_ =	shalt  }
0x49: {  	_ =	shalt  }
0x4a: {  	_ =	shalt  }
0x4b: {  	_ =	shalt  }
0x4c: {  	_ =	shalt  }
0x4d: {  	_ =	shalt  }
0x4e: {  	_ =	shalt  }
0x4f: {  	_ =	shalt  }
0x50: {  	_ =	shalt  }
0x51: {  	_ =	shalt  }
0x52: {  	_ =	shalt  }
0x53: {  	_ =	shalt  }
0x54: {  	_ =	shalt  }
0x55: {  	_ =	shalt  }
0x56: {  	_ =	shalt  }
0x57: {  	_ =	shalt  }
0x58: {  	_ =	shalt  }
0x59: {  	_ =	shalt  }
0x5a: {  	_ =	shalt  }
0x5b: {  	_ =	shalt  }
0x5c: {  	_ =	shalt  }
0x5d: {  	_ =	shalt  }
0x5e: {  	_ =	shalt  }
0x5f: {  	_ =	shalt  }
0x60: {  	_ =	shalt  }
0x61: {  	_ =	shalt  }
0x62: {  	_ =	shalt  }
0x63: {  	_ =	shalt  }
0x64: {  	_ =	shalt  }
0x65: {  	_ =	shalt  }
0x66: {  	_ =	shalt  }
0x67: {  	_ =	shalt  }
0x68: {  	_ =	shalt  }
0x69: {  	_ =	shalt  }
0x6a: {  	_ =	shalt  }
0x6b: {  	_ =	shalt  }
0x6c: {  	_ =	shalt  }
0x6d: {  	_ =	shalt  }
0x6e: {  	_ =	shalt  }
0x6f: {  	_ =	shalt  }
0x70: {  	_ =	shalt  }
0x71: {  	_ =	shalt  }
0x72: {  	_ =	shalt  }
0x73: {  	_ =	shalt  }
0x74: {  	_ =	shalt  }
0x75: {  	_ =	shalt  }
0x76: {  	_ =	shalt  }
0x77: {  	_ =	shalt  }
0x78: {  	_ =	shalt  }
0x79: {  	_ =	shalt  }
0x7a: {  	_ =	shalt  }
0x7b: {  	_ =	shalt  }
0x7c: {  	_ =	shalt  }
0x7d: {  	_ =	shalt  }
0x7e: {  	_ =	shalt  }
0x7f: {  	_ =	shalt  }
0x80: {  	_ =	shalt  }
0x81: {  	_ =	shalt  }
0x82: {  	_ =	shalt  }
0x83: {  	_ =	shalt  }
0x84: {  	_ =	shalt  }
0x85: {  	_ =	shalt  }
0x86: {  	_ =	shalt  }
0x87: {  	_ =	shalt  }
.Lfunc_end0:
.L_simem_size_0:
called_computation.1_lowered:
.L_overlay_start_0:
0x88: {  	s2 =	sld [smem:$0x3FD9]  }
0x89: {  	s3 =	sld [smem:$0x3FFE];
	_ =	sdelay $0x1  }
0x8a: {  	s1 =	srdreg.scid  }
0x8b: {  	s0 =	sand.u32 $0x1, s1  }
0x8c: {  	s17 =	sshll.u32 s0, $0xA;
	s2 =	sadd.s32 s3, s2  }
0x8d: {  	s2 =	sadd.s32 s2, s17  }
0x8e: {  	[smem:$0x3FC3] =	sst s2  }
0x8f: {  	_ = 	snop  }
0x90: {  	s2 =	sld [smem:$0x3FC7]  }
0x91: {  	s18 =	sld [smem:$0x3FD0];
	(tm) =	ssettm $0x1  }
0x92: {  	s4 =	sld [smem:$0x3FFB];
	_ =	sdelay $0x3  }
0x93: {  	_ =	strace s4  }
0x94: {  	s4 =	sld [smem:$0x3FFC];
	_ =	sdelay $0x3  }
0x95: {  	_ =	strace s4  }
0x96: {  	s4 =	sld [smem:$0x3FFD];
	_ =	sdelay $0x3  }
0x97: {  	_ =	strace s4  }
0x98: {  	_ =	strace $0x8FFFFFFF  }
0x99: {  	s19 =	sld [smem:$0x3FDB];
	_ =	sdelay $0x1  }
0x9a: {  	s5 =	simm.s32 $_scs_section_size  }
0x9b: {  	s6 =	simm.s32 $_size__tile_overlayer_lowered;
	s7 =	simm.s32 $_tile_overlayer_lowered  }
0x9c: {  	s22 =	simm.s32 $0x1BFF;
	s21 =	sshll.u32 s7, $0x1;
	s4 =	sadd.s32 s5, s19  }
0x9d: {  	s8 =	simm.s32 $0x0;
	s20 =	sshll.u32 s6, $0x1;
	s6 =	sadd.s32 s21, s4  }
0x9e: {  	[timem:s8], [sflag:s22] =	dma.local [hbm:s6], s20  }
0x9f: {  	_ =	swait.ge [sflag:s22], s20  }
0xa0: {  	s5 =	ssub.s32 $0x0, s20;
	[sflag:s22] =	ssyncset.done $0x0  }
0xa1: {  	[sflag:s22] =	ssyncadd.s32 s5;
	_ =	sdelay $0x1  }
0xa2: {  	s23 =	simm.s32 $0x1B8B  }
0xa3: {  	_ =	swait.ge [sflag:s23], $0x1  }
0xa4: {  	[sflag:s23] =	ssyncset.done $0x0  }
0xa5: {  	s25 =	simm.s32 $0x1B8E;
	s24 =	sld [smem:$0x3FFE];
	[sflag:s23] =	ssyncadd.s32 $0xFFFFFFFF  }
0xa6: {  	s26 =	simm.s32 $execute0_lowered;
	[smem:$0x3FD2] =	sst s25  }
0xa7: {  	s6 =	sshll.u32 s26, $0x1;
	_ =	strace $0x80000049;
	[dreg:$0x1] =	wrdreg $0xFFFFFFFF  }
0xa8: {  	s28 =	simm.s32 $_size_execute0_lowered;
	s4 =	sadd.s32 s4, s6;
	[dreg:$0x0] =	wrdreg $0x0  }
0xa9: {  	s6 =	sshll.u32 s28, $0x1;
	[dreg:$0x2] =	wrdreg s4  }
0xaa: {  	[dreg:$0x3] =	wrdreg s6  }
0xab: {  	[dreg:$0x4] =	wrdreg $0xC0  }
0xac: {  	_ =	task [dreg:s8], $0x5FFFF  }
0xad: {  	[dreg:$0x1] =	wrdreg $0xFFFFFFFF  }
0xae: {  	[dreg:$0x0] =	wrdreg $0x60  }
0xaf: {  	[dreg:$0x2] =	wrdreg s24  }
0xb0: {  	[dreg:$0x3] =	wrdreg s2  }
0xb1: {  	[dreg:$0x4] =	wrdreg s18  }
0xb2: {  	[dreg:$0x5] =	wrdreg $0x9  }
0xb3: {  	_ =	task.clear_ibuf [dreg:s8], $0x6FFFF;
	_ =	strace $0x90000049  }
0xb4: {  	s29 =	simm.s32 $0x9;
	_ =	strace $0x8000004B  }
0xb5: {  	_ =	swait.ge [sflag:s29], $0x1  }
0xb6: {  	[sflag:s29] =	ssyncadd.s32 $0xFFFFFFFF  }
0xb7: {  	_ =	strace $0x9000004B  }
0xb8: {  	_ =	sfence  }
0xb9: {  	s30 =	sld [smem:$0x0];
	_ =	sdelay $0x2  }
0xba: {  	s31 =	sshll.u32 s1, $0xD;
	s1 =	sshrl.u32 s1, $0x2  }
0xbb: {  	s3 =	sand.u32 $0x4000, s31;
	s1 =	sadd.s32 s1, s30  }
0xbc: {  	s0 =	sor.u32 s3, s0;
	s1 =	sshll.u32 s1, $0x11  }
0xbd: {  	s0 =	sor.u32 s1, s0  }
0xbe: {  	s0 =	sadd.s32 $0x8F2B, s0  }
0xbf: {  	[sflag:s0] =	ssyncadd.remote.s32 $0x1  }
0xc0: {  	_ =	sfence.sel $0xFFFF  }
0xc1: {  	[dreg:$0x0] =	wrdreg $0xFFFFFFFF;
	(pc) =	sbr.abs _section_cstart, $3  }
0xc2: {  	[dreg:$0x1] =	wrdreg $0xFFFFFFFF  }
0xc3: {  	_ =	task.clear_ibuf [dreg:s8], $0x2FFFF;
	_ =	strace $0x9FFFFFFF  }
0xc4: {  	(tm) =	ssettm $0x7FFFFFFF  }
0xc5: {  	_ =	shalt  }
tec
execute0_lowered:
.L_overlay_start_1:
0x0: {  	(tag) =	ssettag $0x1  }
0x1: {  	s7 =	rddreg [dreg:$0x0]  }
0x2: {  	s1 =	rddreg [dreg:$0x1]  }
0x3: {  	s2 =	rddreg [dreg:$0x2]  }
0x4: {  	s0 =	rddreg [dreg:$0x3];
	s4 =	simm.s32 $0x0  }
0x5: {  	s5 =	srdreg.scid;
	s3 =	stileid.u32;
	s12 =	simm.s32 $0x180  }
0x6: {  	s13 =	simm.s32 $0x100;
	s14 =	simm.s32 $0x4180;
	s15 =	simm.s32 $0x1  }
0x7: {  	s16 =	simm.s32 $0x2;
	s17 =	simm.s32 $0x0;
	s22 =	simm.s32 $0x0  }
0x8: {  	[smem:$0x7FF] =	sst s4;
	s8 =	sand.u32 $0x1, s5;
	s5 =	sadd.s32 $0x2400, s7  }
0x9: {  	s10 =	sshll.u32 s3, $0x1;
	s6 =	sadd.s32 $0x1B400, s7;
	s9 =	ssub.s32 $0x2, s8  }
0xa: {  	s7 =	sadd.s32 $0xA00, s7;
	_ =	strace $0x8000004A;
	s11 =	sshrl.u32 s9, $0x1  }
0xb: {  	s8 =	sor.u32 s8, s10;
	s10 =	simm.s32 $0x3;
	s9 =	ssub.s32 s9, s11  }
0xc: {  	v0 =	vlaneseq.u32;
	s8 =	smul.u32 $0x6400, s8;
	s11 =	simm.s32 $0x80;
	s9 =	smax.u32 s9, $0x1  }
.LBB2_1:
0xd: {  	s18 =	simm.s32 $0x0  }
.LBB2_2:
0xe: {  	s19 =	sshll.u32 s18, $0x7  }
0xf: {  	s19 =	sadd.s32 s8, s19  }
0x10: {  	s20 =	sshrl.u32 s19, $0x3  }
0x11: {  	s21 =	sadd.s32 s5, s20  }
0x12: {  	[tilespmem:s22], [sflag:$0x3] =	stream.linear.gather [hbm4b:s21+s22], $0x80, $0x38;
	[tilespmem:$0x8180] =	vst v63  }
0x13: {  	_ =	swait.ge [sflag:s10], $0x80  }
0x14: {  	v1 =	vor.u32 s19, v0;
	s24 =	sor.u32 $0x10, s19;
	s26 =	sor.u32 $0x30, s19;
	[sflag:s10] =	ssyncset.done $0x0  }
0x15: {  	s28 =	sor.u32 $0x40, s19;
	s20 =	sadd.s32 s6, s20;
	v2 =	vmulhi.u32 $0x51EB851F, v1;
	v3 =	vor.u32 s24, v0;
	[sflag:s10] =	ssyncadd.s32 $0xFFFFFF80  }
0x16: {  	v9 =	vor.u32 s26, v0;
	v5 =	vmulhi.u32 $0x51EB851F, v3;
	[tilespmem:s11], [sflag:$0x3] =	stream.linear.gather [hbm4b:s20+s22], $0x80, $0x38;
	[tilespmem:$0x8180] =	vst v63  }
0x17: {  	s29 =	sor.u32 $0x50, s19;
	v53 =	vor.u32 s28, v0;
	v10 =	vmulhi.u32 $0x51EB851F, v9;
	_ =	swait.ge [sflag:s10], $0x80  }
0x18: {  	s30 =	sor.u32 $0x60, s19;
	v55 =	vor.u32 s29, v0;
	v54 =	vmulhi.u32 $0x51EB851F, v53;
	[sflag:s10] =	ssyncset.done $0x0  }
0x19: {  	s25 =	sor.u32 $0x20, s19;
	s31 =	sor.u32 $0x70, s19;
	v57 =	vor.u32 s30, v0;
	v56 =	vmulhi.u32 $0x51EB851F, v55;
	v2 =	vshrl.u32 v2, $0x6;
	[sflag:s10] =	ssyncadd.s32 $0xFFFFFF80  }
0x1a: {  	v13 =	vor.u32 s31, v0;
	v12 =	vmulhi.u32 $0x51EB851F, v57;
	v2 =	vmul.u32 $0xC8, v2;
	[tilespmem:s12], [sflag:$0x1] =	stream.indirect.gather [hbm4b:s1+s11], $0x80, s22, s11, $0xb8;
	[tilespmem:$0x8180] =	vst v63  }
0x1b: {  	v6 =	vor.u32 s25, v0;
	v15 =	vmulhi.u32 $0x51EB851F, v13;
	v4 =	vld [tilespmem:$0x80]  }
0x1c: {  	v5 =	vshrl.u32 v5, $0x6;
	v1 =	vsub.s32 v1, v2;
	v2 =	vmulhi.u32 $0x51EB851F, v6;
	v7 =	vld [tilespmem:$0x90]  }
0x1d: {  	v51 =	vshrl.u32 v10, $0x6;
	v61 =	vshrl.u32 v15, $0x6;
	v5 =	vmul.u32 $0xC8, v5  }
0x1e: {  	v59 =	vshrl.u32 v12, $0x6;
	v63 =	vmul.u32 $0xC8, v61;
	v2 =	vshrl.u32 v2, $0x6  }
0x1f: {  	v1 =	vshll.u32 v1, $0x1;
	v3 =	vsub.s32 v3, v5;
	v2 =	vmul.u32 $0xC8, v2;
	v8 =	vld [tilespmem:$0xA0]  }
0x20: {  	v3 =	vshll.u32 v3, $0x1;
	v52 =	vld [tilespmem:$0xB0];
	v1 =	vadd.s32 v1, v4;
	v4 =	vmul.u32 $0xC8, v51  }
0x21: {  	v2 =	vsub.s32 v6, v2;
	v11 =	vld [tilespmem:$0xC0];
	v3 =	vadd.s32 v3, v7;
	v7 =	vshrl.u32 v54, $0x6  }
0x22: {  	v14 =	vld [tilespmem:$0xD0];
	v7 =	vmul.u32 $0xC8, v7;
	v4 =	vsub.s32 v9, v4;
	v9 =	vshrl.u32 v56, $0x6  }
0x23: {  	v5 =	vmul.u32 $0xC8, v59;
	v60 =	vld [tilespmem:$0xE0];
	v2 =	vshll.u32 v2, $0x1;
	[tilespmem:$0x100] =	vst v1;
	v58 =	vmul.u32 $0xC8, v9  }
0x24: {  	v62 =	vld [tilespmem:$0xF0];
	v2 =	vadd.s32 v2, v8;
	[tilespmem:$0x110] =	vst v3;
	v4 =	vshll.u32 v4, $0x1;
	v3 =	vsub.s32 v53, v7  }
0x25: {  	[tilespmem:$0x120] =	vst v2;
	v1 =	vadd.s32 v4, v52;
	v3 =	vshll.u32 v3, $0x1;
	v2 =	vsub.s32 v55, v58  }
0x26: {  	[tilespmem:$0x130] =	vst v1;
	v1 =	vadd.s32 v3, v11;
	v3 =	vsub.s32 v57, v5;
	v2 =	vshll.u32 v2, $0x1  }
0x27: {  	[tilespmem:$0x140] =	vst v1;
	v3 =	vshll.u32 v3, $0x1;
	v1 =	vadd.s32 v2, v14;
	v2 =	vsub.s32 v13, v63  }
0x28: {  	[tilespmem:$0x150] =	vst v1;
	v1 =	vadd.s32 v3, v60;
	v2 =	vshll.u32 v2, $0x1  }
0x29: {  	[tilespmem:$0x160] =	vst v1;
	v1 =	vadd.s32 v2, v62  }
0x2a: {  	[tilespmem:$0x170] =	vst v1  }
0x2b: {  	[tilespmem:s14], [sflag:$0x2] =	stream.indirect.gather [hbm4b:s7+s11], $0x80, s13, s11, $0xb8;
	[tilespmem:$0x8180] =	vst v63  }
0x2c: {  	_ =	swait.ge [sflag:s15], $0x4000  }
0x2d: {  	[sflag:s15] =	ssyncset.done $0x0  }
0x2e: {  	[sflag:s15] =	ssyncadd.s32 $0xFFFFC000  }
0x2f: {  	_ =	swait.ge [sflag:s16], $0x4000  }
0x30: {  	[sflag:s16] =	ssyncset.done $0x0  }
0x31: {  	s21 =	simm.s32 $0x200;
	s20 =	simm.s32 $0x0;
	[sflag:s16] =	ssyncadd.s32 $0xFFFFC000  }
.LBB2_3:
0x32: {  	p0 =	sne.s32 s21, $0xFE00;
	v1 =	vld [tilespmem:s20+$0x41F0]  }
0x33: {  	v2 =	vld [tilespmem:s20+$0x4180]  }
0x34: {  	v3 =	vld [tilespmem:s20+$0x4190]  }
0x35: {  	v4 =	vld [tilespmem:s20+$0x41A0]  }
0x36: {  	v5 =	vld [tilespmem:s20+$0x41B0]  }
0x37: {  	[tilespmem:s20+$0x1F0] =	vst.add.f32.msk $0xffff, v1  }
0x38: {  	v1 =	vld [tilespmem:s20+$0x41C0]  }
0x39: {  	v6 =	vld [tilespmem:s20+$0x41D0]  }
0x3a: {  	v7 =	vld [tilespmem:s20+$0x41E0]  }
0x3b: {  	[tilespmem:s20+$0x180] =	vst.add.f32.msk $0xffff, v2  }
0x3c: {  	[tilespmem:s20+$0x190] =	vst.add.f32.msk $0xffff, v3  }
.Ltmp0:
0x3d: {  	[tilespmem:s20+$0x1A0] =	vst.add.f32.msk $0xffff, v4;
	(pc) =	sbr.rel @p0 .LBB2_3-.Ltmp0, $4  }
0x3e: {  	[tilespmem:s20+$0x1B0] =	vst.add.f32.msk $0xffff, v5  }
0x3f: {  	[tilespmem:s20+$0x1C0] =	vst.add.f32.msk $0xffff, v1  }
0x40: {  	[tilespmem:s20+$0x1D0] =	vst.add.f32.msk $0xffff, v6  }
0x41: {  	[tilespmem:s20+$0x1E0] =	vst.add.f32.msk $0xffff, v7;
	s20 =	sshra.s32 s21, $0x2;
	s21 =	sadd.s32 $0x200, s21  }
0x42: {  	v1 =	vld [tilespmem:s20+$0x41F0]  }
0x43: {  	v2 =	vld [tilespmem:s20+$0x4180]  }
0x44: {  	v3 =	vld [tilespmem:s20+$0x4190]  }
0x45: {  	v4 =	vld [tilespmem:s20+$0x41A0]  }
0x46: {  	v5 =	vld [tilespmem:s20+$0x41B0]  }
0x47: {  	v6 =	vld [tilespmem:s20+$0x41D0]  }
0x48: {  	v7 =	vld [tilespmem:s20+$0x41E0]  }
0x49: {  	[tilespmem:s20+$0x1F0] =	vst.add.f32.msk $0xffff, v1  }
0x4a: {  	v1 =	vld [tilespmem:s20+$0x41C0]  }
0x4b: {  	[tilespmem:s20+$0x180] =	vst.add.f32.msk $0xffff, v2  }
0x4c: {  	[tilespmem:s20+$0x190] =	vst.add.f32.msk $0xffff, v3  }
0x4d: {  	[tilespmem:s20+$0x1A0] =	vst.add.f32.msk $0xffff, v4  }
0x4e: {  	[tilespmem:s20+$0x1B0] =	vst.add.f32.msk $0xffff, v5  }
0x4f: {  	s18 =	sadd.s32 $0x1, s18;
	[tilespmem:s20+$0x1D0] =	vst.add.f32.msk $0xffff, v6  }
0x50: {  	s19 =	sshll.u32 s19, $0x4;
	p0 =	sne.s32 s18, $0xC8;
	[tilespmem:s20+$0x1E0] =	vst.add.f32.msk $0xffff, v7  }
.Ltmp1:
0x51: {  	s19 =	sadd.s32 s2, s19;
	[tilespmem:s20+$0x1C0] =	vst.add.f32.msk $0xffff, v1;
	(pc) =	sbr.rel @p0 .LBB2_2-.Ltmp1, $4  }
0x52: {  	[hbm4b:s19+s4] =	stream.linear.scatter [tilespmem:s12], [sflag:$0x3], $0x4000, $0x38;
	[tilespmem:$0x8180] =	vst v63  }
0x53: {  	_ =	swait.ge [sflag:s10], $0x4000  }
0x54: {  	[sflag:s10] =	ssyncset.done $0x0  }
0x55: {  	[sflag:s10] =	ssyncadd.s32 $0xFFFFC000  }
0x56: {  	s17 =	sadd.s32 $0x1, s17  }
0x57: {  	p0 =	sne.s32 s17, s9  }
.Ltmp2:
0x58: {  	_ = 	snop;
	(pc) =	sbr.rel @p0 .LBB2_1-.Ltmp2, $1  }
0x59: {  	_ =	sdelay $0x3  }
0x5a: {  	_ =	sfence.sel $0x180000  }
0x5b: {  	[bflag:$0x0] =	sbarrier.arrive $0xFFFF  }
0x5c: {  	p0 =	sne.s32 s3, $0x0;
	_ =	strace $0x9000004A  }
0x5d: {  	s0 =	sadd.s32 @!p0 $0x100000, s0;
	[bflag:$0x2] =	sbarrier.arrive $0xFFFF  }
0x5e: {  	[sflag:s0] =	ssyncadd.tile.s32 @!p0 $0x1;
	_ =	shalt  }
.Lfunc_end2:
_tile_overlayer_lowered:
.L_overlay_start_2:
0x5f: {  	(tag) =	ssettag $0x2  }
0x60: {  	s0 =	rddreg [dreg:$0x0];
	s2 =	stileid.u32  }
0x61: {  	s1 =	rddreg [dreg:$0x1];
	p0 =	sne.s32 s2, $0x0  }
0x62: {  	s3 =	rddreg [dreg:$0x2];
	[bflag:$0x3] =	sbarrier.arrive $0xFFFF;
	s2 =	simm.s32 @!p0 $0x1C03  }
0x63: {  	[timem:s3], [sflag:s2] =	dma.local @!p0 [hbm:s0], s1  }
0x64: {  	s0 =	simm.s32 @!p0 $0x3  }
0x65: {  	_ =	swait.ge @!p0 [sflag:s0], s1  }
0x66: {  	s1 =	ssub.s32 @!p0 $0x0, s1;
	[sflag:s0] =	ssyncset.done @!p0 $0x0  }
0x67: {  	[sflag:s0] =	ssyncadd.s32 @!p0 s1  }
0x68: {  	[bflag:$0x3] =	sbarrier.arrive $0xFFFF  }
0x69: {  	_ =	shalt  }

</sc_bundles>
